<compile_context>
chip_gen: v7x
topology: tpu7x:2x2x1
jax: 0.10.2.dev20260603
libtpu: 0.0.44.dev20260713+nightly
codegen_flags: <defaults>
</compile_context>

<pallas_src>
import functools

import jax
import jax.numpy as jnp
from jax import lax
from jax.experimental import pallas as pl
from jax.experimental.pallas import tpu as pltpu
from jax.experimental.pallas import tpu_sc as plsc

_E = 16
_K = 2
_D = 1024
_FF = 768
_N = 4096
_BLK = 256
_NB = 48
_NSLOT = _NB * _BLK
_NBPAD = 64

_NW = 32
_TPW = _N // _NW
_CH1 = 64
_CH2 = 32



def _router_body(x_ref, w_ref, d1_ref, d2_ref, r1_ref, r2_ref, meta_ref):
    x = x_ref[...]
    w = w_ref[...]
    logits = lax.dot_general(x, w, (((1,), (1,)), ((), ())),
                             preferred_element_type=jnp.float32)
    lane = lax.broadcasted_iota(jnp.int32, (_N, _E), 1)
    m1 = jnp.max(logits, axis=1, keepdims=True)
    a1 = jnp.min(jnp.where(logits == m1, lane, _E), axis=1, keepdims=True)
    masked = jnp.where(lane == a1, jnp.finfo(jnp.float32).min, logits)
    m2 = jnp.max(masked, axis=1, keepdims=True)
    a2 = jnp.min(jnp.where(masked == m2, lane, _E), axis=1, keepdims=True)
    e2 = jnp.exp(m2 - m1)
    w1 = 1.0 / (1.0 + e2)
    w2 = e2 / (1.0 + e2)

    oh1 = lane == a1
    oh2 = lane == a2
    cnt = oh1.astype(jnp.int32) + oh2.astype(jnp.int32)
    cs = cnt
    k = 1
    while k < _N:
        cs = cs + jnp.concatenate(
            [jnp.zeros((k, _E), jnp.int32), cs[:-k, :]], axis=0)
        k *= 2
    excl = cs - cnt
    count = cs[_N - 1:_N, :]
    nblk = (count + (_BLK - 1)) // _BLK
    bs = nblk
    k = 1
    while k < _E:
        bs = bs + jnp.concatenate(
            [jnp.zeros((1, k), jnp.int32), bs[:, :-k]], axis=1)
        k *= 2
    bstart = bs - nblk
    pstart = bstart * _BLK

    d1 = jnp.sum(jnp.where(oh1, pstart + excl, 0), axis=1)
    d2 = jnp.sum(jnp.where(oh2, pstart + excl, 0), axis=1)
    d1_ref[...] = d1.reshape(_N // 128, 128)
    d2_ref[...] = d2.reshape(_N // 128, 128)
    r1_ref[...] = jnp.broadcast_to(w1, (_N, 128))
    r2_ref[...] = jnp.broadcast_to(w2, (_N, 128))

    bi = lax.broadcasted_iota(jnp.int32, (_NBPAD, _E), 0)
    lane_b = lax.broadcasted_iota(jnp.int32, (_NBPAD, _E), 1)
    act_mask = (bi >= bstart) & (bi < bstart + nblk)
    be = jnp.sum(jnp.where(act_mask, lane_b, 0), axis=1)
    active = jnp.sum(act_mask.astype(jnp.int32), axis=1)
    lane_r = lax.broadcasted_iota(jnp.int32, (1, _E), 1)
    lastexp = jnp.max(jnp.where(nblk > 0, lane_r, 0))
    be = jnp.where(active > 0, be, lastexp)
    meta_ref[...] = jnp.concatenate(
        [be.reshape(1, _NBPAD), active.reshape(1, _NBPAD)], axis=0)


def _router(x, router_w):
    return pl.pallas_call(
        _router_body,
        out_shape=[
            jax.ShapeDtypeStruct((_N // 128, 128), jnp.int32),
            jax.ShapeDtypeStruct((_N // 128, 128), jnp.int32),
            jax.ShapeDtypeStruct((_N, 128), jnp.float32),
            jax.ShapeDtypeStruct((_N, 128), jnp.float32),
            jax.ShapeDtypeStruct((2, _NBPAD), jnp.int32),
        ],
    )(x, router_w)



def _dispatch_body(x_hbm, d1_hbm, d2_hbm, r1_hbm, r2_hbm,
                   out_hbm, w_hbm, idx_v, xbuf, rbuf1, rbuf2, sem):
    wid = lax.axis_index("s") * 2 + lax.axis_index("c")
    base = wid * _TPW
    for c in range(_TPW // _CH1):
        off = base + c * _CH1
        pltpu.sync_copy(d1_hbm.at[pl.ds(off, _CH1)], idx_v.at[0])
        pltpu.sync_copy(d2_hbm.at[pl.ds(off, _CH1)], idx_v.at[1])
        pltpu.sync_copy(x_hbm.at[pl.ds(off, _CH1)], xbuf)
        pltpu.sync_copy(r1_hbm.at[pl.ds(off, _CH1)], rbuf1)
        pltpu.sync_copy(r2_hbm.at[pl.ds(off, _CH1)], rbuf2)
        cp1 = pltpu.async_copy(xbuf, out_hbm.at[idx_v.at[0]], sem)
        cp2 = pltpu.async_copy(xbuf, out_hbm.at[idx_v.at[1]], sem)
        cp3 = pltpu.async_copy(rbuf1, w_hbm.at[idx_v.at[0]], sem)
        cp4 = pltpu.async_copy(rbuf2, w_hbm.at[idx_v.at[1]], sem)
        cp1.wait()
        cp2.wait()
        cp3.wait()
        cp4.wait()


def _dispatch(x, d1, d2, r1, r2):
    f = pl.kernel(
        _dispatch_body,
        out_type=[
            jax.ShapeDtypeStruct((_NSLOT, _D // 2), jnp.int32),
            jax.ShapeDtypeStruct((_NSLOT, 128), jnp.float32),
        ],
        mesh=plsc.VectorSubcoreMesh(core_axis_name="c", subcore_axis_name="s"),
        scratch_types=[
            pltpu.VMEM((2, _CH1), jnp.int32),
            pltpu.VMEM((_CH1, _D // 2), jnp.int32),
            pltpu.VMEM((_CH1, 128), jnp.float32),
            pltpu.VMEM((_CH1, 128), jnp.float32),
            pltpu.SemaphoreType.DMA,
        ],
    )
    return f(x, d1, d2, r1, r2)



def _ffn_body(be_ref, act_ref, xs_ref, ws_ref, wg_ref, wu_ref, wd_ref, y_ref):
    i = pl.program_id(0)

    @pl.when(act_ref[i] > 0)
    def _():
        xb = xs_ref[...]
        g = lax.dot_general(xb, wg_ref[0], (((1,), (1,)), ((), ())),
                            preferred_element_type=jnp.float32)
        u = lax.dot_general(xb, wu_ref[0], (((1,), (1,)), ((), ())),
                            preferred_element_type=jnp.float32)
        h = (g * jax.nn.sigmoid(g)) * u
        y = lax.dot_general(h.astype(jnp.bfloat16), wd_ref[0],
                            (((1,), (1,)), ((), ())),
                            preferred_element_type=jnp.float32)
        y_ref[...] = y * ws_ref[...][:, 0:1]


def _ffn(be, act, xs, wslot, w_gate, w_up, w_down):
    grid_spec = pltpu.PrefetchScalarGridSpec(
        num_scalar_prefetch=2,
        grid=(_NB,),
        in_specs=[
            pl.BlockSpec((_BLK, _D), lambda i, be, act: (i, 0)),
            pl.BlockSpec((_BLK, 128), lambda i, be, act: (i, 0)),
            pl.BlockSpec((1, _FF, _D), lambda i, be, act: (be[i], 0, 0)),
            pl.BlockSpec((1, _FF, _D), lambda i, be, act: (be[i], 0, 0)),
            pl.BlockSpec((1, _D, _FF), lambda i, be, act: (be[i], 0, 0)),
        ],
        out_specs=pl.BlockSpec((_BLK, _D), lambda i, be, act: (i, 0)),
    )
    return pl.pallas_call(
        _ffn_body,
        grid_spec=grid_spec,
        out_shape=jax.ShapeDtypeStruct((_NSLOT, _D), jnp.float32),
    )(be, act, xs, wslot, w_gate, w_up, w_down)



def _combine_body(y_hbm, d1_hbm, d2_hbm, ya_hbm, yb_hbm, idx_v, yb1, yb2, sem):
    wid = lax.axis_index("s") * 2 + lax.axis_index("c")
    base = wid * _TPW
    for c in range(_TPW // _CH2):
        off = base + c * _CH2
        pltpu.sync_copy(d1_hbm.at[pl.ds(off, _CH2)], idx_v.at[0])
        pltpu.sync_copy(d2_hbm.at[pl.ds(off, _CH2)], idx_v.at[1])
        cp1 = pltpu.async_copy(y_hbm.at[idx_v.at[0]], yb1, sem)
        cp2 = pltpu.async_copy(y_hbm.at[idx_v.at[1]], yb2, sem)
        cp1.wait()
        cp2.wait()
        cp3 = pltpu.async_copy(yb1, ya_hbm.at[pl.ds(off, _CH2)], sem)
        cp4 = pltpu.async_copy(yb2, yb_hbm.at[pl.ds(off, _CH2)], sem)
        cp3.wait()
        cp4.wait()


def _combine(y, d1, d2):
    f = pl.kernel(
        _combine_body,
        out_type=[
            jax.ShapeDtypeStruct((_N, _D), jnp.float32),
            jax.ShapeDtypeStruct((_N, _D), jnp.float32),
        ],
        mesh=plsc.VectorSubcoreMesh(core_axis_name="c", subcore_axis_name="s"),
        scratch_types=[
            pltpu.VMEM((2, _CH2), jnp.int32),
            pltpu.VMEM((_CH2, _D), jnp.float32),
            pltpu.VMEM((_CH2, _D), jnp.float32),
            pltpu.SemaphoreType.DMA,
        ],
    )
    return f(y, d1, d2)



def _add_body(a_ref, b_ref, o_ref):
    o_ref[...] = a_ref[...] + b_ref[...]


def _add(a, b):
    blk = _N // 8
    return pl.pallas_call(
        _add_body,
        grid=(8,),
        in_specs=[
            pl.BlockSpec((blk, _D), lambda i: (i, 0)),
            pl.BlockSpec((blk, _D), lambda i: (i, 0)),
        ],
        out_specs=pl.BlockSpec((blk, _D), lambda i: (i, 0)),
        out_shape=jax.ShapeDtypeStruct((_N, _D), jnp.float32),
    )(a, b)



def kernel(hidden_states, router_w, w_gate, w_up, w_down):
    b, s, d = hidden_states.shape
    x = hidden_states.reshape(-1, d)
    dest1, dest2, r1, r2, meta = _router(x, router_w)
    d1 = dest1.reshape(-1)
    d2 = dest2.reshape(-1)
    be = meta[0, :_NB]
    act = meta[1, :_NB]
    x16 = x.astype(jnp.bfloat16)
    x32 = lax.bitcast_convert_type(
        x16.reshape(_N, _D // 2, 2), jnp.int32)
    sorted_x32, wslot = _dispatch(x32, d1, d2, r1, r2)
    sorted_x = lax.bitcast_convert_type(
        sorted_x32, jnp.bfloat16).reshape(_NSLOT, _D)
    y = _ffn(be, act, sorted_x, wslot,
             w_gate.astype(jnp.bfloat16), w_up.astype(jnp.bfloat16),
             w_down.astype(jnp.bfloat16))
    ya, yb = _combine(y, d1, d2)
    out = _add(ya, yb)
    return out.reshape(b, s, d)

# --- scband reference (transcript-rebuilt; emitter-appended) ---
"""Pipeline reference for scband-qwen3-simple-mo-e-12429635355164 (READ-ONLY COPY).

The authoritative reference and input builder live on the scoring server;
editing this copy changes nothing except your own understanding.
"""

import jax, jax.numpy as jnp
import numpy as np

E = 16
TOP_K = 2
D = 1024
FF = 768
B = 2
S = 2048


def setup_inputs(seed: int = 0) -> dict:
    key = jax.random.key(seed)
    ks = jax.random.split(key, 5)
    hidden_states = jax.random.normal(ks[0], (B, S, D), dtype=jnp.float32)
    router_w = jax.random.normal(ks[1], (E, D), dtype=jnp.float32) * 0.02
    w_gate = jax.random.normal(ks[2], (E, FF, D), dtype=jnp.float32) * 0.02
    w_up = jax.random.normal(ks[3], (E, FF, D), dtype=jnp.float32) * 0.02
    w_down = jax.random.normal(ks[4], (E, D, FF), dtype=jnp.float32) * 0.02
    return {"hidden_states": hidden_states, "router_w": router_w, "w_gate": w_gate, "w_up": w_up, "w_down": w_down}


def reference(hidden_states, router_w, w_gate, w_up, w_down):
    b, s, d = hidden_states.shape
    x = hidden_states.reshape(-1, d)
    # router / gate: logits = x @ W_g^T
    router_logits = x @ router_w.T
    full_routing_weights = jax.nn.softmax(router_logits.astype(jnp.float32), axis=-1)
    routing_weights, selected_experts = jax.lax.top_k(full_routing_weights, TOP_K)
    # norm_topk_prob = True
    routing_weights = routing_weights / jnp.sum(routing_weights, axis=-1, keepdims=True)
    routing_weights = routing_weights.astype(x.dtype)
    num_tokens = x.shape[0]
    flat_experts = selected_experts.reshape(-1)
    token_indices = jnp.repeat(jnp.arange(num_tokens), TOP_K)
    k_ranks = jnp.tile(jnp.arange(TOP_K), (num_tokens,))
    perm = jnp.argsort(flat_experts)
    sorted_experts = flat_experts[perm]
    sorted_tokens = token_indices[perm]
    sorted_ranks = k_ranks[perm]
    all_input_states = x[sorted_tokens]
    all_routing_weights = routing_weights[sorted_tokens, sorted_ranks][:, None]
    final_hidden_states = jnp.zeros_like(x)
    for e in range(E):
        mask = (sorted_experts == e)[:, None]
        t = all_input_states
        h = jax.nn.silu(t @ w_gate[e].T) * (t @ w_up[e].T)
        o = (h @ w_down[e].T) * all_routing_weights
        o = jnp.where(mask, o, jnp.zeros_like(o))
        final_hidden_states = final_hidden_states.at[sorted_tokens].add(o)
    return final_hidden_states.reshape(b, s, d)

if __name__ == "__main__":
    import jax
    _d = setup_inputs()
    print(jax.jit(kernel)(*tuple(_d.values())))

</pallas_src>

<mosaic_0001>
#map = affine_map<(d0, d1) -> (0, 0)>
#map1 = affine_map<(d0, d1) -> (0)>
module attributes {stable_mosaic.version = 14 : i64} {
  func.func @_combine_body(%arg0: i32, %arg1: i32, %arg2: memref<12288x1024xf32, #tpu.memory_space<hbm>>, %arg3: memref<4096xi32, #tpu.memory_space<hbm>>, %arg4: memref<4096xi32, #tpu.memory_space<hbm>>, %arg5: memref<4096x1024xf32, #tpu.memory_space<hbm>>, %arg6: memref<4096x1024xf32, #tpu.memory_space<hbm>>, %arg7: memref<2x32xi32, #tpu.memory_space<vmem>>, %arg8: memref<32x1024xf32, #tpu.memory_space<vmem>>, %arg9: memref<32x1024xf32, #tpu.memory_space<vmem>>, %arg10: memref<!tpu.dma_semaphore, #tpu.memory_space<semaphore_mem>>) attributes {dimension_semantics = [#tpu.dimension_semantics<core_parallel>, #tpu.dimension_semantics<subcore_parallel>], iteration_bounds = array<i64: 2, 16>, scalar_prefetch = 0 : i64, scratch_operands = 4 : i64, tpu.core_type = #tpu.core_type<sc_vector_subcore>, window_params = [{transform_indices = #map}, {transform_indices = #map1}, {transform_indices = #map1}, {transform_indices = #map}, {transform_indices = #map}]} {
    %mul3A = arith.constant 2 : i32
    %mul3A_0 = arith.muli %arg1, %mul3A : i32
    %add3A = arith.addi %mul3A_0, %arg0 : i32
    %mul3A_1 = arith.constant 128 : i32
    %mul3A_2 = arith.muli %add3A, %mul3A_1 : i32
    %add3A_3 = arith.constant 0 : i32
    %add3A_4 = arith.addi %mul3A_2, %add3A_3 : i32
    %run_scoped3A = arith.constant 0 : i32
    "tpu.region"() ({
      %run_scoped3A_192 = tpu.sem_alloc : memref<!tpu.dma_semaphore, #tpu.memory_space<semaphore_mem>>
      %dma_start3A_193 = arith.constant 0 : i32
      %dma_start3A_194 = tpu.memref_slice %arg7[%run_scoped3A, %dma_start3A_193] : memref<2x32xi32, #tpu.memory_space<vmem>> -> memref<1x32xi32, #tpu.memory_space<vmem>>
      %dma_start3A_195 = tpu.memref_squeeze %dma_start3A_194 : memref<1x32xi32, #tpu.memory_space<vmem>> -> memref<32xi32, #tpu.memory_space<vmem>>
      %dma_start3A_196 = tpu.memref_slice %arg3[%add3A_4] : memref<4096xi32, #tpu.memory_space<hbm>> -> memref<32xi32, #tpu.memory_space<hbm>>
      %dma_start3A_197 = arith.constant 0 : i32
      %dma_start3A_198 = tpu.memref_slice %arg7[%run_scoped3A, %dma_start3A_197] : memref<2x32xi32, #tpu.memory_space<vmem>> -> memref<1x32xi32, #tpu.memory_space<vmem>>
      %dma_start3A_199 = tpu.memref_squeeze %dma_start3A_198 : memref<1x32xi32, #tpu.memory_space<vmem>> -> memref<32xi32, #tpu.memory_space<vmem>>
      %dma_start3A_200 = tpu.memref_slice %arg3[%add3A_4] : memref<4096xi32, #tpu.memory_space<hbm>> -> memref<32xi32, #tpu.memory_space<hbm>>
      tpu.enqueue_dma source(%dma_start3A_200 : memref<32xi32, #tpu.memory_space<hbm>>) target(%dma_start3A_199 : memref<32xi32, #tpu.memory_space<vmem>>) target_semaphore(%run_scoped3A_192 : memref<!tpu.dma_semaphore, #tpu.memory_space<semaphore_mem>>)
      %dma_wait3A_201 = arith.constant 0 : i32
      %dma_wait3A_202 = tpu.memref_slice %arg7[%run_scoped3A, %dma_wait3A_201] : memref<2x32xi32, #tpu.memory_space<vmem>> -> memref<1x32xi32, #tpu.memory_space<vmem>>
      %dma_wait3A_203 = tpu.memref_squeeze %dma_wait3A_202 : memref<1x32xi32, #tpu.memory_space<vmem>> -> memref<32xi32, #tpu.memory_space<vmem>>
      %dma_wait3A_204 = tpu.memref_slice %arg3[%add3A_4] : memref<4096xi32, #tpu.memory_space<hbm>> -> memref<32xi32, #tpu.memory_space<hbm>>
      %dma_wait3A_205 = arith.constant 0 : i32
      %dma_wait3A_206 = tpu.memref_slice %arg7[%run_scoped3A, %dma_wait3A_205] : memref<2x32xi32, #tpu.memory_space<vmem>> -> memref<1x32xi32, #tpu.memory_space<vmem>>
      %dma_wait3A_207 = tpu.memref_squeeze %dma_wait3A_206 : memref<1x32xi32, #tpu.memory_space<vmem>> -> memref<32xi32, #tpu.memory_space<vmem>>
      %dma_wait3A_208 = tpu.memref_slice %arg3[%add3A_4] : memref<4096xi32, #tpu.memory_space<hbm>> -> memref<32xi32, #tpu.memory_space<hbm>>
      tpu.wait_dma2 semaphore(%run_scoped3A_192 : memref<!tpu.dma_semaphore, #tpu.memory_space<semaphore_mem>>) src(%dma_wait3A_208 : memref<32xi32, #tpu.memory_space<hbm>>) dst(%dma_wait3A_207 : memref<32xi32, #tpu.memory_space<vmem>>)
      tpu.yield
    }) : () -> ()
    %run_scoped3A_5 = arith.constant 1 : i32
    "tpu.region"() ({
      %run_scoped3A_192 = tpu.sem_alloc : memref<!tpu.dma_semaphore, #tpu.memory_space<semaphore_mem>>
      %dma_start3A_193 = arith.constant 0 : i32
      %dma_start3A_194 = tpu.memref_slice %arg7[%run_scoped3A_5, %dma_start3A_193] : memref<2x32xi32, #tpu.memory_space<vmem>> -> memref<1x32xi32, #tpu.memory_space<vmem>>
      %dma_start3A_195 = tpu.memref_squeeze %dma_start3A_194 : memref<1x32xi32, #tpu.memory_space<vmem>> -> memref<32xi32, #tpu.memory_space<vmem>>
      %dma_start3A_196 = tpu.memref_slice %arg4[%add3A_4] : memref<4096xi32, #tpu.memory_space<hbm>> -> memref<32xi32, #tpu.memory_space<hbm>>
      %dma_start3A_197 = arith.constant 0 : i32
      %dma_start3A_198 = tpu.memref_slice %arg7[%run_scoped3A_5, %dma_start3A_197] : memref<2x32xi32, #tpu.memory_space<vmem>> -> memref<1x32xi32, #tpu.memory_space<vmem>>
      %dma_start3A_199 = tpu.memref_squeeze %dma_start3A_198 : memref<1x32xi32, #tpu.memory_space<vmem>> -> memref<32xi32, #tpu.memory_space<vmem>>
      %dma_start3A_200 = tpu.memref_slice %arg4[%add3A_4] : memref<4096xi32, #tpu.memory_space<hbm>> -> memref<32xi32, #tpu.memory_space<hbm>>
      tpu.enqueue_dma source(%dma_start3A_200 : memref<32xi32, #tpu.memory_space<hbm>>) target(%dma_start3A_199 : memref<32xi32, #tpu.memory_space<vmem>>) target_semaphore(%run_scoped3A_192 : memref<!tpu.dma_semaphore, #tpu.memory_space<semaphore_mem>>)
      %dma_wait3A_201 = arith.constant 0 : i32
      %dma_wait3A_202 = tpu.memref_slice %arg7[%run_scoped3A_5, %dma_wait3A_201] : memref<2x32xi32, #tpu.memory_space<vmem>> -> memref<1x32xi32, #tpu.memory_space<vmem>>
      %dma_wait3A_203 = tpu.memref_squeeze %dma_wait3A_202 : memref<1x32xi32, #tpu.memory_space<vmem>> -> memref<32xi32, #tpu.memory_space<vmem>>
      %dma_wait3A_204 = tpu.memref_slice %arg4[%add3A_4] : memref<4096xi32, #tpu.memory_space<hbm>> -> memref<32xi32, #tpu.memory_space<hbm>>
      %dma_wait3A_205 = arith.constant 0 : i32
      %dma_wait3A_206 = tpu.memref_slice %arg7[%run_scoped3A_5, %dma_wait3A_205] : memref<2x32xi32, #tpu.memory_space<vmem>> -> memref<1x32xi32, #tpu.memory_space<vmem>>
      %dma_wait3A_207 = tpu.memref_squeeze %dma_wait3A_206 : memref<1x32xi32, #tpu.memory_space<vmem>> -> memref<32xi32, #tpu.memory_space<vmem>>
      %dma_wait3A_208 = tpu.memref_slice %arg4[%add3A_4] : memref<4096xi32, #tpu.memory_space<hbm>> -> memref<32xi32, #tpu.memory_space<hbm>>
      tpu.wait_dma2 semaphore(%run_scoped3A_192 : memref<!tpu.dma_semaphore, #tpu.memory_space<semaphore_mem>>) src(%dma_wait3A_208 : memref<32xi32, #tpu.memory_space<hbm>>) dst(%dma_wait3A_207 : memref<32xi32, #tpu.memory_space<vmem>>)
      tpu.yield
    }) : () -> ()
    %dma_start3A = arith.constant 0 : i32
    %dma_start3A_6 = arith.constant 0 : i32
    %dma_start3A_7 = tpu.memref_slice %arg7[%dma_start3A, %dma_start3A_6] : memref<2x32xi32, #tpu.memory_space<vmem>> -> memref<1x32xi32, #tpu.memory_space<vmem>>
    %dma_start3A_8 = tpu.memref_squeeze %dma_start3A_7 : memref<1x32xi32, #tpu.memory_space<vmem>> -> memref<32xi32, #tpu.memory_space<vmem>>
    %dma_start3A_9 = arith.constant 0 : i32
    %dma_start3A_10 = arith.constant 0 : i32
    %dma_start3A_11 = tpu.memref_slice %arg2[%dma_start3A_9, %dma_start3A_10] : memref<12288x1024xf32, #tpu.memory_space<hbm>> -> memref<12288x1024xf32, #tpu.memory_space<hbm>>
    tpu.enqueue_indirect_dma source(%dma_start3A_11 : memref<12288x1024xf32, #tpu.memory_space<hbm>>) target(%arg8 : memref<32x1024xf32, #tpu.memory_space<vmem>>) offsets(%dma_start3A_8 : memref<32xi32, #tpu.memory_space<vmem>>) semaphore(%arg10 : memref<!tpu.dma_semaphore, #tpu.memory_space<semaphore_mem>>)
    %dma_start3A_12 = arith.constant 1 : i32
    %dma_start3A_13 = arith.constant 0 : i32
    %dma_start3A_14 = tpu.memref_slice %arg7[%dma_start3A_12, %dma_start3A_13] : memref<2x32xi32, #tpu.memory_space<vmem>> -> memref<1x32xi32, #tpu.memory_space<vmem>>
    %dma_start3A_15 = tpu.memref_squeeze %dma_start3A_14 : memref<1x32xi32, #tpu.memory_space<vmem>> -> memref<32xi32, #tpu.memory_space<vmem>>
    %dma_start3A_16 = arith.constant 0 : i32
    %dma_start3A_17 = arith.constant 0 : i32
    %dma_start3A_18 = tpu.memref_slice %arg2[%dma_start3A_16, %dma_start3A_17] : memref<12288x1024xf32, #tpu.memory_space<hbm>> -> memref<12288x1024xf32, #tpu.memory_space<hbm>>
    tpu.enqueue_indirect_dma source(%dma_start3A_18 : memref<12288x1024xf32, #tpu.memory_space<hbm>>) target(%arg9 : memref<32x1024xf32, #tpu.memory_space<vmem>>) offsets(%dma_start3A_15 : memref<32xi32, #tpu.memory_space<vmem>>) semaphore(%arg10 : memref<!tpu.dma_semaphore, #tpu.memory_space<semaphore_mem>>)
    %dma_wait3A = arith.constant 0 : i32
    %dma_wait3A_19 = arith.constant 0 : i32
    %dma_wait3A_20 = tpu.memref_slice %arg7[%dma_wait3A, %dma_wait3A_19] : memref<2x32xi32, #tpu.memory_space<vmem>> -> memref<1x32xi32, #tpu.memory_space<vmem>>
    %dma_wait3A_21 = tpu.memref_squeeze %dma_wait3A_20 : memref<1x32xi32, #tpu.memory_space<vmem>> -> memref<32xi32, #tpu.memory_space<vmem>>
    %dma_wait3A_22 = arith.constant 0 : i32
    %dma_wait3A_23 = arith.constant 0 : i32
    %dma_wait3A_24 = tpu.memref_slice %arg2[%dma_wait3A_22, %dma_wait3A_23] : memref<12288x1024xf32, #tpu.memory_space<hbm>> -> memref<12288x1024xf32, #tpu.memory_space<hbm>>
    tpu.wait_indirect_dma semaphore(%arg10 : memref<!tpu.dma_semaphore, #tpu.memory_space<semaphore_mem>>) src(%dma_wait3A_24 : memref<12288x1024xf32, #tpu.memory_space<hbm>>) dst(%arg8 : memref<32x1024xf32, #tpu.memory_space<vmem>>)
    %dma_wait3A_25 = arith.constant 1 : i32
    %dma_wait3A_26 = arith.constant 0 : i32
    %dma_wait3A_27 = tpu.memref_slice %arg7[%dma_wait3A_25, %dma_wait3A_26] : memref<2x32xi32, #tpu.memory_space<vmem>> -> memref<1x32xi32, #tpu.memory_space<vmem>>
    %dma_wait3A_28 = tpu.memref_squeeze %dma_wait3A_27 : memref<1x32xi32, #tpu.memory_space<vmem>> -> memref<32xi32, #tpu.memory_space<vmem>>
    %dma_wait3A_29 = arith.constant 0 : i32
    %dma_wait3A_30 = arith.constant 0 : i32
    %dma_wait3A_31 = tpu.memref_slice %arg2[%dma_wait3A_29, %dma_wait3A_30] : memref<12288x1024xf32, #tpu.memory_space<hbm>> -> memref<12288x1024xf32, #tpu.memory_space<hbm>>
    tpu.wait_indirect_dma semaphore(%arg10 : memref<!tpu.dma_semaphore, #tpu.memory_space<semaphore_mem>>) src(%dma_wait3A_31 : memref<12288x1024xf32, #tpu.memory_space<hbm>>) dst(%arg9 : memref<32x1024xf32, #tpu.memory_space<vmem>>)
    %dma_start3A_32 = arith.constant 0 : i32
    %dma_start3A_33 = tpu.memref_slice %arg5[%add3A_4, %dma_start3A_32] : memref<4096x1024xf32, #tpu.memory_space<hbm>> -> memref<32x1024xf32, #tpu.memory_space<hbm>>
    %dma_start3A_34 = arith.constant 0 : i32
    %dma_start3A_35 = tpu.memref_slice %arg5[%add3A_4, %dma_start3A_34] : memref<4096x1024xf32, #tpu.memory_space<hbm>> -> memref<32x1024xf32, #tpu.memory_space<hbm>>
    tpu.enqueue_dma source(%arg8 : memref<32x1024xf32, #tpu.memory_space<vmem>>) target(%dma_start3A_35 : memref<32x1024xf32, #tpu.memory_space<hbm>>) target_semaphore(%arg10 : memref<!tpu.dma_semaphore, #tpu.memory_space<semaphore_mem>>)
    %dma_start3A_36 = arith.constant 0 : i32
    %dma_start3A_37 = tpu.memref_slice %arg6[%add3A_4, %dma_start3A_36] : memref<4096x1024xf32, #tpu.memory_space<hbm>> -> memref<32x1024xf32, #tpu.memory_space<hbm>>
    %dma_start3A_38 = arith.constant 0 : i32
    %dma_start3A_39 = tpu.memref_slice %arg6[%add3A_4, %dma_start3A_38] : memref<4096x1024xf32, #tpu.memory_space<hbm>> -> memref<32x1024xf32, #tpu.memory_space<hbm>>
    tpu.enqueue_dma source(%arg9 : memref<32x1024xf32, #tpu.memory_space<vmem>>) target(%dma_start3A_39 : memref<32x1024xf32, #tpu.memory_space<hbm>>) target_semaphore(%arg10 : memref<!tpu.dma_semaphore, #tpu.memory_space<semaphore_mem>>)
    %dma_wait3A_40 = arith.constant 0 : i32
    %dma_wait3A_41 = tpu.memref_slice %arg5[%add3A_4, %dma_wait3A_40] : memref<4096x1024xf32, #tpu.memory_space<hbm>> -> memref<32x1024xf32, #tpu.memory_space<hbm>>
    %dma_wait3A_42 = arith.constant 0 : i32
    %dma_wait3A_43 = tpu.memref_slice %arg5[%add3A_4, %dma_wait3A_42] : memref<4096x1024xf32, #tpu.memory_space<hbm>> -> memref<32x1024xf32, #tpu.memory_space<hbm>>
    tpu.wait_dma2 semaphore(%arg10 : memref<!tpu.dma_semaphore, #tpu.memory_space<semaphore_mem>>) src(%arg8 : memref<32x1024xf32, #tpu.memory_space<vmem>>) dst(%dma_wait3A_43 : memref<32x1024xf32, #tpu.memory_space<hbm>>)
    %dma_wait3A_44 = arith.constant 0 : i32
    %dma_wait3A_45 = tpu.memref_slice %arg6[%add3A_4, %dma_wait3A_44] : memref<4096x1024xf32, #tpu.memory_space<hbm>> -> memref<32x1024xf32, #tpu.memory_space<hbm>>
    %dma_wait3A_46 = arith.constant 0 : i32
    %dma_wait3A_47 = tpu.memref_slice %arg6[%add3A_4, %dma_wait3A_46] : memref<4096x1024xf32, #tpu.memory_space<hbm>> -> memref<32x1024xf32, #tpu.memory_space<hbm>>
    tpu.wait_dma2 semaphore(%arg10 : memref<!tpu.dma_semaphore, #tpu.memory_space<semaphore_mem>>) src(%arg9 : memref<32x1024xf32, #tpu.memory_space<vmem>>) dst(%dma_wait3A_47 : memref<32x1024xf32, #tpu.memory_space<hbm>>)
    %add3A_48 = arith.constant 32 : i32
    %add3A_49 = arith.addi %mul3A_2, %add3A_48 : i32
    %run_scoped3A_50 = arith.constant 0 : i32
    "tpu.region"() ({
      %run_scoped3A_192 = tpu.sem_alloc : memref<!tpu.dma_semaphore, #tpu.memory_space<semaphore_mem>>
      %dma_start3A_193 = arith.constant 0 : i32
      %dma_start3A_194 = tpu.memref_slice %arg7[%run_scoped3A_50, %dma_start3A_193] : memref<2x32xi32, #tpu.memory_space<vmem>> -> memref<1x32xi32, #tpu.memory_space<vmem>>
      %dma_start3A_195 = tpu.memref_squeeze %dma_start3A_194 : memref<1x32xi32, #tpu.memory_space<vmem>> -> memref<32xi32, #tpu.memory_space<vmem>>
      %dma_start3A_196 = tpu.memref_slice %arg3[%add3A_49] : memref<4096xi32, #tpu.memory_space<hbm>> -> memref<32xi32, #tpu.memory_space<hbm>>
      %dma_start3A_197 = arith.constant 0 : i32
      %dma_start3A_198 = tpu.memref_slice %arg7[%run_scoped3A_50, %dma_start3A_197] : memref<2x32xi32, #tpu.memory_space<vmem>> -> memref<1x32xi32, #tpu.memory_space<vmem>>
      %dma_start3A_199 = tpu.memref_squeeze %dma_start3A_198 : memref<1x32xi32, #tpu.memory_space<vmem>> -> memref<32xi32, #tpu.memory_space<vmem>>
      %dma_start3A_200 = tpu.memref_slice %arg3[%add3A_49] : memref<4096xi32, #tpu.memory_space<hbm>> -> memref<32xi32, #tpu.memory_space<hbm>>
      tpu.enqueue_dma source(%dma_start3A_200 : memref<32xi32, #tpu.memory_space<hbm>>) target(%dma_start3A_199 : memref<32xi32, #tpu.memory_space<vmem>>) target_semaphore(%run_scoped3A_192 : memref<!tpu.dma_semaphore, #tpu.memory_space<semaphore_mem>>)
      %dma_wait3A_201 = arith.constant 0 : i32
      %dma_wait3A_202 = tpu.memref_slice %arg7[%run_scoped3A_50, %dma_wait3A_201] : memref<2x32xi32, #tpu.memory_space<vmem>> -> memref<1x32xi32, #tpu.memory_space<vmem>>
      %dma_wait3A_203 = tpu.memref_squeeze %dma_wait3A_202 : memref<1x32xi32, #tpu.memory_space<vmem>> -> memref<32xi32, #tpu.memory_space<vmem>>
      %dma_wait3A_204 = tpu.memref_slice %arg3[%add3A_49] : memref<4096xi32, #tpu.memory_space<hbm>> -> memref<32xi32, #tpu.memory_space<hbm>>
      %dma_wait3A_205 = arith.constant 0 : i32
      %dma_wait3A_206 = tpu.memref_slice %arg7[%run_scoped3A_50, %dma_wait3A_205] : memref<2x32xi32, #tpu.memory_space<vmem>> -> memref<1x32xi32, #tpu.memory_space<vmem>>
      %dma_wait3A_207 = tpu.memref_squeeze %dma_wait3A_206 : memref<1x32xi32, #tpu.memory_space<vmem>> -> memref<32xi32, #tpu.memory_space<vmem>>
      %dma_wait3A_208 = tpu.memref_slice %arg3[%add3A_49] : memref<4096xi32, #tpu.memory_space<hbm>> -> memref<32xi32, #tpu.memory_space<hbm>>
      tpu.wait_dma2 semaphore(%run_scoped3A_192 : memref<!tpu.dma_semaphore, #tpu.memory_space<semaphore_mem>>) src(%dma_wait3A_208 : memref<32xi32, #tpu.memory_space<hbm>>) dst(%dma_wait3A_207 : memref<32xi32, #tpu.memory_space<vmem>>)
      tpu.yield
    }) : () -> ()
    %run_scoped3A_51 = arith.constant 1 : i32
    "tpu.region"() ({
      %run_scoped3A_192 = tpu.sem_alloc : memref<!tpu.dma_semaphore, #tpu.memory_space<semaphore_mem>>
      %dma_start3A_193 = arith.constant 0 : i32
      %dma_start3A_194 = tpu.memref_slice %arg7[%run_scoped3A_51, %dma_start3A_193] : memref<2x32xi32, #tpu.memory_space<vmem>> -> memref<1x32xi32, #tpu.memory_space<vmem>>
      %dma_start3A_195 = tpu.memref_squeeze %dma_start3A_194 : memref<1x32xi32, #tpu.memory_space<vmem>> -> memref<32xi32, #tpu.memory_space<vmem>>
      %dma_start3A_196 = tpu.memref_slice %arg4[%add3A_49] : memref<4096xi32, #tpu.memory_space<hbm>> -> memref<32xi32, #tpu.memory_space<hbm>>
      %dma_start3A_197 = arith.constant 0 : i32
      %dma_start3A_198 = tpu.memref_slice %arg7[%run_scoped3A_51, %dma_start3A_197] : memref<2x32xi32, #tpu.memory_space<vmem>> -> memref<1x32xi32, #tpu.memory_space<vmem>>
      %dma_start3A_199 = tpu.memref_squeeze %dma_start3A_198 : memref<1x32xi32, #tpu.memory_space<vmem>> -> memref<32xi32, #tpu.memory_space<vmem>>
      %dma_start3A_200 = tpu.memref_slice %arg4[%add3A_49] : memref<4096xi32, #tpu.memory_space<hbm>> -> memref<32xi32, #tpu.memory_space<hbm>>
      tpu.enqueue_dma source(%dma_start3A_200 : memref<32xi32, #tpu.memory_space<hbm>>) target(%dma_start3A_199 : memref<32xi32, #tpu.memory_space<vmem>>) target_semaphore(%run_scoped3A_192 : memref<!tpu.dma_semaphore, #tpu.memory_space<semaphore_mem>>)
      %dma_wait3A_201 = arith.constant 0 : i32
      %dma_wait3A_202 = tpu.memref_slice %arg7[%run_scoped3A_51, %dma_wait3A_201] : memref<2x32xi32, #tpu.memory_space<vmem>> -> memref<1x32xi32, #tpu.memory_space<vmem>>
      %dma_wait3A_203 = tpu.memref_squeeze %dma_wait3A_202 : memref<1x32xi32, #tpu.memory_space<vmem>> -> memref<32xi32, #tpu.memory_space<vmem>>
      %dma_wait3A_204 = tpu.memref_slice %arg4[%add3A_49] : memref<4096xi32, #tpu.memory_space<hbm>> -> memref<32xi32, #tpu.memory_space<hbm>>
      %dma_wait3A_205 = arith.constant 0 : i32
      %dma_wait3A_206 = tpu.memref_slice %arg7[%run_scoped3A_51, %dma_wait3A_205] : memref<2x32xi32, #tpu.memory_space<vmem>> -> memref<1x32xi32, #tpu.memory_space<vmem>>
      %dma_wait3A_207 = tpu.memref_squeeze %dma_wait3A_206 : memref<1x32xi32, #tpu.memory_space<vmem>> -> memref<32xi32, #tpu.memory_space<vmem>>
      %dma_wait3A_208 = tpu.memref_slice %arg4[%add3A_49] : memref<4096xi32, #tpu.memory_space<hbm>> -> memref<32xi32, #tpu.memory_space<hbm>>
      tpu.wait_dma2 semaphore(%run_scoped3A_192 : memref<!tpu.dma_semaphore, #tpu.memory_space<semaphore_mem>>) src(%dma_wait3A_208 : memref<32xi32, #tpu.memory_space<hbm>>) dst(%dma_wait3A_207 : memref<32xi32, #tpu.memory_space<vmem>>)
      tpu.yield
    }) : () -> ()
    %dma_start3A_52 = arith.constant 0 : i32
    %dma_start3A_53 = arith.constant 0 : i32
    %dma_start3A_54 = tpu.memref_slice %arg7[%dma_start3A_52, %dma_start3A_53] : memref<2x32xi32, #tpu.memory_space<vmem>> -> memref<1x32xi32, #tpu.memory_space<vmem>>
    %dma_start3A_55 = tpu.memref_squeeze %dma_start3A_54 : memref<1x32xi32, #tpu.memory_space<vmem>> -> memref<32xi32, #tpu.memory_space<vmem>>
    %dma_start3A_56 = arith.constant 0 : i32
    %dma_start3A_57 = arith.constant 0 : i32
    %dma_start3A_58 = tpu.memref_slice %arg2[%dma_start3A_56, %dma_start3A_57] : memref<12288x1024xf32, #tpu.memory_space<hbm>> -> memref<12288x1024xf32, #tpu.memory_space<hbm>>
    tpu.enqueue_indirect_dma source(%dma_start3A_58 : memref<12288x1024xf32, #tpu.memory_space<hbm>>) target(%arg8 : memref<32x1024xf32, #tpu.memory_space<vmem>>) offsets(%dma_start3A_55 : memref<32xi32, #tpu.memory_space<vmem>>) semaphore(%arg10 : memref<!tpu.dma_semaphore, #tpu.memory_space<semaphore_mem>>)
    %dma_start3A_59 = arith.constant 1 : i32
    %dma_start3A_60 = arith.constant 0 : i32
    %dma_start3A_61 = tpu.memref_slice %arg7[%dma_start3A_59, %dma_start3A_60] : memref<2x32xi32, #tpu.memory_space<vmem>> -> memref<1x32xi32, #tpu.memory_space<vmem>>
    %dma_start3A_62 = tpu.memref_squeeze %dma_start3A_61 : memref<1x32xi32, #tpu.memory_space<vmem>> -> memref<32xi32, #tpu.memory_space<vmem>>
    %dma_start3A_63 = arith.constant 0 : i32
    %dma_start3A_64 = arith.constant 0 : i32
    %dma_start3A_65 = tpu.memref_slice %arg2[%dma_start3A_63, %dma_start3A_64] : memref<12288x1024xf32, #tpu.memory_space<hbm>> -> memref<12288x1024xf32, #tpu.memory_space<hbm>>
    tpu.enqueue_indirect_dma source(%dma_start3A_65 : memref<12288x1024xf32, #tpu.memory_space<hbm>>) target(%arg9 : memref<32x1024xf32, #tpu.memory_space<vmem>>) offsets(%dma_start3A_62 : memref<32xi32, #tpu.memory_space<vmem>>) semaphore(%arg10 : memref<!tpu.dma_semaphore, #tpu.memory_space<semaphore_mem>>)
    %dma_wait3A_66 = arith.constant 0 : i32
    %dma_wait3A_67 = arith.constant 0 : i32
    %dma_wait3A_68 = tpu.memref_slice %arg7[%dma_wait3A_66, %dma_wait3A_67] : memref<2x32xi32, #tpu.memory_space<vmem>> -> memref<1x32xi32, #tpu.memory_space<vmem>>
    %dma_wait3A_69 = tpu.memref_squeeze %dma_wait3A_68 : memref<1x32xi32, #tpu.memory_space<vmem>> -> memref<32xi32, #tpu.memory_space<vmem>>
    %dma_wait3A_70 = arith.constant 0 : i32
    %dma_wait3A_71 = arith.constant 0 : i32
    %dma_wait3A_72 = tpu.memref_slice %arg2[%dma_wait3A_70, %dma_wait3A_71] : memref<12288x1024xf32, #tpu.memory_space<hbm>> -> memref<12288x1024xf32, #tpu.memory_space<hbm>>
    tpu.wait_indirect_dma semaphore(%arg10 : memref<!tpu.dma_semaphore, #tpu.memory_space<semaphore_mem>>) src(%dma_wait3A_72 : memref<12288x1024xf32, #tpu.memory_space<hbm>>) dst(%arg8 : memref<32x1024xf32, #tpu.memory_space<vmem>>)
    %dma_wait3A_73 = arith.constant 1 : i32
    %dma_wait3A_74 = arith.constant 0 : i32
    %dma_wait3A_75 = tpu.memref_slice %arg7[%dma_wait3A_73, %dma_wait3A_74] : memref<2x32xi32, #tpu.memory_space<vmem>> -> memref<1x32xi32, #tpu.memory_space<vmem>>
    %dma_wait3A_76 = tpu.memref_squeeze %dma_wait3A_75 : memref<1x32xi32, #tpu.memory_space<vmem>> -> memref<32xi32, #tpu.memory_space<vmem>>
    %dma_wait3A_77 = arith.constant 0 : i32
    %dma_wait3A_78 = arith.constant 0 : i32
    %dma_wait3A_79 = tpu.memref_slice %arg2[%dma_wait3A_77, %dma_wait3A_78] : memref<12288x1024xf32, #tpu.memory_space<hbm>> -> memref<12288x1024xf32, #tpu.memory_space<hbm>>
    tpu.wait_indirect_dma semaphore(%arg10 : memref<!tpu.dma_semaphore, #tpu.memory_space<semaphore_mem>>) src(%dma_wait3A_79 : memref<12288x1024xf32, #tpu.memory_space<hbm>>) dst(%arg9 : memref<32x1024xf32, #tpu.memory_space<vmem>>)
    %dma_start3A_80 = arith.constant 0 : i32
    %dma_start3A_81 = tpu.memref_slice %arg5[%add3A_49, %dma_start3A_80] : memref<4096x1024xf32, #tpu.memory_space<hbm>> -> memref<32x1024xf32, #tpu.memory_space<hbm>>
    %dma_start3A_82 = arith.constant 0 : i32
    %dma_start3A_83 = tpu.memref_slice %arg5[%add3A_49, %dma_start3A_82] : memref<4096x1024xf32, #tpu.memory_space<hbm>> -> memref<32x1024xf32, #tpu.memory_space<hbm>>
    tpu.enqueue_dma source(%arg8 : memref<32x1024xf32, #tpu.memory_space<vmem>>) target(%dma_start3A_83 : memref<32x1024xf32, #tpu.memory_space<hbm>>) target_semaphore(%arg10 : memref<!tpu.dma_semaphore, #tpu.memory_space<semaphore_mem>>)
    %dma_start3A_84 = arith.constant 0 : i32
    %dma_start3A_85 = tpu.memref_slice %arg6[%add3A_49, %dma_start3A_84] : memref<4096x1024xf32, #tpu.memory_space<hbm>> -> memref<32x1024xf32, #tpu.memory_space<hbm>>
    %dma_start3A_86 = arith.constant 0 : i32
    %dma_start3A_87 = tpu.memref_slice %arg6[%add3A_49, %dma_start3A_86] : memref<4096x1024xf32, #tpu.memory_space<hbm>> -> memref<32x1024xf32, #tpu.memory_space<hbm>>
    tpu.enqueue_dma source(%arg9 : memref<32x1024xf32, #tpu.memory_space<vmem>>) target(%dma_start3A_87 : memref<32x1024xf32, #tpu.memory_space<hbm>>) target_semaphore(%arg10 : memref<!tpu.dma_semaphore, #tpu.memory_space<semaphore_mem>>)
    %dma_wait3A_88 = arith.constant 0 : i32
    %dma_wait3A_89 = tpu.memref_slice %arg5[%add3A_49, %dma_wait3A_88] : memref<4096x1024xf32, #tpu.memory_space<hbm>> -> memref<32x1024xf32, #tpu.memory_space<hbm>>
    %dma_wait3A_90 = arith.constant 0 : i32
    %dma_wait3A_91 = tpu.memref_slice %arg5[%add3A_49, %dma_wait3A_90] : memref<4096x1024xf32, #tpu.memory_space<hbm>> -> memref<32x1024xf32, #tpu.memory_space<hbm>>
    tpu.wait_dma2 semaphore(%arg10 : memref<!tpu.dma_semaphore, #tpu.memory_space<semaphore_mem>>) src(%arg8 : memref<32x1024xf32, #tpu.memory_space<vmem>>) dst(%dma_wait3A_91 : memref<32x1024xf32, #tpu.memory_space<hbm>>)
    %dma_wait3A_92 = arith.constant 0 : i32
    %dma_wait3A_93 = tpu.memref_slice %arg6[%add3A_49, %dma_wait3A_92] : memref<4096x1024xf32, #tpu.memory_space<hbm>> -> memref<32x1024xf32, #tpu.memory_space<hbm>>
    %dma_wait3A_94 = arith.constant 0 : i32
    %dma_wait3A_95 = tpu.memref_slice %arg6[%add3A_49, %dma_wait3A_94] : memref<4096x1024xf32, #tpu.memory_space<hbm>> -> memref<32x1024xf32, #tpu.memory_space<hbm>>
    tpu.wait_dma2 semaphore(%arg10 : memref<!tpu.dma_semaphore, #tpu.memory_space<semaphore_mem>>) src(%arg9 : memref<32x1024xf32, #tpu.memory_space<vmem>>) dst(%dma_wait3A_95 : memref<32x1024xf32, #tpu.memory_space<hbm>>)
    %add3A_96 = arith.constant 64 : i32
    %add3A_97 = arith.addi %mul3A_2, %add3A_96 : i32
    %run_scoped3A_98 = arith.constant 0 : i32
    "tpu.region"() ({
      %run_scoped3A_192 = tpu.sem_alloc : memref<!tpu.dma_semaphore, #tpu.memory_space<semaphore_mem>>
      %dma_start3A_193 = arith.constant 0 : i32
      %dma_start3A_194 = tpu.memref_slice %arg7[%run_scoped3A_98, %dma_start3A_193] : memref<2x32xi32, #tpu.memory_space<vmem>> -> memref<1x32xi32, #tpu.memory_space<vmem>>
      %dma_start3A_195 = tpu.memref_squeeze %dma_start3A_194 : memref<1x32xi32, #tpu.memory_space<vmem>> -> memref<32xi32, #tpu.memory_space<vmem>>
      %dma_start3A_196 = tpu.memref_slice %arg3[%add3A_97] : memref<4096xi32, #tpu.memory_space<hbm>> -> memref<32xi32, #tpu.memory_space<hbm>>
      %dma_start3A_197 = arith.constant 0 : i32
      %dma_start3A_198 = tpu.memref_slice %arg7[%run_scoped3A_98, %dma_start3A_197] : memref<2x32xi32, #tpu.memory_space<vmem>> -> memref<1x32xi32, #tpu.memory_space<vmem>>
      %dma_start3A_199 = tpu.memref_squeeze %dma_start3A_198 : memref<1x32xi32, #tpu.memory_space<vmem>> -> memref<32xi32, #tpu.memory_space<vmem>>
      %dma_start3A_200 = tpu.memref_slice %arg3[%add3A_97] : memref<4096xi32, #tpu.memory_space<hbm>> -> memref<32xi32, #tpu.memory_space<hbm>>
      tpu.enqueue_dma source(%dma_start3A_200 : memref<32xi32, #tpu.memory_space<hbm>>) target(%dma_start3A_199 : memref<32xi32, #tpu.memory_space<vmem>>) target_semaphore(%run_scoped3A_192 : memref<!tpu.dma_semaphore, #tpu.memory_space<semaphore_mem>>)
      %dma_wait3A_201 = arith.constant 0 : i32
      %dma_wait3A_202 = tpu.memref_slice %arg7[%run_scoped3A_98, %dma_wait3A_201] : memref<2x32xi32, #tpu.memory_space<vmem>> -> memref<1x32xi32, #tpu.memory_space<vmem>>
      %dma_wait3A_203 = tpu.memref_squeeze %dma_wait3A_202 : memref<1x32xi32, #tpu.memory_space<vmem>> -> memref<32xi32, #tpu.memory_space<vmem>>
      %dma_wait3A_204 = tpu.memref_slice %arg3[%add3A_97] : memref<4096xi32, #tpu.memory_space<hbm>> -> memref<32xi32, #tpu.memory_space<hbm>>
      %dma_wait3A_205 = arith.constant 0 : i32
      %dma_wait3A_206 = tpu.memref_slice %arg7[%run_scoped3A_98, %dma_wait3A_205] : memref<2x32xi32, #tpu.memory_space<vmem>> -> memref<1x32xi32, #tpu.memory_space<vmem>>
      %dma_wait3A_207 = tpu.memref_squeeze %dma_wait3A_206 : memref<1x32xi32, #tpu.memory_space<vmem>> -> memref<32xi32, #tpu.memory_space<vmem>>
      %dma_wait3A_208 = tpu.memref_slice %arg3[%add3A_97] : memref<4096xi32, #tpu.memory_space<hbm>> -> memref<32xi32, #tpu.memory_space<hbm>>
      tpu.wait_dma2 semaphore(%run_scoped3A_192 : memref<!tpu.dma_semaphore, #tpu.memory_space<semaphore_mem>>) src(%dma_wait3A_208 : memref<32xi32, #tpu.memory_space<hbm>>) dst(%dma_wait3A_207 : memref<32xi32, #tpu.memory_space<vmem>>)
      tpu.yield
    }) : () -> ()
    %run_scoped3A_99 = arith.constant 1 : i32
    "tpu.region"() ({
      %run_scoped3A_192 = tpu.sem_alloc : memref<!tpu.dma_semaphore, #tpu.memory_space<semaphore_mem>>
      %dma_start3A_193 = arith.constant 0 : i32
      %dma_start3A_194 = tpu.memref_slice %arg7[%run_scoped3A_99, %dma_start3A_193] : memref<2x32xi32, #tpu.memory_space<vmem>> -> memref<1x32xi32, #tpu.memory_space<vmem>>
      %dma_start3A_195 = tpu.memref_squeeze %dma_start3A_194 : memref<1x32xi32, #tpu.memory_space<vmem>> -> memref<32xi32, #tpu.memory_space<vmem>>
      %dma_start3A_196 = tpu.memref_slice %arg4[%add3A_97] : memref<4096xi32, #tpu.memory_space<hbm>> -> memref<32xi32, #tpu.memory_space<hbm>>
      %dma_start3A_197 = arith.constant 0 : i32
      %dma_start3A_198 = tpu.memref_slice %arg7[%run_scoped3A_99, %dma_start3A_197] : memref<2x32xi32, #tpu.memory_space<vmem>> -> memref<1x32xi32, #tpu.memory_space<vmem>>
      %dma_start3A_199 = tpu.memref_squeeze %dma_start3A_198 : memref<1x32xi32, #tpu.memory_space<vmem>> -> memref<32xi32, #tpu.memory_space<vmem>>
      %dma_start3A_200 = tpu.memref_slice %arg4[%add3A_97] : memref<4096xi32, #tpu.memory_space<hbm>> -> memref<32xi32, #tpu.memory_space<hbm>>
      tpu.enqueue_dma source(%dma_start3A_200 : memref<32xi32, #tpu.memory_space<hbm>>) target(%dma_start3A_199 : memref<32xi32, #tpu.memory_space<vmem>>) target_semaphore(%run_scoped3A_192 : memref<!tpu.dma_semaphore, #tpu.memory_space<semaphore_mem>>)
      %dma_wait3A_201 = arith.constant 0 : i32
      %dma_wait3A_202 = tpu.memref_slice %arg7[%run_scoped3A_99, %dma_wait3A_201] : memref<2x32xi32, #tpu.memory_space<vmem>> -> memref<1x32xi32, #tpu.memory_space<vmem>>
      %dma_wait3A_203 = tpu.memref_squeeze %dma_wait3A_202 : memref<1x32xi32, #tpu.memory_space<vmem>> -> memref<32xi32, #tpu.memory_space<vmem>>
      %dma_wait3A_204 = tpu.memref_slice %arg4[%add3A_97] : memref<4096xi32, #tpu.memory_space<hbm>> -> memref<32xi32, #tpu.memory_space<hbm>>
      %dma_wait3A_205 = arith.constant 0 : i32
      %dma_wait3A_206 = tpu.memref_slice %arg7[%run_scoped3A_99, %dma_wait3A_205] : memref<2x32xi32, #tpu.memory_space<vmem>> -> memref<1x32xi32, #tpu.memory_space<vmem>>
      %dma_wait3A_207 = tpu.memref_squeeze %dma_wait3A_206 : memref<1x32xi32, #tpu.memory_space<vmem>> -> memref<32xi32, #tpu.memory_space<vmem>>
      %dma_wait3A_208 = tpu.memref_slice %arg4[%add3A_97] : memref<4096xi32, #tpu.memory_space<hbm>> -> memref<32xi32, #tpu.memory_space<hbm>>
      tpu.wait_dma2 semaphore(%run_scoped3A_192 : memref<!tpu.dma_semaphore, #tpu.memory_space<semaphore_mem>>) src(%dma_wait3A_208 : memref<32xi32, #tpu.memory_space<hbm>>) dst(%dma_wait3A_207 : memref<32xi32, #tpu.memory_space<vmem>>)
      tpu.yield
    }) : () -> ()
    %dma_start3A_100 = arith.constant 0 : i32
    %dma_start3A_101 = arith.constant 0 : i32
    %dma_start3A_102 = tpu.memref_slice %arg7[%dma_start3A_100, %dma_start3A_101] : memref<2x32xi32, #tpu.memory_space<vmem>> -> memref<1x32xi32, #tpu.memory_space<vmem>>
    %dma_start3A_103 = tpu.memref_squeeze %dma_start3A_102 : memref<1x32xi32, #tpu.memory_space<vmem>> -> memref<32xi32, #tpu.memory_space<vmem>>
    %dma_start3A_104 = arith.constant 0 : i32
    %dma_start3A_105 = arith.constant 0 : i32
    %dma_start3A_106 = tpu.memref_slice %arg2[%dma_start3A_104, %dma_start3A_105] : memref<12288x1024xf32, #tpu.memory_space<hbm>> -> memref<12288x1024xf32, #tpu.memory_space<hbm>>
    tpu.enqueue_indirect_dma source(%dma_start3A_106 : memref<12288x1024xf32, #tpu.memory_space<hbm>>) target(%arg8 : memref<32x1024xf32, #tpu.memory_space<vmem>>) offsets(%dma_start3A_103 : memref<32xi32, #tpu.memory_space<vmem>>) semaphore(%arg10 : memref<!tpu.dma_semaphore, #tpu.memory_space<semaphore_mem>>)
    %dma_start3A_107 = arith.constant 1 : i32
    %dma_start3A_108 = arith.constant 0 : i32
    %dma_start3A_109 = tpu.memref_slice %arg7[%dma_start3A_107, %dma_start3A_108] : memref<2x32xi32, #tpu.memory_space<vmem>> -> memref<1x32xi32, #tpu.memory_space<vmem>>
    %dma_start3A_110 = tpu.memref_squeeze %dma_start3A_109 : memref<1x32xi32, #tpu.memory_space<vmem>> -> memref<32xi32, #tpu.memory_space<vmem>>
    %dma_start3A_111 = arith.constant 0 : i32
    %dma_start3A_112 = arith.constant 0 : i32
    %dma_start3A_113 = tpu.memref_slice %arg2[%dma_start3A_111, %dma_start3A_112] : memref<12288x1024xf32, #tpu.memory_space<hbm>> -> memref<12288x1024xf32, #tpu.memory_space<hbm>>
    tpu.enqueue_indirect_dma source(%dma_start3A_113 : memref<12288x1024xf32, #tpu.memory_space<hbm>>) target(%arg9 : memref<32x1024xf32, #tpu.memory_space<vmem>>) offsets(%dma_start3A_110 : memref<32xi32, #tpu.memory_space<vmem>>) semaphore(%arg10 : memref<!tpu.dma_semaphore, #tpu.memory_space<semaphore_mem>>)
    %dma_wait3A_114 = arith.constant 0 : i32
    %dma_wait3A_115 = arith.constant 0 : i32
    %dma_wait3A_116 = tpu.memref_slice %arg7[%dma_wait3A_114, %dma_wait3A_115] : memref<2x32xi32, #tpu.memory_space<vmem>> -> memref<1x32xi32, #tpu.memory_space<vmem>>
    %dma_wait3A_117 = tpu.memref_squeeze %dma_wait3A_116 : memref<1x32xi32, #tpu.memory_space<vmem>> -> memref<32xi32, #tpu.memory_space<vmem>>
    %dma_wait3A_118 = arith.constant 0 : i32
    %dma_wait3A_119 = arith.constant 0 : i32
    %dma_wait3A_120 = tpu.memref_slice %arg2[%dma_wait3A_118, %dma_wait3A_119] : memref<12288x1024xf32, #tpu.memory_space<hbm>> -> memref<12288x1024xf32, #tpu.memory_space<hbm>>
    tpu.wait_indirect_dma semaphore(%arg10 : memref<!tpu.dma_semaphore, #tpu.memory_space<semaphore_mem>>) src(%dma_wait3A_120 : memref<12288x1024xf32, #tpu.memory_space<hbm>>) dst(%arg8 : memref<32x1024xf32, #tpu.memory_space<vmem>>)
    %dma_wait3A_121 = arith.constant 1 : i32
    %dma_wait3A_122 = arith.constant 0 : i32
    %dma_wait3A_123 = tpu.memref_slice %arg7[%dma_wait3A_121, %dma_wait3A_122] : memref<2x32xi32, #tpu.memory_space<vmem>> -> memref<1x32xi32, #tpu.memory_space<vmem>>
    %dma_wait3A_124 = tpu.memref_squeeze %dma_wait3A_123 : memref<1x32xi32, #tpu.memory_space<vmem>> -> memref<32xi32, #tpu.memory_space<vmem>>
    %dma_wait3A_125 = arith.constant 0 : i32
    %dma_wait3A_126 = arith.constant 0 : i32
    %dma_wait3A_127 = tpu.memref_slice %arg2[%dma_wait3A_125, %dma_wait3A_126] : memref<12288x1024xf32, #tpu.memory_space<hbm>> -> memref<12288x1024xf32, #tpu.memory_space<hbm>>
    tpu.wait_indirect_dma semaphore(%arg10 : memref<!tpu.dma_semaphore, #tpu.memory_space<semaphore_mem>>) src(%dma_wait3A_127 : memref<12288x1024xf32, #tpu.memory_space<hbm>>) dst(%arg9 : memref<32x1024xf32, #tpu.memory_space<vmem>>)
    %dma_start3A_128 = arith.constant 0 : i32
    %dma_start3A_129 = tpu.memref_slice %arg5[%add3A_97, %dma_start3A_128] : memref<4096x1024xf32, #tpu.memory_space<hbm>> -> memref<32x1024xf32, #tpu.memory_space<hbm>>
    %dma_start3A_130 = arith.constant 0 : i32
    %dma_start3A_131 = tpu.memref_slice %arg5[%add3A_97, %dma_start3A_130] : memref<4096x1024xf32, #tpu.memory_space<hbm>> -> memref<32x1024xf32, #tpu.memory_space<hbm>>
    tpu.enqueue_dma source(%arg8 : memref<32x1024xf32, #tpu.memory_space<vmem>>) target(%dma_start3A_131 : memref<32x1024xf32, #tpu.memory_space<hbm>>) target_semaphore(%arg10 : memref<!tpu.dma_semaphore, #tpu.memory_space<semaphore_mem>>)
    %dma_start3A_132 = arith.constant 0 : i32
    %dma_start3A_133 = tpu.memref_slice %arg6[%add3A_97, %dma_start3A_132] : memref<4096x1024xf32, #tpu.memory_space<hbm>> -> memref<32x1024xf32, #tpu.memory_space<hbm>>
    %dma_start3A_134 = arith.constant 0 : i32
    %dma_start3A_135 = tpu.memref_slice %arg6[%add3A_97, %dma_start3A_134] : memref<4096x1024xf32, #tpu.memory_space<hbm>> -> memref<32x1024xf32, #tpu.memory_space<hbm>>
    tpu.enqueue_dma source(%arg9 : memref<32x1024xf32, #tpu.memory_space<vmem>>) target(%dma_start3A_135 : memref<32x1024xf32, #tpu.memory_space<hbm>>) target_semaphore(%arg10 : memref<!tpu.dma_semaphore, #tpu.memory_space<semaphore_mem>>)
    %dma_wait3A_136 = arith.constant 0 : i32
    %dma_wait3A_137 = tpu.memref_slice %arg5[%add3A_97, %dma_wait3A_136] : memref<4096x1024xf32, #tpu.memory_space<hbm>> -> memref<32x1024xf32, #tpu.memory_space<hbm>>
    %dma_wait3A_138 = arith.constant 0 : i32
    %dma_wait3A_139 = tpu.memref_slice %arg5[%add3A_97, %dma_wait3A_138] : memref<4096x1024xf32, #tpu.memory_space<hbm>> -> memref<32x1024xf32, #tpu.memory_space<hbm>>
    tpu.wait_dma2 semaphore(%arg10 : memref<!tpu.dma_semaphore, #tpu.memory_space<semaphore_mem>>) src(%arg8 : memref<32x1024xf32, #tpu.memory_space<vmem>>) dst(%dma_wait3A_139 : memref<32x1024xf32, #tpu.memory_space<hbm>>)
    %dma_wait3A_140 = arith.constant 0 : i32
    %dma_wait3A_141 = tpu.memref_slice %arg6[%add3A_97, %dma_wait3A_140] : memref<4096x1024xf32, #tpu.memory_space<hbm>> -> memref<32x1024xf32, #tpu.memory_space<hbm>>
    %dma_wait3A_142 = arith.constant 0 : i32
    %dma_wait3A_143 = tpu.memref_slice %arg6[%add3A_97, %dma_wait3A_142] : memref<4096x1024xf32, #tpu.memory_space<hbm>> -> memref<32x1024xf32, #tpu.memory_space<hbm>>
    tpu.wait_dma2 semaphore(%arg10 : memref<!tpu.dma_semaphore, #tpu.memory_space<semaphore_mem>>) src(%arg9 : memref<32x1024xf32, #tpu.memory_space<vmem>>) dst(%dma_wait3A_143 : memref<32x1024xf32, #tpu.memory_space<hbm>>)
    %add3A_144 = arith.constant 96 : i32
    %add3A_145 = arith.addi %mul3A_2, %add3A_144 : i32
    %run_scoped3A_146 = arith.constant 0 : i32
    "tpu.region"() ({
      %run_scoped3A_192 = tpu.sem_alloc : memref<!tpu.dma_semaphore, #tpu.memory_space<semaphore_mem>>
      %dma_start3A_193 = arith.constant 0 : i32
      %dma_start3A_194 = tpu.memref_slice %arg7[%run_scoped3A_146, %dma_start3A_193] : memref<2x32xi32, #tpu.memory_space<vmem>> -> memref<1x32xi32, #tpu.memory_space<vmem>>
      %dma_start3A_195 = tpu.memref_squeeze %dma_start3A_194 : memref<1x32xi32, #tpu.memory_space<vmem>> -> memref<32xi32, #tpu.memory_space<vmem>>
      %dma_start3A_196 = tpu.memref_slice %arg3[%add3A_145] : memref<4096xi32, #tpu.memory_space<hbm>> -> memref<32xi32, #tpu.memory_space<hbm>>
      %dma_start3A_197 = arith.constant 0 : i32
      %dma_start3A_198 = tpu.memref_slice %arg7[%run_scoped3A_146, %dma_start3A_197] : memref<2x32xi32, #tpu.memory_space<vmem>> -> memref<1x32xi32, #tpu.memory_space<vmem>>
      %dma_start3A_199 = tpu.memref_squeeze %dma_start3A_198 : memref<1x32xi32, #tpu.memory_space<vmem>> -> memref<32xi32, #tpu.memory_space<vmem>>
      %dma_start3A_200 = tpu.memref_slice %arg3[%add3A_145] : memref<4096xi32, #tpu.memory_space<hbm>> -> memref<32xi32, #tpu.memory_space<hbm>>
      tpu.enqueue_dma source(%dma_start3A_200 : memref<32xi32, #tpu.memory_space<hbm>>) target(%dma_start3A_199 : memref<32xi32, #tpu.memory_space<vmem>>) target_semaphore(%run_scoped3A_192 : memref<!tpu.dma_semaphore, #tpu.memory_space<semaphore_mem>>)
      %dma_wait3A_201 = arith.constant 0 : i32
      %dma_wait3A_202 = tpu.memref_slice %arg7[%run_scoped3A_146, %dma_wait3A_201] : memref<2x32xi32, #tpu.memory_space<vmem>> -> memref<1x32xi32, #tpu.memory_space<vmem>>
      %dma_wait3A_203 = tpu.memref_squeeze %dma_wait3A_202 : memref<1x32xi32, #tpu.memory_space<vmem>> -> memref<32xi32, #tpu.memory_space<vmem>>
      %dma_wait3A_204 = tpu.memref_slice %arg3[%add3A_145] : memref<4096xi32, #tpu.memory_space<hbm>> -> memref<32xi32, #tpu.memory_space<hbm>>
      %dma_wait3A_205 = arith.constant 0 : i32
      %dma_wait3A_206 = tpu.memref_slice %arg7[%run_scoped3A_146, %dma_wait3A_205] : memref<2x32xi32, #tpu.memory_space<vmem>> -> memref<1x32xi32, #tpu.memory_space<vmem>>
      %dma_wait3A_207 = tpu.memref_squeeze %dma_wait3A_206 : memref<1x32xi32, #tpu.memory_space<vmem>> -> memref<32xi32, #tpu.memory_space<vmem>>
      %dma_wait3A_208 = tpu.memref_slice %arg3[%add3A_145] : memref<4096xi32, #tpu.memory_space<hbm>> -> memref<32xi32, #tpu.memory_space<hbm>>
      tpu.wait_dma2 semaphore(%run_scoped3A_192 : memref<!tpu.dma_semaphore, #tpu.memory_space<semaphore_mem>>) src(%dma_wait3A_208 : memref<32xi32, #tpu.memory_space<hbm>>) dst(%dma_wait3A_207 : memref<32xi32, #tpu.memory_space<vmem>>)
      tpu.yield
    }) : () -> ()
    %run_scoped3A_147 = arith.constant 1 : i32
    "tpu.region"() ({
      %run_scoped3A_192 = tpu.sem_alloc : memref<!tpu.dma_semaphore, #tpu.memory_space<semaphore_mem>>
      %dma_start3A_193 = arith.constant 0 : i32
      %dma_start3A_194 = tpu.memref_slice %arg7[%run_scoped3A_147, %dma_start3A_193] : memref<2x32xi32, #tpu.memory_space<vmem>> -> memref<1x32xi32, #tpu.memory_space<vmem>>
      %dma_start3A_195 = tpu.memref_squeeze %dma_start3A_194 : memref<1x32xi32, #tpu.memory_space<vmem>> -> memref<32xi32, #tpu.memory_space<vmem>>
      %dma_start3A_196 = tpu.memref_slice %arg4[%add3A_145] : memref<4096xi32, #tpu.memory_space<hbm>> -> memref<32xi32, #tpu.memory_space<hbm>>
      %dma_start3A_197 = arith.constant 0 : i32
      %dma_start3A_198 = tpu.memref_slice %arg7[%run_scoped3A_147, %dma_start3A_197] : memref<2x32xi32, #tpu.memory_space<vmem>> -> memref<1x32xi32, #tpu.memory_space<vmem>>
      %dma_start3A_199 = tpu.memref_squeeze %dma_start3A_198 : memref<1x32xi32, #tpu.memory_space<vmem>> -> memref<32xi32, #tpu.memory_space<vmem>>
      %dma_start3A_200 = tpu.memref_slice %arg4[%add3A_145] : memref<4096xi32, #tpu.memory_space<hbm>> -> memref<32xi32, #tpu.memory_space<hbm>>
      tpu.enqueue_dma source(%dma_start3A_200 : memref<32xi32, #tpu.memory_space<hbm>>) target(%dma_start3A_199 : memref<32xi32, #tpu.memory_space<vmem>>) target_semaphore(%run_scoped3A_192 : memref<!tpu.dma_semaphore, #tpu.memory_space<semaphore_mem>>)
      %dma_wait3A_201 = arith.constant 0 : i32
      %dma_wait3A_202 = tpu.memref_slice %arg7[%run_scoped3A_147, %dma_wait3A_201] : memref<2x32xi32, #tpu.memory_space<vmem>> -> memref<1x32xi32, #tpu.memory_space<vmem>>
      %dma_wait3A_203 = tpu.memref_squeeze %dma_wait3A_202 : memref<1x32xi32, #tpu.memory_space<vmem>> -> memref<32xi32, #tpu.memory_space<vmem>>
      %dma_wait3A_204 = tpu.memref_slice %arg4[%add3A_145] : memref<4096xi32, #tpu.memory_space<hbm>> -> memref<32xi32, #tpu.memory_space<hbm>>
      %dma_wait3A_205 = arith.constant 0 : i32
      %dma_wait3A_206 = tpu.memref_slice %arg7[%run_scoped3A_147, %dma_wait3A_205] : memref<2x32xi32, #tpu.memory_space<vmem>> -> memref<1x32xi32, #tpu.memory_space<vmem>>
      %dma_wait3A_207 = tpu.memref_squeeze %dma_wait3A_206 : memref<1x32xi32, #tpu.memory_space<vmem>> -> memref<32xi32, #tpu.memory_space<vmem>>
      %dma_wait3A_208 = tpu.memref_slice %arg4[%add3A_145] : memref<4096xi32, #tpu.memory_space<hbm>> -> memref<32xi32, #tpu.memory_space<hbm>>
      tpu.wait_dma2 semaphore(%run_scoped3A_192 : memref<!tpu.dma_semaphore, #tpu.memory_space<semaphore_mem>>) src(%dma_wait3A_208 : memref<32xi32, #tpu.memory_space<hbm>>) dst(%dma_wait3A_207 : memref<32xi32, #tpu.memory_space<vmem>>)
      tpu.yield
    }) : () -> ()
    %dma_start3A_148 = arith.constant 0 : i32
    %dma_start3A_149 = arith.constant 0 : i32
    %dma_start3A_150 = tpu.memref_slice %arg7[%dma_start3A_148, %dma_start3A_149] : memref<2x32xi32, #tpu.memory_space<vmem>> -> memref<1x32xi32, #tpu.memory_space<vmem>>
    %dma_start3A_151 = tpu.memref_squeeze %dma_start3A_150 : memref<1x32xi32, #tpu.memory_space<vmem>> -> memref<32xi32, #tpu.memory_space<vmem>>
    %dma_start3A_152 = arith.constant 0 : i32
    %dma_start3A_153 = arith.constant 0 : i32
    %dma_start3A_154 = tpu.memref_slice %arg2[%dma_start3A_152, %dma_start3A_153] : memref<12288x1024xf32, #tpu.memory_space<hbm>> -> memref<12288x1024xf32, #tpu.memory_space<hbm>>
    tpu.enqueue_indirect_dma source(%dma_start3A_154 : memref<12288x1024xf32, #tpu.memory_space<hbm>>) target(%arg8 : memref<32x1024xf32, #tpu.memory_space<vmem>>) offsets(%dma_start3A_151 : memref<32xi32, #tpu.memory_space<vmem>>) semaphore(%arg10 : memref<!tpu.dma_semaphore, #tpu.memory_space<semaphore_mem>>)
    %dma_start3A_155 = arith.constant 1 : i32
    %dma_start3A_156 = arith.constant 0 : i32
    %dma_start3A_157 = tpu.memref_slice %arg7[%dma_start3A_155, %dma_start3A_156] : memref<2x32xi32, #tpu.memory_space<vmem>> -> memref<1x32xi32, #tpu.memory_space<vmem>>
    %dma_start3A_158 = tpu.memref_squeeze %dma_start3A_157 : memref<1x32xi32, #tpu.memory_space<vmem>> -> memref<32xi32, #tpu.memory_space<vmem>>
    %dma_start3A_159 = arith.constant 0 : i32
    %dma_start3A_160 = arith.constant 0 : i32
    %dma_start3A_161 = tpu.memref_slice %arg2[%dma_start3A_159, %dma_start3A_160] : memref<12288x1024xf32, #tpu.memory_space<hbm>> -> memref<12288x1024xf32, #tpu.memory_space<hbm>>
    tpu.enqueue_indirect_dma source(%dma_start3A_161 : memref<12288x1024xf32, #tpu.memory_space<hbm>>) target(%arg9 : memref<32x1024xf32, #tpu.memory_space<vmem>>) offsets(%dma_start3A_158 : memref<32xi32, #tpu.memory_space<vmem>>) semaphore(%arg10 : memref<!tpu.dma_semaphore, #tpu.memory_space<semaphore_mem>>)
    %dma_wait3A_162 = arith.constant 0 : i32
    %dma_wait3A_163 = arith.constant 0 : i32
    %dma_wait3A_164 = tpu.memref_slice %arg7[%dma_wait3A_162, %dma_wait3A_163] : memref<2x32xi32, #tpu.memory_space<vmem>> -> memref<1x32xi32, #tpu.memory_space<vmem>>
    %dma_wait3A_165 = tpu.memref_squeeze %dma_wait3A_164 : memref<1x32xi32, #tpu.memory_space<vmem>> -> memref<32xi32, #tpu.memory_space<vmem>>
    %dma_wait3A_166 = arith.constant 0 : i32
    %dma_wait3A_167 = arith.constant 0 : i32
    %dma_wait3A_168 = tpu.memref_slice %arg2[%dma_wait3A_166, %dma_wait3A_167] : memref<12288x1024xf32, #tpu.memory_space<hbm>> -> memref<12288x1024xf32, #tpu.memory_space<hbm>>
    tpu.wait_indirect_dma semaphore(%arg10 : memref<!tpu.dma_semaphore, #tpu.memory_space<semaphore_mem>>) src(%dma_wait3A_168 : memref<12288x1024xf32, #tpu.memory_space<hbm>>) dst(%arg8 : memref<32x1024xf32, #tpu.memory_space<vmem>>)
    %dma_wait3A_169 = arith.constant 1 : i32
    %dma_wait3A_170 = arith.constant 0 : i32
    %dma_wait3A_171 = tpu.memref_slice %arg7[%dma_wait3A_169, %dma_wait3A_170] : memref<2x32xi32, #tpu.memory_space<vmem>> -> memref<1x32xi32, #tpu.memory_space<vmem>>
    %dma_wait3A_172 = tpu.memref_squeeze %dma_wait3A_171 : memref<1x32xi32, #tpu.memory_space<vmem>> -> memref<32xi32, #tpu.memory_space<vmem>>
    %dma_wait3A_173 = arith.constant 0 : i32
    %dma_wait3A_174 = arith.constant 0 : i32
    %dma_wait3A_175 = tpu.memref_slice %arg2[%dma_wait3A_173, %dma_wait3A_174] : memref<12288x1024xf32, #tpu.memory_space<hbm>> -> memref<12288x1024xf32, #tpu.memory_space<hbm>>
    tpu.wait_indirect_dma semaphore(%arg10 : memref<!tpu.dma_semaphore, #tpu.memory_space<semaphore_mem>>) src(%dma_wait3A_175 : memref<12288x1024xf32, #tpu.memory_space<hbm>>) dst(%arg9 : memref<32x1024xf32, #tpu.memory_space<vmem>>)
    %dma_start3A_176 = arith.constant 0 : i32
    %dma_start3A_177 = tpu.memref_slice %arg5[%add3A_145, %dma_start3A_176] : memref<4096x1024xf32, #tpu.memory_space<hbm>> -> memref<32x1024xf32, #tpu.memory_space<hbm>>
    %dma_start3A_178 = arith.constant 0 : i32
    %dma_start3A_179 = tpu.memref_slice %arg5[%add3A_145, %dma_start3A_178] : memref<4096x1024xf32, #tpu.memory_space<hbm>> -> memref<32x1024xf32, #tpu.memory_space<hbm>>
    tpu.enqueue_dma source(%arg8 : memref<32x1024xf32, #tpu.memory_space<vmem>>) target(%dma_start3A_179 : memref<32x1024xf32, #tpu.memory_space<hbm>>) target_semaphore(%arg10 : memref<!tpu.dma_semaphore, #tpu.memory_space<semaphore_mem>>)
    %dma_start3A_180 = arith.constant 0 : i32
    %dma_start3A_181 = tpu.memref_slice %arg6[%add3A_145, %dma_start3A_180] : memref<4096x1024xf32, #tpu.memory_space<hbm>> -> memref<32x1024xf32, #tpu.memory_space<hbm>>
    %dma_start3A_182 = arith.constant 0 : i32
    %dma_start3A_183 = tpu.memref_slice %arg6[%add3A_145, %dma_start3A_182] : memref<4096x1024xf32, #tpu.memory_space<hbm>> -> memref<32x1024xf32, #tpu.memory_space<hbm>>
    tpu.enqueue_dma source(%arg9 : memref<32x1024xf32, #tpu.memory_space<vmem>>) target(%dma_start3A_183 : memref<32x1024xf32, #tpu.memory_space<hbm>>) target_semaphore(%arg10 : memref<!tpu.dma_semaphore, #tpu.memory_space<semaphore_mem>>)
    %dma_wait3A_184 = arith.constant 0 : i32
    %dma_wait3A_185 = tpu.memref_slice %arg5[%add3A_145, %dma_wait3A_184] : memref<4096x1024xf32, #tpu.memory_space<hbm>> -> memref<32x1024xf32, #tpu.memory_space<hbm>>
    %dma_wait3A_186 = arith.constant 0 : i32
    %dma_wait3A_187 = tpu.memref_slice %arg5[%add3A_145, %dma_wait3A_186] : memref<4096x1024xf32, #tpu.memory_space<hbm>> -> memref<32x1024xf32, #tpu.memory_space<hbm>>
    tpu.wait_dma2 semaphore(%arg10 : memref<!tpu.dma_semaphore, #tpu.memory_space<semaphore_mem>>) src(%arg8 : memref<32x1024xf32, #tpu.memory_space<vmem>>) dst(%dma_wait3A_187 : memref<32x1024xf32, #tpu.memory_space<hbm>>)
    %dma_wait3A_188 = arith.constant 0 : i32
    %dma_wait3A_189 = tpu.memref_slice %arg6[%add3A_145, %dma_wait3A_188] : memref<4096x1024xf32, #tpu.memory_space<hbm>> -> memref<32x1024xf32, #tpu.memory_space<hbm>>
    %dma_wait3A_190 = arith.constant 0 : i32
    %dma_wait3A_191 = tpu.memref_slice %arg6[%add3A_145, %dma_wait3A_190] : memref<4096x1024xf32, #tpu.memory_space<hbm>> -> memref<32x1024xf32, #tpu.memory_space<hbm>>
    tpu.wait_dma2 semaphore(%arg10 : memref<!tpu.dma_semaphore, #tpu.memory_space<semaphore_mem>>) src(%arg9 : memref<32x1024xf32, #tpu.memory_space<vmem>>) dst(%dma_wait3A_191 : memref<32x1024xf32, #tpu.memory_space<hbm>>)
    return
  }
}

#map = affine_map<(d0, d1) -> (0, 0)>
#map1 = affine_map<(d0, d1) -> (0)>
module attributes {stable_mosaic.version = 14 : i64} {
  func.func @_dispatch_body(%arg0: i32, %arg1: i32, %arg2: memref<4096x512xi32, #tpu.memory_space<hbm>>, %arg3: memref<4096xi32, #tpu.memory_space<hbm>>, %arg4: memref<4096xi32, #tpu.memory_space<hbm>>, %arg5: memref<4096x128xf32, #tpu.memory_space<hbm>>, %arg6: memref<4096x128xf32, #tpu.memory_space<hbm>>, %arg7: memref<12288x512xi32, #tpu.memory_space<hbm>>, %arg8: memref<12288x128xf32, #tpu.memory_space<hbm>>, %arg9: memref<2x64xi32, #tpu.memory_space<vmem>>, %arg10: memref<64x512xi32, #tpu.memory_space<vmem>>, %arg11: memref<64x128xf32, #tpu.memory_space<vmem>>, %arg12: memref<64x128xf32, #tpu.memory_space<vmem>>, %arg13: memref<!tpu.dma_semaphore, #tpu.memory_space<semaphore_mem>>) attributes {dimension_semantics = [#tpu.dimension_semantics<core_parallel>, #tpu.dimension_semantics<subcore_parallel>], iteration_bounds = array<i64: 2, 16>, scalar_prefetch = 0 : i64, scratch_operands = 5 : i64, tpu.core_type = #tpu.core_type<sc_vector_subcore>, window_params = [{transform_indices = #map}, {transform_indices = #map1}, {transform_indices = #map1}, {transform_indices = #map}, {transform_indices = #map}, {transform_indices = #map}, {transform_indices = #map}]} {
    %mul3A = arith.constant 2 : i32
    %mul3A_0 = arith.muli %arg1, %mul3A : i32
    %add3A = arith.addi %mul3A_0, %arg0 : i32
    %mul3A_1 = arith.constant 128 : i32
    %mul3A_2 = arith.muli %add3A, %mul3A_1 : i32
    %add3A_3 = arith.constant 0 : i32
    %add3A_4 = arith.addi %mul3A_2, %add3A_3 : i32
    %run_scoped3A = arith.constant 0 : i32
    "tpu.region"() ({
      %run_scoped3A_120 = tpu.sem_alloc : memref<!tpu.dma_semaphore, #tpu.memory_space<semaphore_mem>>
      %dma_start3A_121 = arith.constant 0 : i32
      %dma_start3A_122 = tpu.memref_slice %arg9[%run_scoped3A, %dma_start3A_121] : memref<2x64xi32, #tpu.memory_space<vmem>> -> memref<1x64xi32, #tpu.memory_space<vmem>>
      %dma_start3A_123 = tpu.memref_squeeze %dma_start3A_122 : memref<1x64xi32, #tpu.memory_space<vmem>> -> memref<64xi32, #tpu.memory_space<vmem>>
      %dma_start3A_124 = tpu.memref_slice %arg3[%add3A_4] : memref<4096xi32, #tpu.memory_space<hbm>> -> memref<64xi32, #tpu.memory_space<hbm>>
      %dma_start3A_125 = arith.constant 0 : i32
      %dma_start3A_126 = tpu.memref_slice %arg9[%run_scoped3A, %dma_start3A_125] : memref<2x64xi32, #tpu.memory_space<vmem>> -> memref<1x64xi32, #tpu.memory_space<vmem>>
      %dma_start3A_127 = tpu.memref_squeeze %dma_start3A_126 : memref<1x64xi32, #tpu.memory_space<vmem>> -> memref<64xi32, #tpu.memory_space<vmem>>
      %dma_start3A_128 = tpu.memref_slice %arg3[%add3A_4] : memref<4096xi32, #tpu.memory_space<hbm>> -> memref<64xi32, #tpu.memory_space<hbm>>
      tpu.enqueue_dma source(%dma_start3A_128 : memref<64xi32, #tpu.memory_space<hbm>>) target(%dma_start3A_127 : memref<64xi32, #tpu.memory_space<vmem>>) target_semaphore(%run_scoped3A_120 : memref<!tpu.dma_semaphore, #tpu.memory_space<semaphore_mem>>)
      %dma_wait3A_129 = arith.constant 0 : i32
      %dma_wait3A_130 = tpu.memref_slice %arg9[%run_scoped3A, %dma_wait3A_129] : memref<2x64xi32, #tpu.memory_space<vmem>> -> memref<1x64xi32, #tpu.memory_space<vmem>>
      %dma_wait3A_131 = tpu.memref_squeeze %dma_wait3A_130 : memref<1x64xi32, #tpu.memory_space<vmem>> -> memref<64xi32, #tpu.memory_space<vmem>>
      %dma_wait3A_132 = tpu.memref_slice %arg3[%add3A_4] : memref<4096xi32, #tpu.memory_space<hbm>> -> memref<64xi32, #tpu.memory_space<hbm>>
      %dma_wait3A_133 = arith.constant 0 : i32
      %dma_wait3A_134 = tpu.memref_slice %arg9[%run_scoped3A, %dma_wait3A_133] : memref<2x64xi32, #tpu.memory_space<vmem>> -> memref<1x64xi32, #tpu.memory_space<vmem>>
      %dma_wait3A_135 = tpu.memref_squeeze %dma_wait3A_134 : memref<1x64xi32, #tpu.memory_space<vmem>> -> memref<64xi32, #tpu.memory_space<vmem>>
      %dma_wait3A_136 = tpu.memref_slice %arg3[%add3A_4] : memref<4096xi32, #tpu.memory_space<hbm>> -> memref<64xi32, #tpu.memory_space<hbm>>
      tpu.wait_dma2 semaphore(%run_scoped3A_120 : memref<!tpu.dma_semaphore, #tpu.memory_space<semaphore_mem>>) src(%dma_wait3A_136 : memref<64xi32, #tpu.memory_space<hbm>>) dst(%dma_wait3A_135 : memref<64xi32, #tpu.memory_space<vmem>>)
      tpu.yield
    }) : () -> ()
    %run_scoped3A_5 = arith.constant 1 : i32
    "tpu.region"() ({
      %run_scoped3A_120 = tpu.sem_alloc : memref<!tpu.dma_semaphore, #tpu.memory_space<semaphore_mem>>
      %dma_start3A_121 = arith.constant 0 : i32
      %dma_start3A_122 = tpu.memref_slice %arg9[%run_scoped3A_5, %dma_start3A_121] : memref<2x64xi32, #tpu.memory_space<vmem>> -> memref<1x64xi32, #tpu.memory_space<vmem>>
      %dma_start3A_123 = tpu.memref_squeeze %dma_start3A_122 : memref<1x64xi32, #tpu.memory_space<vmem>> -> memref<64xi32, #tpu.memory_space<vmem>>
      %dma_start3A_124 = tpu.memref_slice %arg4[%add3A_4] : memref<4096xi32, #tpu.memory_space<hbm>> -> memref<64xi32, #tpu.memory_space<hbm>>
      %dma_start3A_125 = arith.constant 0 : i32
      %dma_start3A_126 = tpu.memref_slice %arg9[%run_scoped3A_5, %dma_start3A_125] : memref<2x64xi32, #tpu.memory_space<vmem>> -> memref<1x64xi32, #tpu.memory_space<vmem>>
      %dma_start3A_127 = tpu.memref_squeeze %dma_start3A_126 : memref<1x64xi32, #tpu.memory_space<vmem>> -> memref<64xi32, #tpu.memory_space<vmem>>
      %dma_start3A_128 = tpu.memref_slice %arg4[%add3A_4] : memref<4096xi32, #tpu.memory_space<hbm>> -> memref<64xi32, #tpu.memory_space<hbm>>
      tpu.enqueue_dma source(%dma_start3A_128 : memref<64xi32, #tpu.memory_space<hbm>>) target(%dma_start3A_127 : memref<64xi32, #tpu.memory_space<vmem>>) target_semaphore(%run_scoped3A_120 : memref<!tpu.dma_semaphore, #tpu.memory_space<semaphore_mem>>)
      %dma_wait3A_129 = arith.constant 0 : i32
      %dma_wait3A_130 = tpu.memref_slice %arg9[%run_scoped3A_5, %dma_wait3A_129] : memref<2x64xi32, #tpu.memory_space<vmem>> -> memref<1x64xi32, #tpu.memory_space<vmem>>
      %dma_wait3A_131 = tpu.memref_squeeze %dma_wait3A_130 : memref<1x64xi32, #tpu.memory_space<vmem>> -> memref<64xi32, #tpu.memory_space<vmem>>
      %dma_wait3A_132 = tpu.memref_slice %arg4[%add3A_4] : memref<4096xi32, #tpu.memory_space<hbm>> -> memref<64xi32, #tpu.memory_space<hbm>>
      %dma_wait3A_133 = arith.constant 0 : i32
      %dma_wait3A_134 = tpu.memref_slice %arg9[%run_scoped3A_5, %dma_wait3A_133] : memref<2x64xi32, #tpu.memory_space<vmem>> -> memref<1x64xi32, #tpu.memory_space<vmem>>
      %dma_wait3A_135 = tpu.memref_squeeze %dma_wait3A_134 : memref<1x64xi32, #tpu.memory_space<vmem>> -> memref<64xi32, #tpu.memory_space<vmem>>
      %dma_wait3A_136 = tpu.memref_slice %arg4[%add3A_4] : memref<4096xi32, #tpu.memory_space<hbm>> -> memref<64xi32, #tpu.memory_space<hbm>>
      tpu.wait_dma2 semaphore(%run_scoped3A_120 : memref<!tpu.dma_semaphore, #tpu.memory_space<semaphore_mem>>) src(%dma_wait3A_136 : memref<64xi32, #tpu.memory_space<hbm>>) dst(%dma_wait3A_135 : memref<64xi32, #tpu.memory_space<vmem>>)
      tpu.yield
    }) : () -> ()
    "tpu.region"() ({
      %run_scoped3A_120 = tpu.sem_alloc : memref<!tpu.dma_semaphore, #tpu.memory_space<semaphore_mem>>
      %dma_start3A_121 = arith.constant 0 : i32
      %dma_start3A_122 = tpu.memref_slice %arg2[%add3A_4, %dma_start3A_121] : memref<4096x512xi32, #tpu.memory_space<hbm>> -> memref<64x512xi32, #tpu.memory_space<hbm>>
      %dma_start3A_123 = arith.constant 0 : i32
      %dma_start3A_124 = tpu.memref_slice %arg2[%add3A_4, %dma_start3A_123] : memref<4096x512xi32, #tpu.memory_space<hbm>> -> memref<64x512xi32, #tpu.memory_space<hbm>>
      tpu.enqueue_dma source(%dma_start3A_124 : memref<64x512xi32, #tpu.memory_space<hbm>>) target(%arg10 : memref<64x512xi32, #tpu.memory_space<vmem>>) target_semaphore(%run_scoped3A_120 : memref<!tpu.dma_semaphore, #tpu.memory_space<semaphore_mem>>)
      %dma_wait3A_125 = arith.constant 0 : i32
      %dma_wait3A_126 = tpu.memref_slice %arg2[%add3A_4, %dma_wait3A_125] : memref<4096x512xi32, #tpu.memory_space<hbm>> -> memref<64x512xi32, #tpu.memory_space<hbm>>
      %dma_wait3A_127 = arith.constant 0 : i32
      %dma_wait3A_128 = tpu.memref_slice %arg2[%add3A_4, %dma_wait3A_127] : memref<4096x512xi32, #tpu.memory_space<hbm>> -> memref<64x512xi32, #tpu.memory_space<hbm>>
      tpu.wait_dma2 semaphore(%run_scoped3A_120 : memref<!tpu.dma_semaphore, #tpu.memory_space<semaphore_mem>>) src(%dma_wait3A_128 : memref<64x512xi32, #tpu.memory_space<hbm>>) dst(%arg10 : memref<64x512xi32, #tpu.memory_space<vmem>>)
      tpu.yield
    }) : () -> ()
    "tpu.region"() ({
      %run_scoped3A_120 = tpu.sem_alloc : memref<!tpu.dma_semaphore, #tpu.memory_space<semaphore_mem>>
      %dma_start3A_121 = arith.constant 0 : i32
      %dma_start3A_122 = tpu.memref_slice %arg5[%add3A_4, %dma_start3A_121] : memref<4096x128xf32, #tpu.memory_space<hbm>> -> memref<64x128xf32, #tpu.memory_space<hbm>>
      %dma_start3A_123 = arith.constant 0 : i32
      %dma_start3A_124 = tpu.memref_slice %arg5[%add3A_4, %dma_start3A_123] : memref<4096x128xf32, #tpu.memory_space<hbm>> -> memref<64x128xf32, #tpu.memory_space<hbm>>
      tpu.enqueue_dma source(%dma_start3A_124 : memref<64x128xf32, #tpu.memory_space<hbm>>) target(%arg11 : memref<64x128xf32, #tpu.memory_space<vmem>>) target_semaphore(%run_scoped3A_120 : memref<!tpu.dma_semaphore, #tpu.memory_space<semaphore_mem>>)
      %dma_wait3A_125 = arith.constant 0 : i32
      %dma_wait3A_126 = tpu.memref_slice %arg5[%add3A_4, %dma_wait3A_125] : memref<4096x128xf32, #tpu.memory_space<hbm>> -> memref<64x128xf32, #tpu.memory_space<hbm>>
      %dma_wait3A_127 = arith.constant 0 : i32
      %dma_wait3A_128 = tpu.memref_slice %arg5[%add3A_4, %dma_wait3A_127] : memref<4096x128xf32, #tpu.memory_space<hbm>> -> memref<64x128xf32, #tpu.memory_space<hbm>>
      tpu.wait_dma2 semaphore(%run_scoped3A_120 : memref<!tpu.dma_semaphore, #tpu.memory_space<semaphore_mem>>) src(%dma_wait3A_128 : memref<64x128xf32, #tpu.memory_space<hbm>>) dst(%arg11 : memref<64x128xf32, #tpu.memory_space<vmem>>)
      tpu.yield
    }) : () -> ()
    "tpu.region"() ({
      %run_scoped3A_120 = tpu.sem_alloc : memref<!tpu.dma_semaphore, #tpu.memory_space<semaphore_mem>>
      %dma_start3A_121 = arith.constant 0 : i32
      %dma_start3A_122 = tpu.memref_slice %arg6[%add3A_4, %dma_start3A_121] : memref<4096x128xf32, #tpu.memory_space<hbm>> -> memref<64x128xf32, #tpu.memory_space<hbm>>
      %dma_start3A_123 = arith.constant 0 : i32
      %dma_start3A_124 = tpu.memref_slice %arg6[%add3A_4, %dma_start3A_123] : memref<4096x128xf32, #tpu.memory_space<hbm>> -> memref<64x128xf32, #tpu.memory_space<hbm>>
      tpu.enqueue_dma source(%dma_start3A_124 : memref<64x128xf32, #tpu.memory_space<hbm>>) target(%arg12 : memref<64x128xf32, #tpu.memory_space<vmem>>) target_semaphore(%run_scoped3A_120 : memref<!tpu.dma_semaphore, #tpu.memory_space<semaphore_mem>>)
      %dma_wait3A_125 = arith.constant 0 : i32
      %dma_wait3A_126 = tpu.memref_slice %arg6[%add3A_4, %dma_wait3A_125] : memref<4096x128xf32, #tpu.memory_space<hbm>> -> memref<64x128xf32, #tpu.memory_space<hbm>>
      %dma_wait3A_127 = arith.constant 0 : i32
      %dma_wait3A_128 = tpu.memref_slice %arg6[%add3A_4, %dma_wait3A_127] : memref<4096x128xf32, #tpu.memory_space<hbm>> -> memref<64x128xf32, #tpu.memory_space<hbm>>
      tpu.wait_dma2 semaphore(%run_scoped3A_120 : memref<!tpu.dma_semaphore, #tpu.memory_space<semaphore_mem>>) src(%dma_wait3A_128 : memref<64x128xf32, #tpu.memory_space<hbm>>) dst(%arg12 : memref<64x128xf32, #tpu.memory_space<vmem>>)
      tpu.yield
    }) : () -> ()
    %dma_start3A = arith.constant 0 : i32
    %dma_start3A_6 = arith.constant 0 : i32
    %dma_start3A_7 = tpu.memref_slice %arg9[%dma_start3A, %dma_start3A_6] : memref<2x64xi32, #tpu.memory_space<vmem>> -> memref<1x64xi32, #tpu.memory_space<vmem>>
    %dma_start3A_8 = tpu.memref_squeeze %dma_start3A_7 : memref<1x64xi32, #tpu.memory_space<vmem>> -> memref<64xi32, #tpu.memory_space<vmem>>
    %dma_start3A_9 = arith.constant 0 : i32
    %dma_start3A_10 = arith.constant 0 : i32
    %dma_start3A_11 = tpu.memref_slice %arg7[%dma_start3A_9, %dma_start3A_10] : memref<12288x512xi32, #tpu.memory_space<hbm>> -> memref<12288x512xi32, #tpu.memory_space<hbm>>
    tpu.enqueue_indirect_dma source(%arg10 : memref<64x512xi32, #tpu.memory_space<vmem>>) target(%dma_start3A_11 : memref<12288x512xi32, #tpu.memory_space<hbm>>) offsets(%dma_start3A_8 : memref<64xi32, #tpu.memory_space<vmem>>) semaphore(%arg13 : memref<!tpu.dma_semaphore, #tpu.memory_space<semaphore_mem>>)
    %dma_start3A_12 = arith.constant 1 : i32
    %dma_start3A_13 = arith.constant 0 : i32
    %dma_start3A_14 = tpu.memref_slice %arg9[%dma_start3A_12, %dma_start3A_13] : memref<2x64xi32, #tpu.memory_space<vmem>> -> memref<1x64xi32, #tpu.memory_space<vmem>>
    %dma_start3A_15 = tpu.memref_squeeze %dma_start3A_14 : memref<1x64xi32, #tpu.memory_space<vmem>> -> memref<64xi32, #tpu.memory_space<vmem>>
    %dma_start3A_16 = arith.constant 0 : i32
    %dma_start3A_17 = arith.constant 0 : i32
    %dma_start3A_18 = tpu.memref_slice %arg7[%dma_start3A_16, %dma_start3A_17] : memref<12288x512xi32, #tpu.memory_space<hbm>> -> memref<12288x512xi32, #tpu.memory_space<hbm>>
    tpu.enqueue_indirect_dma source(%arg10 : memref<64x512xi32, #tpu.memory_space<vmem>>) target(%dma_start3A_18 : memref<12288x512xi32, #tpu.memory_space<hbm>>) offsets(%dma_start3A_15 : memref<64xi32, #tpu.memory_space<vmem>>) semaphore(%arg13 : memref<!tpu.dma_semaphore, #tpu.memory_space<semaphore_mem>>)
    %dma_start3A_19 = arith.constant 0 : i32
    %dma_start3A_20 = arith.constant 0 : i32
    %dma_start3A_21 = tpu.memref_slice %arg9[%dma_start3A_19, %dma_start3A_20] : memref<2x64xi32, #tpu.memory_space<vmem>> -> memref<1x64xi32, #tpu.memory_space<vmem>>
    %dma_start3A_22 = tpu.memref_squeeze %dma_start3A_21 : memref<1x64xi32, #tpu.memory_space<vmem>> -> memref<64xi32, #tpu.memory_space<vmem>>
    %dma_start3A_23 = arith.constant 0 : i32
    %dma_start3A_24 = arith.constant 0 : i32
    %dma_start3A_25 = tpu.memref_slice %arg8[%dma_start3A_23, %dma_start3A_24] : memref<12288x128xf32, #tpu.memory_space<hbm>> -> memref<12288x128xf32, #tpu.memory_space<hbm>>
    tpu.enqueue_indirect_dma source(%arg11 : memref<64x128xf32, #tpu.memory_space<vmem>>) target(%dma_start3A_25 : memref<12288x128xf32, #tpu.memory_space<hbm>>) offsets(%dma_start3A_22 : memref<64xi32, #tpu.memory_space<vmem>>) semaphore(%arg13 : memref<!tpu.dma_semaphore, #tpu.memory_space<semaphore_mem>>)
    %dma_start3A_26 = arith.constant 1 : i32
    %dma_start3A_27 = arith.constant 0 : i32
    %dma_start3A_28 = tpu.memref_slice %arg9[%dma_start3A_26, %dma_start3A_27] : memref<2x64xi32, #tpu.memory_space<vmem>> -> memref<1x64xi32, #tpu.memory_space<vmem>>
    %dma_start3A_29 = tpu.memref_squeeze %dma_start3A_28 : memref<1x64xi32, #tpu.memory_space<vmem>> -> memref<64xi32, #tpu.memory_space<vmem>>
    %dma_start3A_30 = arith.constant 0 : i32
    %dma_start3A_31 = arith.constant 0 : i32
    %dma_start3A_32 = tpu.memref_slice %arg8[%dma_start3A_30, %dma_start3A_31] : memref<12288x128xf32, #tpu.memory_space<hbm>> -> memref<12288x128xf32, #tpu.memory_space<hbm>>
    tpu.enqueue_indirect_dma source(%arg12 : memref<64x128xf32, #tpu.memory_space<vmem>>) target(%dma_start3A_32 : memref<12288x128xf32, #tpu.memory_space<hbm>>) offsets(%dma_start3A_29 : memref<64xi32, #tpu.memory_space<vmem>>) semaphore(%arg13 : memref<!tpu.dma_semaphore, #tpu.memory_space<semaphore_mem>>)
    %dma_wait3A = arith.constant 0 : i32
    %dma_wait3A_33 = arith.constant 0 : i32
    %dma_wait3A_34 = tpu.memref_slice %arg9[%dma_wait3A, %dma_wait3A_33] : memref<2x64xi32, #tpu.memory_space<vmem>> -> memref<1x64xi32, #tpu.memory_space<vmem>>
    %dma_wait3A_35 = tpu.memref_squeeze %dma_wait3A_34 : memref<1x64xi32, #tpu.memory_space<vmem>> -> memref<64xi32, #tpu.memory_space<vmem>>
    %dma_wait3A_36 = arith.constant 0 : i32
    %dma_wait3A_37 = arith.constant 0 : i32
    %dma_wait3A_38 = tpu.memref_slice %arg7[%dma_wait3A_36, %dma_wait3A_37] : memref<12288x512xi32, #tpu.memory_space<hbm>> -> memref<12288x512xi32, #tpu.memory_space<hbm>>
    tpu.wait_indirect_dma semaphore(%arg13 : memref<!tpu.dma_semaphore, #tpu.memory_space<semaphore_mem>>) src(%arg10 : memref<64x512xi32, #tpu.memory_space<vmem>>) dst(%dma_wait3A_38 : memref<12288x512xi32, #tpu.memory_space<hbm>>)
    %dma_wait3A_39 = arith.constant 1 : i32
    %dma_wait3A_40 = arith.constant 0 : i32
    %dma_wait3A_41 = tpu.memref_slice %arg9[%dma_wait3A_39, %dma_wait3A_40] : memref<2x64xi32, #tpu.memory_space<vmem>> -> memref<1x64xi32, #tpu.memory_space<vmem>>
    %dma_wait3A_42 = tpu.memref_squeeze %dma_wait3A_41 : memref<1x64xi32, #tpu.memory_space<vmem>> -> memref<64xi32, #tpu.memory_space<vmem>>
    %dma_wait3A_43 = arith.constant 0 : i32
    %dma_wait3A_44 = arith.constant 0 : i32
    %dma_wait3A_45 = tpu.memref_slice %arg7[%dma_wait3A_43, %dma_wait3A_44] : memref<12288x512xi32, #tpu.memory_space<hbm>> -> memref<12288x512xi32, #tpu.memory_space<hbm>>
    tpu.wait_indirect_dma semaphore(%arg13 : memref<!tpu.dma_semaphore, #tpu.memory_space<semaphore_mem>>) src(%arg10 : memref<64x512xi32, #tpu.memory_space<vmem>>) dst(%dma_wait3A_45 : memref<12288x512xi32, #tpu.memory_space<hbm>>)
    %dma_wait3A_46 = arith.constant 0 : i32
    %dma_wait3A_47 = arith.constant 0 : i32
    %dma_wait3A_48 = tpu.memref_slice %arg9[%dma_wait3A_46, %dma_wait3A_47] : memref<2x64xi32, #tpu.memory_space<vmem>> -> memref<1x64xi32, #tpu.memory_space<vmem>>
    %dma_wait3A_49 = tpu.memref_squeeze %dma_wait3A_48 : memref<1x64xi32, #tpu.memory_space<vmem>> -> memref<64xi32, #tpu.memory_space<vmem>>
    %dma_wait3A_50 = arith.constant 0 : i32
    %dma_wait3A_51 = arith.constant 0 : i32
    %dma_wait3A_52 = tpu.memref_slice %arg8[%dma_wait3A_50, %dma_wait3A_51] : memref<12288x128xf32, #tpu.memory_space<hbm>> -> memref<12288x128xf32, #tpu.memory_space<hbm>>
    tpu.wait_indirect_dma semaphore(%arg13 : memref<!tpu.dma_semaphore, #tpu.memory_space<semaphore_mem>>) src(%arg11 : memref<64x128xf32, #tpu.memory_space<vmem>>) dst(%dma_wait3A_52 : memref<12288x128xf32, #tpu.memory_space<hbm>>)
    %dma_wait3A_53 = arith.constant 1 : i32
    %dma_wait3A_54 = arith.constant 0 : i32
    %dma_wait3A_55 = tpu.memref_slice %arg9[%dma_wait3A_53, %dma_wait3A_54] : memref<2x64xi32, #tpu.memory_space<vmem>> -> memref<1x64xi32, #tpu.memory_space<vmem>>
    %dma_wait3A_56 = tpu.memref_squeeze %dma_wait3A_55 : memref<1x64xi32, #tpu.memory_space<vmem>> -> memref<64xi32, #tpu.memory_space<vmem>>
    %dma_wait3A_57 = arith.constant 0 : i32
    %dma_wait3A_58 = arith.constant 0 : i32
    %dma_wait3A_59 = tpu.memref_slice %arg8[%dma_wait3A_57, %dma_wait3A_58] : memref<12288x128xf32, #tpu.memory_space<hbm>> -> memref<12288x128xf32, #tpu.memory_space<hbm>>
    tpu.wait_indirect_dma semaphore(%arg13 : memref<!tpu.dma_semaphore, #tpu.memory_space<semaphore_mem>>) src(%arg12 : memref<64x128xf32, #tpu.memory_space<vmem>>) dst(%dma_wait3A_59 : memref<12288x128xf32, #tpu.memory_space<hbm>>)
    %add3A_60 = arith.constant 64 : i32
    %add3A_61 = arith.addi %mul3A_2, %add3A_60 : i32
    %run_scoped3A_62 = arith.constant 0 : i32
    "tpu.region"() ({
      %run_scoped3A_120 = tpu.sem_alloc : memref<!tpu.dma_semaphore, #tpu.memory_space<semaphore_mem>>
      %dma_start3A_121 = arith.constant 0 : i32
      %dma_start3A_122 = tpu.memref_slice %arg9[%run_scoped3A_62, %dma_start3A_121] : memref<2x64xi32, #tpu.memory_space<vmem>> -> memref<1x64xi32, #tpu.memory_space<vmem>>
      %dma_start3A_123 = tpu.memref_squeeze %dma_start3A_122 : memref<1x64xi32, #tpu.memory_space<vmem>> -> memref<64xi32, #tpu.memory_space<vmem>>
      %dma_start3A_124 = tpu.memref_slice %arg3[%add3A_61] : memref<4096xi32, #tpu.memory_space<hbm>> -> memref<64xi32, #tpu.memory_space<hbm>>
      %dma_start3A_125 = arith.constant 0 : i32
      %dma_start3A_126 = tpu.memref_slice %arg9[%run_scoped3A_62, %dma_start3A_125] : memref<2x64xi32, #tpu.memory_space<vmem>> -> memref<1x64xi32, #tpu.memory_space<vmem>>
      %dma_start3A_127 = tpu.memref_squeeze %dma_start3A_126 : memref<1x64xi32, #tpu.memory_space<vmem>> -> memref<64xi32, #tpu.memory_space<vmem>>
      %dma_start3A_128 = tpu.memref_slice %arg3[%add3A_61] : memref<4096xi32, #tpu.memory_space<hbm>> -> memref<64xi32, #tpu.memory_space<hbm>>
      tpu.enqueue_dma source(%dma_start3A_128 : memref<64xi32, #tpu.memory_space<hbm>>) target(%dma_start3A_127 : memref<64xi32, #tpu.memory_space<vmem>>) target_semaphore(%run_scoped3A_120 : memref<!tpu.dma_semaphore, #tpu.memory_space<semaphore_mem>>)
      %dma_wait3A_129 = arith.constant 0 : i32
      %dma_wait3A_130 = tpu.memref_slice %arg9[%run_scoped3A_62, %dma_wait3A_129] : memref<2x64xi32, #tpu.memory_space<vmem>> -> memref<1x64xi32, #tpu.memory_space<vmem>>
      %dma_wait3A_131 = tpu.memref_squeeze %dma_wait3A_130 : memref<1x64xi32, #tpu.memory_space<vmem>> -> memref<64xi32, #tpu.memory_space<vmem>>
      %dma_wait3A_132 = tpu.memref_slice %arg3[%add3A_61] : memref<4096xi32, #tpu.memory_space<hbm>> -> memref<64xi32, #tpu.memory_space<hbm>>
      %dma_wait3A_133 = arith.constant 0 : i32
      %dma_wait3A_134 = tpu.memref_slice %arg9[%run_scoped3A_62, %dma_wait3A_133] : memref<2x64xi32, #tpu.memory_space<vmem>> -> memref<1x64xi32, #tpu.memory_space<vmem>>
      %dma_wait3A_135 = tpu.memref_squeeze %dma_wait3A_134 : memref<1x64xi32, #tpu.memory_space<vmem>> -> memref<64xi32, #tpu.memory_space<vmem>>
      %dma_wait3A_136 = tpu.memref_slice %arg3[%add3A_61] : memref<4096xi32, #tpu.memory_space<hbm>> -> memref<64xi32, #tpu.memory_space<hbm>>
      tpu.wait_dma2 semaphore(%run_scoped3A_120 : memref<!tpu.dma_semaphore, #tpu.memory_space<semaphore_mem>>) src(%dma_wait3A_136 : memref<64xi32, #tpu.memory_space<hbm>>) dst(%dma_wait3A_135 : memref<64xi32, #tpu.memory_space<vmem>>)
      tpu.yield
    }) : () -> ()
    %run_scoped3A_63 = arith.constant 1 : i32
    "tpu.region"() ({
      %run_scoped3A_120 = tpu.sem_alloc : memref<!tpu.dma_semaphore, #tpu.memory_space<semaphore_mem>>
      %dma_start3A_121 = arith.constant 0 : i32
      %dma_start3A_122 = tpu.memref_slice %arg9[%run_scoped3A_63, %dma_start3A_121] : memref<2x64xi32, #tpu.memory_space<vmem>> -> memref<1x64xi32, #tpu.memory_space<vmem>>
      %dma_start3A_123 = tpu.memref_squeeze %dma_start3A_122 : memref<1x64xi32, #tpu.memory_space<vmem>> -> memref<64xi32, #tpu.memory_space<vmem>>
      %dma_start3A_124 = tpu.memref_slice %arg4[%add3A_61] : memref<4096xi32, #tpu.memory_space<hbm>> -> memref<64xi32, #tpu.memory_space<hbm>>
      %dma_start3A_125 = arith.constant 0 : i32
      %dma_start3A_126 = tpu.memref_slice %arg9[%run_scoped3A_63, %dma_start3A_125] : memref<2x64xi32, #tpu.memory_space<vmem>> -> memref<1x64xi32, #tpu.memory_space<vmem>>
      %dma_start3A_127 = tpu.memref_squeeze %dma_start3A_126 : memref<1x64xi32, #tpu.memory_space<vmem>> -> memref<64xi32, #tpu.memory_space<vmem>>
      %dma_start3A_128 = tpu.memref_slice %arg4[%add3A_61] : memref<4096xi32, #tpu.memory_space<hbm>> -> memref<64xi32, #tpu.memory_space<hbm>>
      tpu.enqueue_dma source(%dma_start3A_128 : memref<64xi32, #tpu.memory_space<hbm>>) target(%dma_start3A_127 : memref<64xi32, #tpu.memory_space<vmem>>) target_semaphore(%run_scoped3A_120 : memref<!tpu.dma_semaphore, #tpu.memory_space<semaphore_mem>>)
      %dma_wait3A_129 = arith.constant 0 : i32
      %dma_wait3A_130 = tpu.memref_slice %arg9[%run_scoped3A_63, %dma_wait3A_129] : memref<2x64xi32, #tpu.memory_space<vmem>> -> memref<1x64xi32, #tpu.memory_space<vmem>>
      %dma_wait3A_131 = tpu.memref_squeeze %dma_wait3A_130 : memref<1x64xi32, #tpu.memory_space<vmem>> -> memref<64xi32, #tpu.memory_space<vmem>>
      %dma_wait3A_132 = tpu.memref_slice %arg4[%add3A_61] : memref<4096xi32, #tpu.memory_space<hbm>> -> memref<64xi32, #tpu.memory_space<hbm>>
      %dma_wait3A_133 = arith.constant 0 : i32
      %dma_wait3A_134 = tpu.memref_slice %arg9[%run_scoped3A_63, %dma_wait3A_133] : memref<2x64xi32, #tpu.memory_space<vmem>> -> memref<1x64xi32, #tpu.memory_space<vmem>>
      %dma_wait3A_135 = tpu.memref_squeeze %dma_wait3A_134 : memref<1x64xi32, #tpu.memory_space<vmem>> -> memref<64xi32, #tpu.memory_space<vmem>>
      %dma_wait3A_136 = tpu.memref_slice %arg4[%add3A_61] : memref<4096xi32, #tpu.memory_space<hbm>> -> memref<64xi32, #tpu.memory_space<hbm>>
      tpu.wait_dma2 semaphore(%run_scoped3A_120 : memref<!tpu.dma_semaphore, #tpu.memory_space<semaphore_mem>>) src(%dma_wait3A_136 : memref<64xi32, #tpu.memory_space<hbm>>) dst(%dma_wait3A_135 : memref<64xi32, #tpu.memory_space<vmem>>)
      tpu.yield
    }) : () -> ()
    "tpu.region"() ({
      %run_scoped3A_120 = tpu.sem_alloc : memref<!tpu.dma_semaphore, #tpu.memory_space<semaphore_mem>>
      %dma_start3A_121 = arith.constant 0 : i32
      %dma_start3A_122 = tpu.memref_slice %arg2[%add3A_61, %dma_start3A_121] : memref<4096x512xi32, #tpu.memory_space<hbm>> -> memref<64x512xi32, #tpu.memory_space<hbm>>
      %dma_start3A_123 = arith.constant 0 : i32
      %dma_start3A_124 = tpu.memref_slice %arg2[%add3A_61, %dma_start3A_123] : memref<4096x512xi32, #tpu.memory_space<hbm>> -> memref<64x512xi32, #tpu.memory_space<hbm>>
      tpu.enqueue_dma source(%dma_start3A_124 : memref<64x512xi32, #tpu.memory_space<hbm>>) target(%arg10 : memref<64x512xi32, #tpu.memory_space<vmem>>) target_semaphore(%run_scoped3A_120 : memref<!tpu.dma_semaphore, #tpu.memory_space<semaphore_mem>>)
      %dma_wait3A_125 = arith.constant 0 : i32
      %dma_wait3A_126 = tpu.memref_slice %arg2[%add3A_61, %dma_wait3A_125] : memref<4096x512xi32, #tpu.memory_space<hbm>> -> memref<64x512xi32, #tpu.memory_space<hbm>>
      %dma_wait3A_127 = arith.constant 0 : i32
      %dma_wait3A_128 = tpu.memref_slice %arg2[%add3A_61, %dma_wait3A_127] : memref<4096x512xi32, #tpu.memory_space<hbm>> -> memref<64x512xi32, #tpu.memory_space<hbm>>
      tpu.wait_dma2 semaphore(%run_scoped3A_120 : memref<!tpu.dma_semaphore, #tpu.memory_space<semaphore_mem>>) src(%dma_wait3A_128 : memref<64x512xi32, #tpu.memory_space<hbm>>) dst(%arg10 : memref<64x512xi32, #tpu.memory_space<vmem>>)
      tpu.yield
    }) : () -> ()
    "tpu.region"() ({
      %run_scoped3A_120 = tpu.sem_alloc : memref<!tpu.dma_semaphore, #tpu.memory_space<semaphore_mem>>
      %dma_start3A_121 = arith.constant 0 : i32
      %dma_start3A_122 = tpu.memref_slice %arg5[%add3A_61, %dma_start3A_121] : memref<4096x128xf32, #tpu.memory_space<hbm>> -> memref<64x128xf32, #tpu.memory_space<hbm>>
      %dma_start3A_123 = arith.constant 0 : i32
      %dma_start3A_124 = tpu.memref_slice %arg5[%add3A_61, %dma_start3A_123] : memref<4096x128xf32, #tpu.memory_space<hbm>> -> memref<64x128xf32, #tpu.memory_space<hbm>>
      tpu.enqueue_dma source(%dma_start3A_124 : memref<64x128xf32, #tpu.memory_space<hbm>>) target(%arg11 : memref<64x128xf32, #tpu.memory_space<vmem>>) target_semaphore(%run_scoped3A_120 : memref<!tpu.dma_semaphore, #tpu.memory_space<semaphore_mem>>)
      %dma_wait3A_125 = arith.constant 0 : i32
      %dma_wait3A_126 = tpu.memref_slice %arg5[%add3A_61, %dma_wait3A_125] : memref<4096x128xf32, #tpu.memory_space<hbm>> -> memref<64x128xf32, #tpu.memory_space<hbm>>
      %dma_wait3A_127 = arith.constant 0 : i32
      %dma_wait3A_128 = tpu.memref_slice %arg5[%add3A_61, %dma_wait3A_127] : memref<4096x128xf32, #tpu.memory_space<hbm>> -> memref<64x128xf32, #tpu.memory_space<hbm>>
      tpu.wait_dma2 semaphore(%run_scoped3A_120 : memref<!tpu.dma_semaphore, #tpu.memory_space<semaphore_mem>>) src(%dma_wait3A_128 : memref<64x128xf32, #tpu.memory_space<hbm>>) dst(%arg11 : memref<64x128xf32, #tpu.memory_space<vmem>>)
      tpu.yield
    }) : () -> ()
    "tpu.region"() ({
      %run_scoped3A_120 = tpu.sem_alloc : memref<!tpu.dma_semaphore, #tpu.memory_space<semaphore_mem>>
      %dma_start3A_121 = arith.constant 0 : i32
      %dma_start3A_122 = tpu.memref_slice %arg6[%add3A_61, %dma_start3A_121] : memref<4096x128xf32, #tpu.memory_space<hbm>> -> memref<64x128xf32, #tpu.memory_space<hbm>>
      %dma_start3A_123 = arith.constant 0 : i32
      %dma_start3A_124 = tpu.memref_slice %arg6[%add3A_61, %dma_start3A_123] : memref<4096x128xf32, #tpu.memory_space<hbm>> -> memref<64x128xf32, #tpu.memory_space<hbm>>
      tpu.enqueue_dma source(%dma_start3A_124 : memref<64x128xf32, #tpu.memory_space<hbm>>) target(%arg12 : memref<64x128xf32, #tpu.memory_space<vmem>>) target_semaphore(%run_scoped3A_120 : memref<!tpu.dma_semaphore, #tpu.memory_space<semaphore_mem>>)
      %dma_wait3A_125 = arith.constant 0 : i32
      %dma_wait3A_126 = tpu.memref_slice %arg6[%add3A_61, %dma_wait3A_125] : memref<4096x128xf32, #tpu.memory_space<hbm>> -> memref<64x128xf32, #tpu.memory_space<hbm>>
      %dma_wait3A_127 = arith.constant 0 : i32
      %dma_wait3A_128 = tpu.memref_slice %arg6[%add3A_61, %dma_wait3A_127] : memref<4096x128xf32, #tpu.memory_space<hbm>> -> memref<64x128xf32, #tpu.memory_space<hbm>>
      tpu.wait_dma2 semaphore(%run_scoped3A_120 : memref<!tpu.dma_semaphore, #tpu.memory_space<semaphore_mem>>) src(%dma_wait3A_128 : memref<64x128xf32, #tpu.memory_space<hbm>>) dst(%arg12 : memref<64x128xf32, #tpu.memory_space<vmem>>)
      tpu.yield
    }) : () -> ()
    %dma_start3A_64 = arith.constant 0 : i32
    %dma_start3A_65 = arith.constant 0 : i32
    %dma_start3A_66 = tpu.memref_slice %arg9[%dma_start3A_64, %dma_start3A_65] : memref<2x64xi32, #tpu.memory_space<vmem>> -> memref<1x64xi32, #tpu.memory_space<vmem>>
    %dma_start3A_67 = tpu.memref_squeeze %dma_start3A_66 : memref<1x64xi32, #tpu.memory_space<vmem>> -> memref<64xi32, #tpu.memory_space<vmem>>
    %dma_start3A_68 = arith.constant 0 : i32
    %dma_start3A_69 = arith.constant 0 : i32
    %dma_start3A_70 = tpu.memref_slice %arg7[%dma_start3A_68, %dma_start3A_69] : memref<12288x512xi32, #tpu.memory_space<hbm>> -> memref<12288x512xi32, #tpu.memory_space<hbm>>
    tpu.enqueue_indirect_dma source(%arg10 : memref<64x512xi32, #tpu.memory_space<vmem>>) target(%dma_start3A_70 : memref<12288x512xi32, #tpu.memory_space<hbm>>) offsets(%dma_start3A_67 : memref<64xi32, #tpu.memory_space<vmem>>) semaphore(%arg13 : memref<!tpu.dma_semaphore, #tpu.memory_space<semaphore_mem>>)
    %dma_start3A_71 = arith.constant 1 : i32
    %dma_start3A_72 = arith.constant 0 : i32
    %dma_start3A_73 = tpu.memref_slice %arg9[%dma_start3A_71, %dma_start3A_72] : memref<2x64xi32, #tpu.memory_space<vmem>> -> memref<1x64xi32, #tpu.memory_space<vmem>>
    %dma_start3A_74 = tpu.memref_squeeze %dma_start3A_73 : memref<1x64xi32, #tpu.memory_space<vmem>> -> memref<64xi32, #tpu.memory_space<vmem>>
    %dma_start3A_75 = arith.constant 0 : i32
    %dma_start3A_76 = arith.constant 0 : i32
    %dma_start3A_77 = tpu.memref_slice %arg7[%dma_start3A_75, %dma_start3A_76] : memref<12288x512xi32, #tpu.memory_space<hbm>> -> memref<12288x512xi32, #tpu.memory_space<hbm>>
    tpu.enqueue_indirect_dma source(%arg10 : memref<64x512xi32, #tpu.memory_space<vmem>>) target(%dma_start3A_77 : memref<12288x512xi32, #tpu.memory_space<hbm>>) offsets(%dma_start3A_74 : memref<64xi32, #tpu.memory_space<vmem>>) semaphore(%arg13 : memref<!tpu.dma_semaphore, #tpu.memory_space<semaphore_mem>>)
    %dma_start3A_78 = arith.constant 0 : i32
    %dma_start3A_79 = arith.constant 0 : i32
    %dma_start3A_80 = tpu.memref_slice %arg9[%dma_start3A_78, %dma_start3A_79] : memref<2x64xi32, #tpu.memory_space<vmem>> -> memref<1x64xi32, #tpu.memory_space<vmem>>
    %dma_start3A_81 = tpu.memref_squeeze %dma_start3A_80 : memref<1x64xi32, #tpu.memory_space<vmem>> -> memref<64xi32, #tpu.memory_space<vmem>>
    %dma_start3A_82 = arith.constant 0 : i32
    %dma_start3A_83 = arith.constant 0 : i32
    %dma_start3A_84 = tpu.memref_slice %arg8[%dma_start3A_82, %dma_start3A_83] : memref<12288x128xf32, #tpu.memory_space<hbm>> -> memref<12288x128xf32, #tpu.memory_space<hbm>>
    tpu.enqueue_indirect_dma source(%arg11 : memref<64x128xf32, #tpu.memory_space<vmem>>) target(%dma_start3A_84 : memref<12288x128xf32, #tpu.memory_space<hbm>>) offsets(%dma_start3A_81 : memref<64xi32, #tpu.memory_space<vmem>>) semaphore(%arg13 : memref<!tpu.dma_semaphore, #tpu.memory_space<semaphore_mem>>)
    %dma_start3A_85 = arith.constant 1 : i32
    %dma_start3A_86 = arith.constant 0 : i32
    %dma_start3A_87 = tpu.memref_slice %arg9[%dma_start3A_85, %dma_start3A_86] : memref<2x64xi32, #tpu.memory_space<vmem>> -> memref<1x64xi32, #tpu.memory_space<vmem>>
    %dma_start3A_88 = tpu.memref_squeeze %dma_start3A_87 : memref<1x64xi32, #tpu.memory_space<vmem>> -> memref<64xi32, #tpu.memory_space<vmem>>
    %dma_start3A_89 = arith.constant 0 : i32
    %dma_start3A_90 = arith.constant 0 : i32
    %dma_start3A_91 = tpu.memref_slice %arg8[%dma_start3A_89, %dma_start3A_90] : memref<12288x128xf32, #tpu.memory_space<hbm>> -> memref<12288x128xf32, #tpu.memory_space<hbm>>
    tpu.enqueue_indirect_dma source(%arg12 : memref<64x128xf32, #tpu.memory_space<vmem>>) target(%dma_start3A_91 : memref<12288x128xf32, #tpu.memory_space<hbm>>) offsets(%dma_start3A_88 : memref<64xi32, #tpu.memory_space<vmem>>) semaphore(%arg13 : memref<!tpu.dma_semaphore, #tpu.memory_space<semaphore_mem>>)
    %dma_wait3A_92 = arith.constant 0 : i32
    %dma_wait3A_93 = arith.constant 0 : i32
    %dma_wait3A_94 = tpu.memref_slice %arg9[%dma_wait3A_92, %dma_wait3A_93] : memref<2x64xi32, #tpu.memory_space<vmem>> -> memref<1x64xi32, #tpu.memory_space<vmem>>
    %dma_wait3A_95 = tpu.memref_squeeze %dma_wait3A_94 : memref<1x64xi32, #tpu.memory_space<vmem>> -> memref<64xi32, #tpu.memory_space<vmem>>
    %dma_wait3A_96 = arith.constant 0 : i32
    %dma_wait3A_97 = arith.constant 0 : i32
    %dma_wait3A_98 = tpu.memref_slice %arg7[%dma_wait3A_96, %dma_wait3A_97] : memref<12288x512xi32, #tpu.memory_space<hbm>> -> memref<12288x512xi32, #tpu.memory_space<hbm>>
    tpu.wait_indirect_dma semaphore(%arg13 : memref<!tpu.dma_semaphore, #tpu.memory_space<semaphore_mem>>) src(%arg10 : memref<64x512xi32, #tpu.memory_space<vmem>>) dst(%dma_wait3A_98 : memref<12288x512xi32, #tpu.memory_space<hbm>>)
    %dma_wait3A_99 = arith.constant 1 : i32
    %dma_wait3A_100 = arith.constant 0 : i32
    %dma_wait3A_101 = tpu.memref_slice %arg9[%dma_wait3A_99, %dma_wait3A_100] : memref<2x64xi32, #tpu.memory_space<vmem>> -> memref<1x64xi32, #tpu.memory_space<vmem>>
    %dma_wait3A_102 = tpu.memref_squeeze %dma_wait3A_101 : memref<1x64xi32, #tpu.memory_space<vmem>> -> memref<64xi32, #tpu.memory_space<vmem>>
    %dma_wait3A_103 = arith.constant 0 : i32
    %dma_wait3A_104 = arith.constant 0 : i32
    %dma_wait3A_105 = tpu.memref_slice %arg7[%dma_wait3A_103, %dma_wait3A_104] : memref<12288x512xi32, #tpu.memory_space<hbm>> -> memref<12288x512xi32, #tpu.memory_space<hbm>>
    tpu.wait_indirect_dma semaphore(%arg13 : memref<!tpu.dma_semaphore, #tpu.memory_space<semaphore_mem>>) src(%arg10 : memref<64x512xi32, #tpu.memory_space<vmem>>) dst(%dma_wait3A_105 : memref<12288x512xi32, #tpu.memory_space<hbm>>)
    %dma_wait3A_106 = arith.constant 0 : i32
    %dma_wait3A_107 = arith.constant 0 : i32
    %dma_wait3A_108 = tpu.memref_slice %arg9[%dma_wait3A_106, %dma_wait3A_107] : memref<2x64xi32, #tpu.memory_space<vmem>> -> memref<1x64xi32, #tpu.memory_space<vmem>>
    %dma_wait3A_109 = tpu.memref_squeeze %dma_wait3A_108 : memref<1x64xi32, #tpu.memory_space<vmem>> -> memref<64xi32, #tpu.memory_space<vmem>>
    %dma_wait3A_110 = arith.constant 0 : i32
    %dma_wait3A_111 = arith.constant 0 : i32
    %dma_wait3A_112 = tpu.memref_slice %arg8[%dma_wait3A_110, %dma_wait3A_111] : memref<12288x128xf32, #tpu.memory_space<hbm>> -> memref<12288x128xf32, #tpu.memory_space<hbm>>
    tpu.wait_indirect_dma semaphore(%arg13 : memref<!tpu.dma_semaphore, #tpu.memory_space<semaphore_mem>>) src(%arg11 : memref<64x128xf32, #tpu.memory_space<vmem>>) dst(%dma_wait3A_112 : memref<12288x128xf32, #tpu.memory_space<hbm>>)
    %dma_wait3A_113 = arith.constant 1 : i32
    %dma_wait3A_114 = arith.constant 0 : i32
    %dma_wait3A_115 = tpu.memref_slice %arg9[%dma_wait3A_113, %dma_wait3A_114] : memref<2x64xi32, #tpu.memory_space<vmem>> -> memref<1x64xi32, #tpu.memory_space<vmem>>
    %dma_wait3A_116 = tpu.memref_squeeze %dma_wait3A_115 : memref<1x64xi32, #tpu.memory_space<vmem>> -> memref<64xi32, #tpu.memory_space<vmem>>
    %dma_wait3A_117 = arith.constant 0 : i32
    %dma_wait3A_118 = arith.constant 0 : i32
    %dma_wait3A_119 = tpu.memref_slice %arg8[%dma_wait3A_117, %dma_wait3A_118] : memref<12288x128xf32, #tpu.memory_space<hbm>> -> memref<12288x128xf32, #tpu.memory_space<hbm>>
    tpu.wait_indirect_dma semaphore(%arg13 : memref<!tpu.dma_semaphore, #tpu.memory_space<semaphore_mem>>) src(%arg12 : memref<64x128xf32, #tpu.memory_space<vmem>>) dst(%dma_wait3A_119 : memref<12288x128xf32, #tpu.memory_space<hbm>>)
    return
  }
}

module attributes {stable_mosaic.version = 14 : i64} {
  func.func @_router_body(%arg0: memref<4096x1024xf32, #tpu.memory_space<vmem>>, %arg1: memref<16x1024xf32, #tpu.memory_space<vmem>>, %arg2: memref<32x128xi32, #tpu.memory_space<vmem>>, %arg3: memref<32x128xi32, #tpu.memory_space<vmem>>, %arg4: memref<4096x128xf32, #tpu.memory_space<vmem>>, %arg5: memref<4096x128xf32, #tpu.memory_space<vmem>>, %arg6: memref<2x64xi32, #tpu.memory_space<vmem>>) attributes {dimension_semantics = [], scalar_prefetch = 0 : i64, scratch_operands = 0 : i64, tpu.core_type = #tpu.core_type<tc>} {
    %get3A = arith.constant 0 : index
    %get3A_0 = arith.constant 0 : index
    %get3A_1 = vector.load %arg0[%get3A, %get3A_0] : memref<4096x1024xf32, #tpu.memory_space<vmem>>, vector<4096x1024xf32>
    %get3A_2 = arith.constant 0 : index
    %get3A_3 = arith.constant 0 : index
    %get3A_4 = vector.load %arg1[%get3A_2, %get3A_3] : memref<16x1024xf32, #tpu.memory_space<vmem>>, vector<16x1024xf32>
    %dot_general3A = arith.constant dense<0.000000e+00> : vector<4096x16xf32>
    %dot_general3A_5 = tpu.matmul %get3A_1, %get3A_4, %dot_general3A {dimension_numbers = #tpu.dot_dimension_numbers<[1], [1], [0], [0], [0, 0, 1, 0], [], []>, transpose_lhs_hint = false} : vector<4096x1024xf32>, vector<16x1024xf32>, vector<4096x16xf32> -> vector<4096x16xf32>
    %iota3A = tpu.iota {dimensions = array<i32: 1>} : vector<4096x16xi32>
    %reduce_max3A = arith.constant dense<0xFF800000> : vector<4096xf32>
    %reduce_max3A_6 = vector.multi_reduction <maximumf>, %dot_general3A_5, %reduce_max3A [1] : vector<4096x16xf32> to vector<4096xf32>
    %broadcast_in_dim3A = vector.shape_cast %reduce_max3A_6 : vector<4096xf32> to vector<4096x1xf32>
    %eq3A = vector.broadcast %broadcast_in_dim3A : vector<4096x1xf32> to vector<4096x16xf32>
    %eq3A_7 = arith.cmpf oeq, %dot_general3A_5, %eq3A : vector<4096x16xf32>
    %jit3A = arith.constant 16 : i32
    %broadcast_in_dim3A_8 = vector.broadcast %jit3A : i32 to vector<4096x16xi32>
    %select_n3A = arith.select %eq3A_7, %iota3A, %broadcast_in_dim3A_8 : vector<4096x16xi1>, vector<4096x16xi32>
    %reduce_min3A = arith.constant dense<2147483647> : vector<4096xi32>
    %reduce_min3A_9 = vector.multi_reduction <minsi>, %select_n3A, %reduce_min3A [1] : vector<4096x16xi32> to vector<4096xi32>
    %broadcast_in_dim3A_10 = vector.shape_cast %reduce_min3A_9 : vector<4096xi32> to vector<4096x1xi32>
    %eq3A_11 = vector.broadcast %broadcast_in_dim3A_10 : vector<4096x1xi32> to vector<4096x16xi32>
    %eq3A_12 = arith.cmpi eq, %iota3A, %eq3A_11 : vector<4096x16xi32>
    %jit3A_13 = arith.constant -3.40282347E+38 : f32
    %broadcast_in_dim3A_14 = vector.broadcast %jit3A_13 : f32 to vector<4096x16xf32>
    %select_n3A_15 = arith.select %eq3A_12, %broadcast_in_dim3A_14, %dot_general3A_5 : vector<4096x16xi1>, vector<4096x16xf32>
    %reduce_max3A_16 = arith.constant dense<0xFF800000> : vector<4096xf32>
    %reduce_max3A_17 = vector.multi_reduction <maximumf>, %select_n3A_15, %reduce_max3A_16 [1] : vector<4096x16xf32> to vector<4096xf32>
    %broadcast_in_dim3A_18 = vector.shape_cast %reduce_max3A_17 : vector<4096xf32> to vector<4096x1xf32>
    %eq3A_19 = vector.broadcast %broadcast_in_dim3A_18 : vector<4096x1xf32> to vector<4096x16xf32>
    %eq3A_20 = arith.cmpf oeq, %select_n3A_15, %eq3A_19 : vector<4096x16xf32>
    %jit3A_21 = arith.constant 16 : i32
    %broadcast_in_dim3A_22 = vector.broadcast %jit3A_21 : i32 to vector<4096x16xi32>
    %select_n3A_23 = arith.select %eq3A_20, %iota3A, %broadcast_in_dim3A_22 : vector<4096x16xi1>, vector<4096x16xi32>
    %reduce_min3A_24 = arith.constant dense<2147483647> : vector<4096xi32>
    %reduce_min3A_25 = vector.multi_reduction <minsi>, %select_n3A_23, %reduce_min3A_24 [1] : vector<4096x16xi32> to vector<4096xi32>
    %broadcast_in_dim3A_26 = vector.shape_cast %reduce_min3A_25 : vector<4096xi32> to vector<4096x1xi32>
    %sub3A = arith.subf %broadcast_in_dim3A_18, %broadcast_in_dim3A : vector<4096x1xf32>
    %exp3A = math.exp %sub3A : vector<4096x1xf32>
    %add3A = arith.constant 1.000000e+00 : f32
    %add3A_27 = vector.broadcast %add3A : f32 to vector<4096x1xf32>
    %add3A_28 = arith.addf %add3A_27, %exp3A : vector<4096x1xf32>
    %div3A = arith.constant 1.000000e+00 : f32
    %div3A_29 = vector.broadcast %div3A : f32 to vector<4096x1xf32>
    %div3A_30 = arith.divf %div3A_29, %add3A_28 : vector<4096x1xf32>
    %add3A_31 = arith.constant 1.000000e+00 : f32
    %add3A_32 = vector.broadcast %add3A_31 : f32 to vector<4096x1xf32>
    %add3A_33 = arith.addf %add3A_32, %exp3A : vector<4096x1xf32>
    %div3A_34 = arith.divf %exp3A, %add3A_33 : vector<4096x1xf32>
    %eq3A_35 = vector.broadcast %broadcast_in_dim3A_10 : vector<4096x1xi32> to vector<4096x16xi32>
    %eq3A_36 = arith.cmpi eq, %iota3A, %eq3A_35 : vector<4096x16xi32>
    %eq3A_37 = vector.broadcast %broadcast_in_dim3A_26 : vector<4096x1xi32> to vector<4096x16xi32>
    %eq3A_38 = arith.cmpi eq, %iota3A, %eq3A_37 : vector<4096x16xi32>
    %convert_element_type3A = arith.extui %eq3A_36 : vector<4096x16xi1> to vector<4096x16xi32>
    %convert_element_type3A_39 = arith.extui %eq3A_38 : vector<4096x16xi1> to vector<4096x16xi32>
    %add3A_40 = arith.addi %convert_element_type3A, %convert_element_type3A_39 : vector<4096x16xi32>
    %broadcast_in_dim3A_41 = arith.constant 0 : i32
    %broadcast_in_dim3A_42 = vector.broadcast %broadcast_in_dim3A_41 : i32 to vector<1x16xi32>
    %slice3A = vector.extract_strided_slice %add3A_40 {offsets = [0, 0], sizes = [4095, 16], strides = [1, 1]} : vector<4096x16xi32> to vector<4095x16xi32>
    %concatenate3A = tpu.concatenate %broadcast_in_dim3A_42, %slice3A in 0 : vector<1x16xi32>, vector<4095x16xi32> -> vector<4096x16xi32>
    %add3A_43 = arith.addi %add3A_40, %concatenate3A : vector<4096x16xi32>
    %broadcast_in_dim3A_44 = arith.constant 0 : i32
    %broadcast_in_dim3A_45 = vector.broadcast %broadcast_in_dim3A_44 : i32 to vector<2x16xi32>
    %slice3A_46 = vector.extract_strided_slice %add3A_43 {offsets = [0, 0], sizes = [4094, 16], strides = [1, 1]} : vector<4096x16xi32> to vector<4094x16xi32>
    %concatenate3A_47 = tpu.concatenate %broadcast_in_dim3A_45, %slice3A_46 in 0 : vector<2x16xi32>, vector<4094x16xi32> -> vector<4096x16xi32>
    %add3A_48 = arith.addi %add3A_43, %concatenate3A_47 : vector<4096x16xi32>
    %broadcast_in_dim3A_49 = arith.constant 0 : i32
    %broadcast_in_dim3A_50 = vector.broadcast %broadcast_in_dim3A_49 : i32 to vector<4x16xi32>
    %slice3A_51 = vector.extract_strided_slice %add3A_48 {offsets = [0, 0], sizes = [4092, 16], strides = [1, 1]} : vector<4096x16xi32> to vector<4092x16xi32>
    %concatenate3A_52 = tpu.concatenate %broadcast_in_dim3A_50, %slice3A_51 in 0 : vector<4x16xi32>, vector<4092x16xi32> -> vector<4096x16xi32>
    %add3A_53 = arith.addi %add3A_48, %concatenate3A_52 : vector<4096x16xi32>
    %broadcast_in_dim3A_54 = arith.constant 0 : i32
    %broadcast_in_dim3A_55 = vector.broadcast %broadcast_in_dim3A_54 : i32 to vector<8x16xi32>
    %slice3A_56 = vector.extract_strided_slice %add3A_53 {offsets = [0, 0], sizes = [4088, 16], strides = [1, 1]} : vector<4096x16xi32> to vector<4088x16xi32>
    %concatenate3A_57 = tpu.concatenate %broadcast_in_dim3A_55, %slice3A_56 in 0 : vector<8x16xi32>, vector<4088x16xi32> -> vector<4096x16xi32>
    %add3A_58 = arith.addi %add3A_53, %concatenate3A_57 : vector<4096x16xi32>
    %broadcast_in_dim3A_59 = arith.constant 0 : i32
    %broadcast_in_dim3A_60 = vector.broadcast %broadcast_in_dim3A_59 : i32 to vector<16x16xi32>
    %slice3A_61 = vector.extract_strided_slice %add3A_58 {offsets = [0, 0], sizes = [4080, 16], strides = [1, 1]} : vector<4096x16xi32> to vector<4080x16xi32>
    %concatenate3A_62 = tpu.concatenate %broadcast_in_dim3A_60, %slice3A_61 in 0 : vector<16x16xi32>, vector<4080x16xi32> -> vector<4096x16xi32>
    %add3A_63 = arith.addi %add3A_58, %concatenate3A_62 : vector<4096x16xi32>
    %broadcast_in_dim3A_64 = arith.constant 0 : i32
    %broadcast_in_dim3A_65 = vector.broadcast %broadcast_in_dim3A_64 : i32 to vector<32x16xi32>
    %slice3A_66 = vector.extract_strided_slice %add3A_63 {offsets = [0, 0], sizes = [4064, 16], strides = [1, 1]} : vector<4096x16xi32> to vector<4064x16xi32>
    %concatenate3A_67 = tpu.concatenate %broadcast_in_dim3A_65, %slice3A_66 in 0 : vector<32x16xi32>, vector<4064x16xi32> -> vector<4096x16xi32>
    %add3A_68 = arith.addi %add3A_63, %concatenate3A_67 : vector<4096x16xi32>
    %broadcast_in_dim3A_69 = arith.constant 0 : i32
    %broadcast_in_dim3A_70 = vector.broadcast %broadcast_in_dim3A_69 : i32 to vector<64x16xi32>
    %slice3A_71 = vector.extract_strided_slice %add3A_68 {offsets = [0, 0], sizes = [4032, 16], strides = [1, 1]} : vector<4096x16xi32> to vector<4032x16xi32>
    %concatenate3A_72 = tpu.concatenate %broadcast_in_dim3A_70, %slice3A_71 in 0 : vector<64x16xi32>, vector<4032x16xi32> -> vector<4096x16xi32>
    %add3A_73 = arith.addi %add3A_68, %concatenate3A_72 : vector<4096x16xi32>
    %broadcast_in_dim3A_74 = arith.constant 0 : i32
    %broadcast_in_dim3A_75 = vector.broadcast %broadcast_in_dim3A_74 : i32 to vector<128x16xi32>
    %slice3A_76 = vector.extract_strided_slice %add3A_73 {offsets = [0, 0], sizes = [3968, 16], strides = [1, 1]} : vector<4096x16xi32> to vector<3968x16xi32>
    %concatenate3A_77 = tpu.concatenate %broadcast_in_dim3A_75, %slice3A_76 in 0 : vector<128x16xi32>, vector<3968x16xi32> -> vector<4096x16xi32>
    %add3A_78 = arith.addi %add3A_73, %concatenate3A_77 : vector<4096x16xi32>
    %broadcast_in_dim3A_79 = arith.constant 0 : i32
    %broadcast_in_dim3A_80 = vector.broadcast %broadcast_in_dim3A_79 : i32 to vector<256x16xi32>
    %slice3A_81 = vector.extract_strided_slice %add3A_78 {offsets = [0, 0], sizes = [3840, 16], strides = [1, 1]} : vector<4096x16xi32> to vector<3840x16xi32>
    %concatenate3A_82 = tpu.concatenate %broadcast_in_dim3A_80, %slice3A_81 in 0 : vector<256x16xi32>, vector<3840x16xi32> -> vector<4096x16xi32>
    %add3A_83 = arith.addi %add3A_78, %concatenate3A_82 : vector<4096x16xi32>
    %broadcast_in_dim3A_84 = arith.constant 0 : i32
    %broadcast_in_dim3A_85 = vector.broadcast %broadcast_in_dim3A_84 : i32 to vector<512x16xi32>
    %slice3A_86 = vector.extract_strided_slice %add3A_83 {offsets = [0, 0], sizes = [3584, 16], strides = [1, 1]} : vector<4096x16xi32> to vector<3584x16xi32>
    %concatenate3A_87 = tpu.concatenate %broadcast_in_dim3A_85, %slice3A_86 in 0 : vector<512x16xi32>, vector<3584x16xi32> -> vector<4096x16xi32>
    %add3A_88 = arith.addi %add3A_83, %concatenate3A_87 : vector<4096x16xi32>
    %broadcast_in_dim3A_89 = arith.constant 0 : i32
    %broadcast_in_dim3A_90 = vector.broadcast %broadcast_in_dim3A_89 : i32 to vector<1024x16xi32>
    %slice3A_91 = vector.extract_strided_slice %add3A_88 {offsets = [0, 0], sizes = [3072, 16], strides = [1, 1]} : vector<4096x16xi32> to vector<3072x16xi32>
    %concatenate3A_92 = tpu.concatenate %broadcast_in_dim3A_90, %slice3A_91 in 0 : vector<1024x16xi32>, vector<3072x16xi32> -> vector<4096x16xi32>
    %add3A_93 = arith.addi %add3A_88, %concatenate3A_92 : vector<4096x16xi32>
    %broadcast_in_dim3A_94 = arith.constant 0 : i32
    %broadcast_in_dim3A_95 = vector.broadcast %broadcast_in_dim3A_94 : i32 to vector<2048x16xi32>
    %slice3A_96 = vector.extract_strided_slice %add3A_93 {offsets = [0, 0], sizes = [2048, 16], strides = [1, 1]} : vector<4096x16xi32> to vector<2048x16xi32>
    %concatenate3A_97 = tpu.concatenate %broadcast_in_dim3A_95, %slice3A_96 in 0 : vector<2048x16xi32>, vector<2048x16xi32> -> vector<4096x16xi32>
    %add3A_98 = arith.addi %add3A_93, %concatenate3A_97 : vector<4096x16xi32>
    %sub3A_99 = arith.subi %add3A_98, %add3A_40 : vector<4096x16xi32>
    %slice3A_100 = vector.extract_strided_slice %add3A_98 {offsets = [4095, 0], sizes = [1, 16], strides = [1, 1]} : vector<4096x16xi32> to vector<1x16xi32>
    %add3A_101 = arith.constant 255 : i32
    %add3A_102 = vector.broadcast %add3A_101 : i32 to vector<1x16xi32>
    %add3A_103 = arith.addi %slice3A_100, %add3A_102 : vector<1x16xi32>
    %jit3A_104 = arith.constant 256 : i32
    %div3A_105 = vector.broadcast %jit3A_104 : i32 to vector<1x16xi32>
    %div3A_106 = arith.divsi %add3A_103, %div3A_105 : vector<1x16xi32>
    %sign3A = arith.constant 0 : i32
    %sign3A_107 = vector.broadcast %sign3A : i32 to vector<1x16xi32>
    %sign3A_108 = arith.cmpi sgt, %add3A_103, %sign3A_107 : vector<1x16xi32>
    %sign3A_109 = arith.extui %sign3A_108 : vector<1x16xi1> to vector<1x16xi32>
    %sign3A_110 = arith.constant 0 : i32
    %sign3A_111 = vector.broadcast %sign3A_110 : i32 to vector<1x16xi32>
    %sign3A_112 = arith.cmpi slt, %add3A_103, %sign3A_111 : vector<1x16xi32>
    %sign3A_113 = arith.extui %sign3A_112 : vector<1x16xi1> to vector<1x16xi32>
    %sign3A_114 = arith.subi %sign3A_109, %sign3A_113 : vector<1x16xi32>
    %sign3A_115 = arith.constant 0 : i32
    %sign3A_116 = arith.cmpi sgt, %jit3A_104, %sign3A_115 : i32
    %sign3A_117 = arith.extui %sign3A_116 : i1 to i32
    %sign3A_118 = arith.constant 0 : i32
    %sign3A_119 = arith.cmpi slt, %jit3A_104, %sign3A_118 : i32
    %sign3A_120 = arith.extui %sign3A_119 : i1 to i32
    %sign3A_121 = arith.subi %sign3A_117, %sign3A_120 : i32
    %ne3A = vector.broadcast %sign3A_121 : i32 to vector<1x16xi32>
    %ne3A_122 = arith.cmpi ne, %sign3A_114, %ne3A : vector<1x16xi32>
    %rem3A = vector.broadcast %jit3A_104 : i32 to vector<1x16xi32>
    %rem3A_123 = arith.remsi %add3A_103, %rem3A : vector<1x16xi32>
    %ne3A_124 = arith.constant 0 : i32
    %ne3A_125 = vector.broadcast %ne3A_124 : i32 to vector<1x16xi32>
    %ne3A_126 = arith.cmpi ne, %rem3A_123, %ne3A_125 : vector<1x16xi32>
    %and3A = arith.andi %ne3A_122, %ne3A_126 : vector<1x16xi1>
    %sub3A_127 = arith.constant 1 : i32
    %sub3A_128 = vector.broadcast %sub3A_127 : i32 to vector<1x16xi32>
    %sub3A_129 = arith.subi %div3A_106, %sub3A_128 : vector<1x16xi32>
    %select_n3A_130 = arith.select %and3A, %sub3A_129, %div3A_106 : vector<1x16xi1>, vector<1x16xi32>
    %broadcast_in_dim3A_131 = arith.constant 0 : i32
    %broadcast_in_dim3A_132 = vector.broadcast %broadcast_in_dim3A_131 : i32 to vector<1x1xi32>
    %slice3A_133 = vector.extract_strided_slice %select_n3A_130 {offsets = [0, 0], sizes = [1, 15], strides = [1, 1]} : vector<1x16xi32> to vector<1x15xi32>
    %concatenate3A_134 = tpu.concatenate %broadcast_in_dim3A_132, %slice3A_133 in 1 : vector<1x1xi32>, vector<1x15xi32> -> vector<1x16xi32>
    %add3A_135 = arith.addi %select_n3A_130, %concatenate3A_134 : vector<1x16xi32>
    %broadcast_in_dim3A_136 = arith.constant 0 : i32
    %broadcast_in_dim3A_137 = vector.broadcast %broadcast_in_dim3A_136 : i32 to vector<1x2xi32>
    %slice3A_138 = vector.extract_strided_slice %add3A_135 {offsets = [0, 0], sizes = [1, 14], strides = [1, 1]} : vector<1x16xi32> to vector<1x14xi32>
    %concatenate3A_139 = tpu.concatenate %broadcast_in_dim3A_137, %slice3A_138 in 1 : vector<1x2xi32>, vector<1x14xi32> -> vector<1x16xi32>
    %add3A_140 = arith.addi %add3A_135, %concatenate3A_139 : vector<1x16xi32>
    %broadcast_in_dim3A_141 = arith.constant 0 : i32
    %broadcast_in_dim3A_142 = vector.broadcast %broadcast_in_dim3A_141 : i32 to vector<1x4xi32>
    %slice3A_143 = vector.extract_strided_slice %add3A_140 {offsets = [0, 0], sizes = [1, 12], strides = [1, 1]} : vector<1x16xi32> to vector<1x12xi32>
    %concatenate3A_144 = tpu.concatenate %broadcast_in_dim3A_142, %slice3A_143 in 1 : vector<1x4xi32>, vector<1x12xi32> -> vector<1x16xi32>
    %add3A_145 = arith.addi %add3A_140, %concatenate3A_144 : vector<1x16xi32>
    %broadcast_in_dim3A_146 = arith.constant 0 : i32
    %broadcast_in_dim3A_147 = vector.broadcast %broadcast_in_dim3A_146 : i32 to vector<1x8xi32>
    %slice3A_148 = vector.extract_strided_slice %add3A_145 {offsets = [0, 0], sizes = [1, 8], strides = [1, 1]} : vector<1x16xi32> to vector<1x8xi32>
    %concatenate3A_149 = tpu.concatenate %broadcast_in_dim3A_147, %slice3A_148 in 1 : vector<1x8xi32>, vector<1x8xi32> -> vector<1x16xi32>
    %add3A_150 = arith.addi %add3A_145, %concatenate3A_149 : vector<1x16xi32>
    %sub3A_151 = arith.subi %add3A_150, %select_n3A_130 : vector<1x16xi32>
    %mul3A = arith.constant 256 : i32
    %mul3A_152 = vector.broadcast %mul3A : i32 to vector<1x16xi32>
    %mul3A_153 = arith.muli %sub3A_151, %mul3A_152 : vector<1x16xi32>
    %add3A_154 = vector.broadcast %mul3A_153 : vector<1x16xi32> to vector<4096x16xi32>
    %add3A_155 = arith.addi %add3A_154, %sub3A_99 : vector<4096x16xi32>
    %jit3A_156 = arith.constant 0 : i32
    %broadcast_in_dim3A_157 = vector.broadcast %jit3A_156 : i32 to vector<4096x16xi32>
    %select_n3A_158 = arith.select %eq3A_36, %add3A_155, %broadcast_in_dim3A_157 : vector<4096x16xi1>, vector<4096x16xi32>
    %reduce_sum3A = arith.constant dense<0> : vector<4096xi32>
    %reduce_sum3A_159 = vector.multi_reduction <add>, %select_n3A_158, %reduce_sum3A [1] : vector<4096x16xi32> to vector<4096xi32>
    %add3A_160 = vector.broadcast %mul3A_153 : vector<1x16xi32> to vector<4096x16xi32>
    %add3A_161 = arith.addi %add3A_160, %sub3A_99 : vector<4096x16xi32>
    %jit3A_162 = arith.constant 0 : i32
    %broadcast_in_dim3A_163 = vector.broadcast %jit3A_162 : i32 to vector<4096x16xi32>
    %select_n3A_164 = arith.select %eq3A_38, %add3A_161, %broadcast_in_dim3A_163 : vector<4096x16xi1>, vector<4096x16xi32>
    %reduce_sum3A_165 = arith.constant dense<0> : vector<4096xi32>
    %reduce_sum3A_166 = vector.multi_reduction <add>, %select_n3A_164, %reduce_sum3A_165 [1] : vector<4096x16xi32> to vector<4096xi32>
    %reshape3A = vector.shape_cast %reduce_sum3A_159 : vector<4096xi32> to vector<32x128xi32>
    %swap3A = arith.constant 0 : index
    %swap3A_167 = arith.constant 0 : index
    %swap3A_168 = vector.load %arg2[%swap3A, %swap3A_167] : memref<32x128xi32, #tpu.memory_space<vmem>>, vector<32x128xi32>
    tpu.vector_store %arg2[%swap3A, %swap3A_167], %reshape3A {strides = array<i32>} : memref<32x128xi32, #tpu.memory_space<vmem>>, vector<32x128xi32>,
    %reshape3A_169 = vector.shape_cast %reduce_sum3A_166 : vector<4096xi32> to vector<32x128xi32>
    %swap3A_170 = arith.constant 0 : index
    %swap3A_171 = arith.constant 0 : index
    %swap3A_172 = vector.load %arg3[%swap3A_170, %swap3A_171] : memref<32x128xi32, #tpu.memory_space<vmem>>, vector<32x128xi32>
    tpu.vector_store %arg3[%swap3A_170, %swap3A_171], %reshape3A_169 {strides = array<i32>} : memref<32x128xi32, #tpu.memory_space<vmem>>, vector<32x128xi32>,
    %broadcast_in_dim3A_173 = vector.shape_cast %div3A_30 : vector<4096x1xf32> to vector<4096x1xf32>
    %broadcast_in_dim3A_174 = vector.broadcast %broadcast_in_dim3A_173 : vector<4096x1xf32> to vector<4096x128xf32>
    %swap3A_175 = arith.constant 0 : index
    %swap3A_176 = arith.constant 0 : index
    %swap3A_177 = vector.load %arg4[%swap3A_175, %swap3A_176] : memref<4096x128xf32, #tpu.memory_space<vmem>>, vector<4096x128xf32>
    tpu.vector_store %arg4[%swap3A_175, %swap3A_176], %broadcast_in_dim3A_174 {strides = array<i32>} : memref<4096x128xf32, #tpu.memory_space<vmem>>, vector<4096x128xf32>,
    %broadcast_in_dim3A_178 = vector.shape_cast %div3A_34 : vector<4096x1xf32> to vector<4096x1xf32>
    %broadcast_in_dim3A_179 = vector.broadcast %broadcast_in_dim3A_178 : vector<4096x1xf32> to vector<4096x128xf32>
    %swap3A_180 = arith.constant 0 : index
    %swap3A_181 = arith.constant 0 : index
    %swap3A_182 = vector.load %arg5[%swap3A_180, %swap3A_181] : memref<4096x128xf32, #tpu.memory_space<vmem>>, vector<4096x128xf32>
    tpu.vector_store %arg5[%swap3A_180, %swap3A_181], %broadcast_in_dim3A_179 {strides = array<i32>} : memref<4096x128xf32, #tpu.memory_space<vmem>>, vector<4096x128xf32>,
    %iota3A_183 = tpu.iota {dimensions = array<i32: 0>} : vector<64x16xi32>
    %iota3A_184 = tpu.iota {dimensions = array<i32: 1>} : vector<64x16xi32>
    %ge3A = vector.broadcast %sub3A_151 : vector<1x16xi32> to vector<64x16xi32>
    %ge3A_185 = arith.cmpi sge, %iota3A_183, %ge3A : vector<64x16xi32>
    %add3A_186 = arith.addi %sub3A_151, %select_n3A_130 : vector<1x16xi32>
    %lt3A = vector.broadcast %add3A_186 : vector<1x16xi32> to vector<64x16xi32>
    %lt3A_187 = arith.cmpi slt, %iota3A_183, %lt3A : vector<64x16xi32>
    %and3A_188 = arith.andi %ge3A_185, %lt3A_187 : vector<64x16xi1>
    %jit3A_189 = arith.constant 0 : i32
    %broadcast_in_dim3A_190 = vector.broadcast %jit3A_189 : i32 to vector<64x16xi32>
    %select_n3A_191 = arith.select %and3A_188, %iota3A_184, %broadcast_in_dim3A_190 : vector<64x16xi1>, vector<64x16xi32>
    %reduce_sum3A_192 = arith.constant dense<0> : vector<64xi32>
    %reduce_sum3A_193 = vector.multi_reduction <add>, %select_n3A_191, %reduce_sum3A_192 [1] : vector<64x16xi32> to vector<64xi32>
    %convert_element_type3A_194 = arith.extui %and3A_188 : vector<64x16xi1> to vector<64x16xi32>
    %reduce_sum3A_195 = arith.constant dense<0> : vector<64xi32>
    %reduce_sum3A_196 = vector.multi_reduction <add>, %convert_element_type3A_194, %reduce_sum3A_195 [1] : vector<64x16xi32> to vector<64xi32>
    %iota3A_197 = tpu.iota {dimensions = array<i32: 1>} : vector<1x16xi32>
    %gt3A = arith.constant 0 : i32
    %gt3A_198 = vector.broadcast %gt3A : i32 to vector<1x16xi32>
    %gt3A_199 = arith.cmpi sgt, %select_n3A_130, %gt3A_198 : vector<1x16xi32>
    %jit3A_200 = arith.constant 0 : i32
    %broadcast_in_dim3A_201 = vector.broadcast %jit3A_200 : i32 to vector<1x16xi32>
    %select_n3A_202 = arith.select %gt3A_199, %iota3A_197, %broadcast_in_dim3A_201 : vector<1x16xi1>, vector<1x16xi32>
    %reduce_max3A_203 = vector.shape_cast %select_n3A_202 : vector<1x16xi32> to vector<1x1x16xi32>
    %reduce_max3A_204 = arith.constant dense<-2147483648> : vector<1xi32>
    %reduce_max3A_205 = vector.multi_reduction <maxsi>, %reduce_max3A_203, %reduce_max3A_204 [1, 2] : vector<1x1x16xi32> to vector<1xi32>
    %reduce_max3A_206 = vector.shape_cast %reduce_max3A_205 : vector<1xi32> to vector<1x1x1xi32>
    %reduce_max3A_207 = vector.extract %reduce_max3A_206[0, 0, 0] : i32 from vector<1x1x1xi32>
    %gt3A_208 = arith.constant 0 : i32
    %gt3A_209 = vector.broadcast %gt3A_208 : i32 to vector<64xi32>
    %gt3A_210 = arith.cmpi sgt, %reduce_sum3A_196, %gt3A_209 : vector<64xi32>
    %broadcast_in_dim3A_211 = vector.broadcast %reduce_max3A_207 : i32 to vector<64xi32>
    %select_n3A_212 = arith.select %gt3A_210, %reduce_sum3A_193, %broadcast_in_dim3A_211 : vector<64xi1>, vector<64xi32>
    %reshape3A_213 = vector.shape_cast %select_n3A_212 : vector<64xi32> to vector<1x64xi32>
    %reshape3A_214 = vector.shape_cast %reduce_sum3A_196 : vector<64xi32> to vector<1x64xi32>
    %concatenate3A_215 = tpu.concatenate %reshape3A_213, %reshape3A_214 in 0 : vector<1x64xi32>, vector<1x64xi32> -> vector<2x64xi32>
    %swap3A_216 = arith.constant 0 : index
    %swap3A_217 = arith.constant 0 : index
    %swap3A_218 = vector.load %arg6[%swap3A_216, %swap3A_217] : memref<2x64xi32, #tpu.memory_space<vmem>>, vector<2x64xi32>
    tpu.vector_store %arg6[%swap3A_216, %swap3A_217], %concatenate3A_215 {strides = array<i32>} : memref<2x64xi32, #tpu.memory_space<vmem>>, vector<2x64xi32>,
    return
  }
}

module attributes {stable_mosaic.version = 14 : i64} {
  func.func @_ffn_body(%arg0: i32, %arg1: memref<48xi32, #tpu.memory_space<smem>>, %arg2: memref<48xi32, #tpu.memory_space<smem>>, %arg3: memref<256x1024xbf16, #tpu.memory_space<vmem>>, %arg4: memref<256x128xf32, #tpu.memory_space<vmem>>, %arg5: memref<1x768x1024xbf16, #tpu.memory_space<vmem>>, %arg6: memref<1x768x1024xbf16, #tpu.memory_space<vmem>>, %arg7: memref<1x1024x768xbf16, #tpu.memory_space<vmem>>, %arg8: memref<256x1024xf32, #tpu.memory_space<vmem>>) attributes {dimension_semantics = [#tpu.dimension_semantics<arbitrary>], iteration_bounds = array<i64: 48>, scalar_prefetch = 2 : i64, scratch_operands = 0 : i64, tpu.core_type = #tpu.core_type<tc>, window_params = [{transform_indices = @transform_0, window_bounds = array<i64: 256, 1024>}, {transform_indices = @transform_1, window_bounds = array<i64: 256, 128>}, {transform_indices = @transform_2, window_bounds = array<i64: 1, 768, 1024>}, {transform_indices = @transform_3, window_bounds = array<i64: 1, 768, 1024>}, {transform_indices = @transform_4, window_bounds = array<i64: 1, 1024, 768>}, {transform_indices = @transform_5, window_bounds = array<i64: 256, 1024>}]} {
    %get3A = arith.index_cast %arg0 : i32 to index
    %get3A_0 = memref.load %arg2[%get3A] : memref<48xi32, #tpu.memory_space<smem>>
    %gt3A = arith.constant 0 : i32
    %gt3A_1 = arith.cmpi sgt, %get3A_0, %gt3A : i32
    %convert_element_type3A = arith.extui %gt3A_1 : i1 to i32
    %cond3A = arith.constant 0 : i32
    %cond3A_2 = arith.cmpi ne, %convert_element_type3A, %cond3A : i32
    scf.if %cond3A_2 {
      %get3A_3 = arith.constant 0 : index
      %get3A_4 = arith.constant 0 : index
      %get3A_5 = vector.load %arg3[%get3A_3, %get3A_4] : memref<256x1024xbf16, #tpu.memory_space<vmem>>, vector<256x1024xbf16>
      %get3A_6 = arith.constant 0 : index
      %get3A_7 = arith.constant 0 : index
      %get3A_8 = arith.constant 0 : index
      %get3A_9 = vector.load %arg5[%get3A_6, %get3A_7, %get3A_8] : memref<1x768x1024xbf16, #tpu.memory_space<vmem>>, vector<1x768x1024xbf16>
      %get3A_10 = vector.shape_cast %get3A_9 : vector<1x768x1024xbf16> to vector<768x1024xbf16>
      %dot_general3A = arith.constant dense<0.000000e+00> : vector<256x768xf32>
      %dot_general3A_11 = tpu.matmul %get3A_5, %get3A_10, %dot_general3A {dimension_numbers = #tpu.dot_dimension_numbers<[1], [1], [0], [0], [0, 0, 1, 0], [], []>, transpose_lhs_hint = false} : vector<256x1024xbf16>, vector<768x1024xbf16>, vector<256x768xf32> -> vector<256x768xf32>
      %get3A_12 = arith.constant 0 : index
      %get3A_13 = arith.constant 0 : index
      %get3A_14 = arith.constant 0 : index
      %get3A_15 = vector.load %arg6[%get3A_12, %get3A_13, %get3A_14] : memref<1x768x1024xbf16, #tpu.memory_space<vmem>>, vector<1x768x1024xbf16>
      %get3A_16 = vector.shape_cast %get3A_15 : vector<1x768x1024xbf16> to vector<768x1024xbf16>
      %dot_general3A_17 = arith.constant dense<0.000000e+00> : vector<256x768xf32>
      %dot_general3A_18 = tpu.matmul %get3A_5, %get3A_16, %dot_general3A_17 {dimension_numbers = #tpu.dot_dimension_numbers<[1], [1], [0], [0], [0, 0, 1, 0], [], []>, transpose_lhs_hint = false} : vector<256x1024xbf16>, vector<768x1024xbf16>, vector<256x768xf32> -> vector<256x768xf32>
      %logistic3A = arith.negf %dot_general3A_11 : vector<256x768xf32>
      %logistic3A_19 = math.exp %logistic3A : vector<256x768xf32>
      %logistic3A_20 = arith.constant 1.000000e+00 : f32
      %logistic3A_21 = vector.broadcast %logistic3A_20 : f32 to vector<256x768xf32>
      %logistic3A_22 = arith.addf %logistic3A_21, %logistic3A_19 : vector<256x768xf32>
      %logistic3A_23 = arith.divf %logistic3A_21, %logistic3A_22 : vector<256x768xf32>
      %mul3A = arith.mulf %dot_general3A_11, %logistic3A_23 : vector<256x768xf32>
      %mul3A_24 = arith.mulf %mul3A, %dot_general3A_18 : vector<256x768xf32>
      %convert_element_type3A_25 = arith.truncf %mul3A_24 : vector<256x768xf32> to vector<256x768xbf16>
      %get3A_26 = arith.constant 0 : index
      %get3A_27 = arith.constant 0 : index
      %get3A_28 = arith.constant 0 : index
      %get3A_29 = vector.load %arg7[%get3A_26, %get3A_27, %get3A_28] : memref<1x1024x768xbf16, #tpu.memory_space<vmem>>, vector<1x1024x768xbf16>
      %get3A_30 = vector.shape_cast %get3A_29 : vector<1x1024x768xbf16> to vector<1024x768xbf16>
      %dot_general3A_31 = arith.constant dense<0.000000e+00> : vector<256x1024xf32>
      %dot_general3A_32 = tpu.matmul %convert_element_type3A_25, %get3A_30, %dot_general3A_31 {dimension_numbers = #tpu.dot_dimension_numbers<[1], [1], [0], [0], [0, 0, 1, 0], [], []>, transpose_lhs_hint = false} : vector<256x768xbf16>, vector<1024x768xbf16>, vector<256x1024xf32> -> vector<256x1024xf32>
      %get3A_33 = arith.constant 0 : index
      %get3A_34 = arith.constant 0 : index
      %get3A_35 = vector.load %arg4[%get3A_33, %get3A_34] : memref<256x128xf32, #tpu.memory_space<vmem>>, vector<256x128xf32>
      %slice3A = vector.extract_strided_slice %get3A_35 {offsets = [0, 0], sizes = [256, 1], strides = [1, 1]} : vector<256x128xf32> to vector<256x1xf32>
      %mul3A_36 = vector.broadcast %slice3A : vector<256x1xf32> to vector<256x1024xf32>
      %mul3A_37 = arith.mulf %dot_general3A_32, %mul3A_36 : vector<256x1024xf32>
      %swap3A = arith.constant 0 : index
      %swap3A_38 = arith.constant 0 : index
      %swap3A_39 = vector.load %arg8[%swap3A, %swap3A_38] : memref<256x1024xf32, #tpu.memory_space<vmem>>, vector<256x1024xf32>
      tpu.vector_store %arg8[%swap3A, %swap3A_38], %mul3A_37 {strides = array<i32>} : memref<256x1024xf32, #tpu.memory_space<vmem>>, vector<256x1024xf32>,
    } else {
    }
    return
  }
  func.func @transform_0(%arg0: i32, %arg1: memref<48xi32, #tpu.memory_space<smem>>, %arg2: memref<48xi32, #tpu.memory_space<smem>>) -> (i32, i32) {
    %c0_i32 = arith.constant 0 : i32
    %c0_i32_0 = arith.constant 0 : i32
    return %arg0, %c0_i32 : i32, i32
  }
  func.func @transform_1(%arg0: i32, %arg1: memref<48xi32, #tpu.memory_space<smem>>, %arg2: memref<48xi32, #tpu.memory_space<smem>>) -> (i32, i32) {
    %c0_i32 = arith.constant 0 : i32
    %c0_i32_0 = arith.constant 0 : i32
    return %arg0, %c0_i32 : i32, i32
  }
  func.func @transform_2(%arg0: i32, %arg1: memref<48xi32, #tpu.memory_space<smem>>, %arg2: memref<48xi32, #tpu.memory_space<smem>>) -> (i32, i32, i32) {
    %get3A = arith.index_cast %arg0 : i32 to index
    %get3A_0 = memref.load %arg1[%get3A] : memref<48xi32, #tpu.memory_space<smem>>
    %c0_i32 = arith.constant 0 : i32
    %c0_i32_1 = arith.constant 0 : i32
    %c0_i32_2 = arith.constant 0 : i32
    return %get3A_0, %c0_i32, %c0_i32_1 : i32, i32, i32
  }
  func.func @transform_3(%arg0: i32, %arg1: memref<48xi32, #tpu.memory_space<smem>>, %arg2: memref<48xi32, #tpu.memory_space<smem>>) -> (i32, i32, i32) {
    %get3A = arith.index_cast %arg0 : i32 to index
    %get3A_0 = memref.load %arg1[%get3A] : memref<48xi32, #tpu.memory_space<smem>>
    %c0_i32 = arith.constant 0 : i32
    %c0_i32_1 = arith.constant 0 : i32
    %c0_i32_2 = arith.constant 0 : i32
    return %get3A_0, %c0_i32, %c0_i32_1 : i32, i32, i32
  }
  func.func @transform_4(%arg0: i32, %arg1: memref<48xi32, #tpu.memory_space<smem>>, %arg2: memref<48xi32, #tpu.memory_space<smem>>) -> (i32, i32, i32) {
    %get3A = arith.index_cast %arg0 : i32 to index
    %get3A_0 = memref.load %arg1[%get3A] : memref<48xi32, #tpu.memory_space<smem>>
    %c0_i32 = arith.constant 0 : i32
    %c0_i32_1 = arith.constant 0 : i32
    %c0_i32_2 = arith.constant 0 : i32
    return %get3A_0, %c0_i32, %c0_i32_1 : i32, i32, i32
  }
  func.func @transform_5(%arg0: i32, %arg1: memref<48xi32, #tpu.memory_space<smem>>, %arg2: memref<48xi32, #tpu.memory_space<smem>>) -> (i32, i32) {
    %c0_i32 = arith.constant 0 : i32
    %c0_i32_0 = arith.constant 0 : i32
    return %arg0, %c0_i32 : i32, i32
  }
}

module attributes {stable_mosaic.version = 14 : i64} {
  func.func @_add_body(%arg0: i32, %arg1: memref<512x1024xf32, #tpu.memory_space<vmem>>, %arg2: memref<512x1024xf32, #tpu.memory_space<vmem>>, %arg3: memref<512x1024xf32, #tpu.memory_space<vmem>>) attributes {dimension_semantics = [#tpu.dimension_semantics<arbitrary>], iteration_bounds = array<i64: 8>, scalar_prefetch = 0 : i64, scratch_operands = 0 : i64, tpu.core_type = #tpu.core_type<tc>, window_params = [{transform_indices = @transform_0, window_bounds = array<i64: 512, 1024>}, {transform_indices = @transform_1, window_bounds = array<i64: 512, 1024>}, {transform_indices = @transform_2, window_bounds = array<i64: 512, 1024>}]} {
    %get3A = arith.constant 0 : index
    %get3A_0 = arith.constant 0 : index
    %get3A_1 = vector.load %arg1[%get3A, %get3A_0] : memref<512x1024xf32, #tpu.memory_space<vmem>>, vector<512x1024xf32>
    %get3A_2 = arith.constant 0 : index
    %get3A_3 = arith.constant 0 : index
    %get3A_4 = vector.load %arg2[%get3A_2, %get3A_3] : memref<512x1024xf32, #tpu.memory_space<vmem>>, vector<512x1024xf32>
    %add3A = arith.addf %get3A_1, %get3A_4 : vector<512x1024xf32>
    %swap3A = arith.constant 0 : index
    %swap3A_5 = arith.constant 0 : index
    %swap3A_6 = vector.load %arg3[%swap3A, %swap3A_5] : memref<512x1024xf32, #tpu.memory_space<vmem>>, vector<512x1024xf32>
    tpu.vector_store %arg3[%swap3A, %swap3A_5], %add3A {strides = array<i32>} : memref<512x1024xf32, #tpu.memory_space<vmem>>, vector<512x1024xf32>,
    return
  }
  func.func @transform_0(%arg0: i32) -> (i32, i32) {
    %c0_i32 = arith.constant 0 : i32
    %c0_i32_0 = arith.constant 0 : i32
    return %arg0, %c0_i32 : i32, i32
  }
  func.func @transform_1(%arg0: i32) -> (i32, i32) {
    %c0_i32 = arith.constant 0 : i32
    %c0_i32_0 = arith.constant 0 : i32
    return %arg0, %c0_i32 : i32, i32
  }
  func.func @transform_2(%arg0: i32) -> (i32, i32) {
    %c0_i32 = arith.constant 0 : i32
    %c0_i32_0 = arith.constant 0 : i32
    return %arg0, %c0_i32 : i32, i32
  }
}

</mosaic_0001>

<sc_bundles>
// kernel: kernel.10.cloned.1.call-start
scs
__scs_entry_jumppad:
0x0: {  	(pc) =	sbr.rel $0x88, $3  }
0x1: {  	(tag) =	ssettag $0x0;
	lr =	simm.s32 $0x1  }
0x2: {  	[smem:$0x3F9C] =	sst lr;
	_ =	strace $0xD0000000  }
0x3: {  	_ = 	snop  }
0x4: {  	_ = 	snop  }
0x5: {  	_ = 	snop  }
0x6: {  	_ = 	snop  }
0x7: {  	_ = 	snop  }
__scs_overlays_trampoline_lowered:
0x8: {  	[smem:$0x3FAB] =	sst s0  }
0x9: {  	[smem:$0x3FAC] =	sst s1  }
0xa: {  	[smem:$0x3FAD] =	sst s2  }
0xb: {  	[smem:$0x3FAE] =	sst s3  }
0xc: {  	[smem:$0x3FAF] =	sst s4  }
0xd: {  	[smem:$0x3FB0] =	sst s5  }
0xe: {  	[smem:$0x3FB1] =	sst s6  }
0xf: {  	[smem:$0x3FB2] =	sst s7  }
0x10: {  	[smem:$0x3FB3] =	sst s8  }
0x11: {  	[smem:$0x3FB4] =	sst s9;
	s0 =	simm.s32 @!p0 $0x0  }
0x12: {  	s1 =	sld [smem:$0x3F9A];
	s0 =	simm.s32 @p0 $0x1  }
0x13: {  	[smem:$0x3FB5] =	sst s0;
	s0 =	simm.s32 @!p1 $0x0  }
0x14: {  	s2 =	sld [smem:$0x3F99];
	s0 =	simm.s32 @p1 $0x1  }
0x15: {  	[smem:$0x3FB6] =	sst s0;
	s0 =	simm.s32 @!p2 $0x0  }
0x16: {  	s3 =	sld [smem:$0x3FDB];
	s0 =	simm.s32 @p2 $0x1  }
0x17: {  	s4 =	simm.s32 $0x1BF5;
	[smem:$0x3FB8] =	sst s0  }
0x18: {  	s0 =	sld [smem:$0x3F9B];
	_ =	swait.ge [sflag:s4], $0x0  }
0x19: {  	s7 =	sld [smem:$0x3F9C]  }
0x1a: {  	s8 =	sadd.s32 $0xFFFFE003, lr  }
0x1b: {  	s9 =	sadd.s32 $0xFFFFFEF7, lr;
	s5 =	simm.s32 $0xFFFFFFFF;
	p2 =	slt.u32 s8, $0xFFFFF086  }
0x1c: {  	p1 =	slt.u32 s9, $0xF7A;
	s5 =	simm.s32 @!p2 $0x0  }
0x1d: {  	s5 =	simm.s32 @p1 $0x1;
	p0 =	seq.s32 s7, s2  }
0x1e: {  	s7 =	smul.u32 @!p0 $0xF7A, s2;
	p2 =	seq.s32 @!p0 s5, $0x0  }
0x1f: {  	s9 =	smul.u32 $0xF7A, s1;
	s8 =	simm.s32 @!p0 $0x1BF5;
	p2 =	por !p2, p0  }
0x20: {  	[sflag:s8] =	ssyncset.s32 @!p0 $0xFFFFF086;
	s6 =	sadd.s32 @!p0 s3, s7;
	s7 =	simm.s32 @!p0 $0x108  }
0x21: {  	s3 =	sadd.s32 s3, s9;
	s6 =	sadd.s32 @!p0 $0x88, s6;
	s7 =	simm.s32 @p2 $0x1082  }
0x22: {  	[simem:s7], [sflag:s8] =	dma.local @!p0 [hbm:s6], $0xF7A  }
0x23: {  	s9 =	sor.u32 $0xD0000000, s2;
	s6 =	simm.s32 $0x108;
	_ =	swait.ge @!p0 [sflag:s8], $0x0  }
0x24: {  	s3 =	sadd.s32 $0x88, s3;
	s6 =	simm.s32 @!p1 $0x1082;
	[sflag:s4] =	ssyncset.s32 $0xFFFFF086  }
0x25: {  	[simem:s6], [sflag:s4] =	dma.local [hbm:s3], $0xF7A  }
0x26: {  	[smem:$0x3F9C] =	sst s1;
	(tag) =	ssettag s2;
	_ =	strace s9  }
0x27: {  	s1 =	sld [smem:$0x3FAC]  }
0x28: {  	s2 =	sld [smem:$0x3FAD]  }
0x29: {  	s4 =	sld [smem:$0x3FAF]  }
0x2a: {  	p0 =	seq.s32 s5, $0x0;
	s5 =	sld [smem:$0x3FB0]  }
0x2b: {  	s6 =	sld [smem:$0x3FB1]  }
0x2c: {  	s7 =	sld [smem:$0x3FB2]  }
0x2d: {  	s3 =	simm.s32 $0x108;
	s8 =	sld [smem:$0x3FB3]  }
0x2e: {  	s3 =	simm.s32 @!p0 $0x1082;
	s9 =	sld [smem:$0x3FB4]  }
0x2f: {  	lr =	sadd.s32 s0, s3;
	s0 =	sld [smem:$0x3FAB]  }
0x30: {  	s3 =	sld [smem:$0x3FAE]  }
0x31: {  	[smem:$0x3FB7] =	sst s10  }
0x32: {  	s10 =	sld [smem:$0x3FB5];
	_ =	sdelay $0x3  }
0x33: {  	p0 =	seq.s32 s10, $0x1;
	s10 =	sld [smem:$0x3FB7];
	_ =	sdelay $0x3  }
0x34: {  	[smem:$0x3FB7] =	sst s10  }
0x35: {  	s10 =	sld [smem:$0x3FB6];
	_ =	sdelay $0x3  }
0x36: {  	p1 =	seq.s32 s10, $0x1;
	s10 =	sld [smem:$0x3FB7];
	_ =	sdelay $0x3  }
0x37: {  	[smem:$0x3FB7] =	sst s10  }
0x38: {  	s10 =	sld [smem:$0x3FB8]  }
0x39: {  	_ = 	snop;
	(pc) =	sbr.ind lr, $3  }
0x3a: {  	_ = 	snop  }
0x3b: {  	_ = 	snop  }
0x3c: {  	p2 =	seq.s32 s10, $0x1;
	s10 =	sld [smem:$0x3FB7]  }
0x3d: {  	_ =	shalt  }
0x3e: {  	_ =	shalt  }
0x3f: {  	_ =	shalt  }
0x40: {  	_ =	shalt  }
0x41: {  	_ =	shalt  }
0x42: {  	_ =	shalt  }
0x43: {  	_ =	shalt  }
0x44: {  	_ =	shalt  }
0x45: {  	_ =	shalt  }
0x46: {  	_ =	shalt  }
0x47: {  	_ =	shalt  }
0x48: {  	_ =	shalt  }
0x49: {  	_ =	shalt  }
0x4a: {  	_ =	shalt  }
0x4b: {  	_ =	shalt  }
0x4c: {  	_ =	shalt  }
0x4d: {  	_ =	shalt  }
0x4e: {  	_ =	shalt  }
0x4f: {  	_ =	shalt  }
0x50: {  	_ =	shalt  }
0x51: {  	_ =	shalt  }
0x52: {  	_ =	shalt  }
0x53: {  	_ =	shalt  }
0x54: {  	_ =	shalt  }
0x55: {  	_ =	shalt  }
0x56: {  	_ =	shalt  }
0x57: {  	_ =	shalt  }
0x58: {  	_ =	shalt  }
0x59: {  	_ =	shalt  }
0x5a: {  	_ =	shalt  }
0x5b: {  	_ =	shalt  }
0x5c: {  	_ =	shalt  }
0x5d: {  	_ =	shalt  }
0x5e: {  	_ =	shalt  }
0x5f: {  	_ =	shalt  }
0x60: {  	_ =	shalt  }
0x61: {  	_ =	shalt  }
0x62: {  	_ =	shalt  }
0x63: {  	_ =	shalt  }
0x64: {  	_ =	shalt  }
0x65: {  	_ =	shalt  }
0x66: {  	_ =	shalt  }
0x67: {  	_ =	shalt  }
0x68: {  	_ =	shalt  }
0x69: {  	_ =	shalt  }
0x6a: {  	_ =	shalt  }
0x6b: {  	_ =	shalt  }
0x6c: {  	_ =	shalt  }
0x6d: {  	_ =	shalt  }
0x6e: {  	_ =	shalt  }
0x6f: {  	_ =	shalt  }
0x70: {  	_ =	shalt  }
0x71: {  	_ =	shalt  }
0x72: {  	_ =	shalt  }
0x73: {  	_ =	shalt  }
0x74: {  	_ =	shalt  }
0x75: {  	_ =	shalt  }
0x76: {  	_ =	shalt  }
0x77: {  	_ =	shalt  }
0x78: {  	_ =	shalt  }
0x79: {  	_ =	shalt  }
0x7a: {  	_ =	shalt  }
0x7b: {  	_ =	shalt  }
0x7c: {  	_ =	shalt  }
0x7d: {  	_ =	shalt  }
0x7e: {  	_ =	shalt  }
0x7f: {  	_ =	shalt  }
0x80: {  	_ =	shalt  }
0x81: {  	_ =	shalt  }
0x82: {  	_ =	shalt  }
0x83: {  	_ =	shalt  }
0x84: {  	_ =	shalt  }
0x85: {  	_ =	shalt  }
0x86: {  	_ =	shalt  }
0x87: {  	_ =	shalt  }
.Lfunc_end0:
.L_simem_size_0:
called_computation.2_lowered:
.L_overlay_start_0:
0x88: {  	s2 =	sld [smem:$0x3FD9]  }
0x89: {  	s3 =	sld [smem:$0x3FFE];
	_ =	sdelay $0x1  }
0x8a: {  	s1 =	srdreg.scid  }
0x8b: {  	s0 =	sand.u32 $0x1, s1  }
0x8c: {  	s17 =	sshll.u32 s0, $0xA;
	s2 =	sadd.s32 s3, s2  }
0x8d: {  	s2 =	sadd.s32 s2, s17  }
0x8e: {  	[smem:$0x3FC3] =	sst s2  }
0x8f: {  	_ = 	snop  }
0x90: {  	s2 =	sld [smem:$0x3FD0];
	(tm) =	ssettm $0x1  }
0x91: {  	s18 =	sld [smem:$0x3FFB];
	_ =	sdelay $0x3  }
0x92: {  	_ =	strace s18  }
0x93: {  	s3 =	sld [smem:$0x3FFC];
	_ =	sdelay $0x3  }
0x94: {  	_ =	strace s3  }
0x95: {  	s3 =	sld [smem:$0x3FFD];
	_ =	sdelay $0x3  }
0x96: {  	_ =	strace s3  }
0x97: {  	_ =	strace $0x8FFFFFFF  }
0x98: {  	s19 =	sld [smem:$0x3FDB];
	_ =	sdelay $0x1  }
0x99: {  	s4 =	simm.s32 $_scs_section_size  }
0x9a: {  	s5 =	simm.s32 $_size__tile_overlayer_lowered;
	s6 =	simm.s32 $_tile_overlayer_lowered  }
0x9b: {  	s22 =	simm.s32 $0x1BFF;
	s21 =	sshll.u32 s6, $0x1;
	s3 =	sadd.s32 s4, s19  }
0x9c: {  	s7 =	simm.s32 $0x0;
	s20 =	sshll.u32 s5, $0x1;
	s5 =	sadd.s32 s21, s3  }
0x9d: {  	[timem:s7], [sflag:s22] =	dma.local [hbm:s5], s20  }
0x9e: {  	_ =	swait.ge [sflag:s22], s20  }
0x9f: {  	s4 =	ssub.s32 $0x0, s20;
	[sflag:s22] =	ssyncset.done $0x0  }
0xa0: {  	[sflag:s22] =	ssyncadd.s32 s4;
	_ =	sdelay $0x1  }
0xa1: {  	s23 =	simm.s32 $0x1B8B  }
0xa2: {  	_ =	swait.ge [sflag:s23], $0x1  }
0xa3: {  	[sflag:s23] =	ssyncset.done $0x0  }
0xa4: {  	s25 =	simm.s32 $0x1B8E;
	s24 =	sld [smem:$0x3FFE];
	[sflag:s23] =	ssyncadd.s32 $0xFFFFFFFF  }
0xa5: {  	s26 =	simm.s32 $execute0_lowered;
	[smem:$0x3FD2] =	sst s25  }
0xa6: {  	s5 =	sshll.u32 s26, $0x1;
	_ =	strace $0x8000004C;
	[dreg:$0x1] =	wrdreg $0xFFFFFFFF  }
0xa7: {  	s28 =	simm.s32 $_size_execute0_lowered;
	s3 =	sadd.s32 s3, s5;
	[dreg:$0x0] =	wrdreg $0x0  }
0xa8: {  	s5 =	sshll.u32 s28, $0x1;
	[dreg:$0x2] =	wrdreg s3  }
0xa9: {  	[dreg:$0x3] =	wrdreg s5  }
0xaa: {  	[dreg:$0x4] =	wrdreg $0xC0  }
0xab: {  	_ =	task [dreg:s7], $0x5FFFF  }
0xac: {  	[dreg:$0x1] =	wrdreg $0xFFFFFFFF  }
0xad: {  	[dreg:$0x0] =	wrdreg $0x60  }
0xae: {  	[dreg:$0x2] =	wrdreg s24  }
0xaf: {  	[dreg:$0x3] =	wrdreg s2  }
0xb0: {  	[dreg:$0x4] =	wrdreg $0x9  }
0xb1: {  	_ =	task.clear_ibuf [dreg:s7], $0x5FFFF;
	_ =	strace $0x9000004C  }
0xb2: {  	s29 =	simm.s32 $0x9;
	_ =	strace $0x8000004E  }
0xb3: {  	_ =	swait.ge [sflag:s29], $0x1  }
0xb4: {  	[sflag:s29] =	ssyncadd.s32 $0xFFFFFFFF  }
0xb5: {  	_ =	strace $0x9000004E  }
0xb6: {  	_ =	sfence  }
0xb7: {  	s30 =	sld [smem:$0x0];
	_ =	sdelay $0x2  }
0xb8: {  	s31 =	sshll.u32 s1, $0xD;
	s1 =	sshrl.u32 s1, $0x2  }
0xb9: {  	s3 =	sand.u32 $0x4000, s31;
	s1 =	sadd.s32 s1, s30  }
0xba: {  	s0 =	sor.u32 s3, s0;
	s1 =	sshll.u32 s1, $0x11  }
0xbb: {  	s0 =	sor.u32 s1, s0  }
0xbc: {  	s0 =	sadd.s32 $0x8F2B, s0  }
0xbd: {  	[sflag:s0] =	ssyncadd.remote.s32 $0x1  }
0xbe: {  	_ =	sfence.sel $0xFFFF  }
0xbf: {  	[dreg:$0x0] =	wrdreg $0xFFFFFFFF;
	(pc) =	sbr.abs _section_cstart, $3  }
0xc0: {  	[dreg:$0x1] =	wrdreg $0xFFFFFFFF  }
0xc1: {  	_ =	task.clear_ibuf [dreg:s7], $0x2FFFF;
	_ =	strace $0x9FFFFFFF  }
0xc2: {  	(tm) =	ssettm $0x7FFFFFFF  }
0xc3: {  	_ =	shalt  }
tec
execute0_lowered:
.L_overlay_start_1:
0x0: {  	(tag) =	ssettag $0x1  }
0x1: {  	s0 =	rddreg [dreg:$0x0]  }
0x2: {  	s1 =	rddreg [dreg:$0x1];
	s2 =	srdreg.scid  }
0x3: {  	s3 =	stileid.u32;
	s4 =	sand.u32 $0x1, s2;
	s2 =	simm.s32 $0x0  }
0x4: {  	s3 =	sshll.u32 s3, $0x8;
	s6 =	sadd.s32 $0x23C00, s0;
	s7 =	sadd.s32 $0x23E00, s0  }
0x5: {  	s8 =	sadd.s32 $0x24000, s0;
	s5 =	sshll.u32 s4, $0x7;
	[smem:$0x7FF] =	sst s2  }
0x6: {  	s4 =	ssub.s32 $0x2, s4;
	s5 =	sor.u32 s5, s3;
	_ =	strace $0x8000004D  }
0x7: {  	s28 =	sshrl.u32 s4, $0x1;
	s3 =	sshrl.u32 s5, $0x3;
	s13 =	sshll.u32 s5, $0x7  }
0x8: {  	s10 =	sor.u32 $0x20, s5;
	s18 =	sor.u32 $0x40, s5;
	s9 =	sadd.s32 s6, s3  }
0x9: {  	s5 =	sor.u32 $0x60, s5;
	s3 =	sadd.s32 s7, s3;
	[dreg:$0x3] =	wrdreg s9  }
0xa: {  	s30 =	ssub.s32 s4, s28;
	s14 =	sadd.s32 s1, s13;
	[dreg:$0x4] =	wrdreg s3  }
0xb: {  	s11 =	sshrl.u32 s10, $0x3;
	[dreg:$0x5] =	wrdreg s14;
	s9 =	sadd.s32 s8, s13  }
0xc: {  	s4 =	sadd.s32 $0xE4300, s0;
	s15 =	sadd.s32 s6, s11;
	[dreg:$0x6] =	wrdreg s9  }
0xd: {  	s10 =	sshll.u32 s10, $0x7;
	s16 =	sadd.s32 s7, s11;
	[dreg:$0x7] =	wrdreg s15  }
0xe: {  	s20 =	sshrl.u32 s18, $0x3;
	s17 =	sadd.s32 s1, s10;
	[dreg:$0x8] =	wrdreg s16  }
0xf: {  	s23 =	sshll.u32 s18, $0x7;
	s19 =	sadd.s32 s8, s10;
	[dreg:$0x9] =	wrdreg s17  }
0x10: {  	s26 =	sshrl.u32 s5, $0x3;
	s21 =	sadd.s32 s6, s20;
	[dreg:$0xa] =	wrdreg s19  }
0x11: {  	s5 =	sshll.u32 s5, $0x7;
	s22 =	sadd.s32 s7, s20;
	[dreg:$0xb] =	wrdreg s21  }
0x12: {  	s3 =	sadd.s32 $0xE4200, s0;
	s24 =	sadd.s32 s1, s23;
	[dreg:$0xc] =	wrdreg s22  }
0x13: {  	s25 =	sadd.s32 s8, s23;
	s6 =	sadd.s32 s6, s26;
	[dreg:$0xd] =	wrdreg s24  }
0x14: {  	s29 =	sadd.s32 s7, s26;
	s1 =	sadd.s32 s1, s5;
	[dreg:$0xe] =	wrdreg s25  }
0x15: {  	s31 =	sadd.s32 s8, s5;
	s5 =	sadd.s32 $0xE4400, s0;
	[dreg:$0xf] =	wrdreg s6  }
0x16: {  	v2 =	vlaneseq.u32;
	s7 =	smax.u32 s30, $0x1;
	s8 =	simm.s32 $0x2;
	[dreg:$0x10] =	wrdreg s29  }
0x17: {  	vm0 =	vmmov $0xffff;
	v1 =	vshrl.u32 v2, $0x3;
	s26 =	simm.s32 $0x8100;
	[dreg:$0x11] =	wrdreg s1;
	s6 =	sadd.s32 $0xE4500, s0  }
0x18: {  	v0 =	vand.u32 $0x7, v2;
	v2 =	vor.u32 $0x8, v2;
	v1 =	vmul.u32 $0x8, v1;
	[dreg:$0x12] =	wrdreg s31;
	s22 =	simm.s32 $0x100;
	s19 =	simm.s32 $0x1  }
.LBB2_1:
0x19: {  	s20 =	rddreg [dreg:$0x3]  }
0x1a: {  	[tilespmem:s2], [sflag:$0x2] =	stream.linear.gather [hbm4b:s20+s2], $0x20, $0x38;
	[tilespmem:$0x10100] =	vst v63  }
0x1b: {  	_ =	swait.ge [sflag:s8], $0x20  }
0x1c: {  	[sflag:s8] =	ssyncset.done $0x0  }
0x1d: {  	s0 =	simm.s32 $0x80;
	s31 =	rddreg [dreg:$0x4];
	[sflag:s8] =	ssyncadd.s32 $0xFFFFFFE0  }
0x1e: {  	[tilespmem:s0], [sflag:$0x2] =	stream.linear.gather [hbm4b:s31+s2], $0x20, $0x38;
	[tilespmem:$0x10100] =	vst v63  }
0x1f: {  	_ =	swait.ge [sflag:s8], $0x20  }
0x20: {  	[sflag:s8] =	ssyncset.done $0x0  }
0x21: {  	[sflag:s8] =	ssyncadd.s32 $0xFFFFFFE0  }
0x22: {  	v3 =	vld [tilespmem:$0x0];
	_ =	sdelay $0x4  }
0x23: {  	v4 =	vshll.u32 v3, $0x3  }
0x24: {  	v3 =	vand.u32 $0x7, v3;
	v4 =	vand.u32 $0xFFFFFFC0, v4  }
0x25: {  	v3 =	vor.u32 v3, v4  }
0x26: {  	v4 =	vperm.xlane v3, v0;
	_ =	sdelay $0x1  }
0x27: {  	v4 =	vadd.s32 v1, v4;
	_ =	sdelay $0x4  }
0x28: {  	[tilespmem:s22], [sflag:$0x1] =	stream.indirect_vreg.gather [hbm4b:s3+s2], $0x80, v4, vm0, $0xb8;
	[tilespmem:$0x10100] =	vst v63  }
0x29: {  	s1 =	simm.s32 $0x900;
	v3 =	vperm.xlane v3, v2  }
0x2a: {  	[tilespmem:s1], [sflag:$0x1] =	stream.indirect_vreg.gather [hbm4b:s4+s2], $0x80, v4, vm0, $0xb8;
	[tilespmem:$0x10100] =	vst v63  }
0x2b: {  	s9 =	simm.s32 $0x1100;
	v3 =	vadd.s32 v1, v3  }
0x2c: {  	[tilespmem:s9], [sflag:$0x1] =	stream.indirect_vreg.gather [hbm4b:s5+s2], $0x80, v4, vm0, $0xb8;
	[tilespmem:$0x10100] =	vst v63  }
0x2d: {  	s10 =	simm.s32 $0x1900  }
0x2e: {  	[tilespmem:s10], [sflag:$0x1] =	stream.indirect_vreg.gather [hbm4b:s6+s2], $0x80, v4, vm0, $0xb8;
	[tilespmem:$0x10100] =	vst v63  }
0x2f: {  	s11 =	simm.s32 $0x2100  }
0x30: {  	[tilespmem:s11], [sflag:$0x1] =	stream.indirect_vreg.gather [hbm4b:s3+s2], $0x80, v3, vm0, $0xb8;
	[tilespmem:$0x10100] =	vst v63  }
0x31: {  	s12 =	simm.s32 $0x2900  }
0x32: {  	[tilespmem:s12], [sflag:$0x1] =	stream.indirect_vreg.gather [hbm4b:s4+s2], $0x80, v3, vm0, $0xb8;
	[tilespmem:$0x10100] =	vst v63  }
0x33: {  	s15 =	simm.s32 $0x3100  }
0x34: {  	[tilespmem:s15], [sflag:$0x1] =	stream.indirect_vreg.gather [hbm4b:s5+s2], $0x80, v3, vm0, $0xb8;
	[tilespmem:$0x10100] =	vst v63  }
0x35: {  	s16 =	simm.s32 $0x3900  }
0x36: {  	[tilespmem:s16], [sflag:$0x1] =	stream.indirect_vreg.gather [hbm4b:s6+s2], $0x80, v3, vm0, $0xb8;
	[tilespmem:$0x10100] =	vst v63  }
0x37: {  	v3 =	vld [tilespmem:$0x10];
	_ =	sdelay $0x4  }
0x38: {  	v49 =	vshll.u32 v3, $0x3  }
0x39: {  	v3 =	vand.u32 $0x7, v3;
	v4 =	vand.u32 $0xFFFFFFC0, v49  }
0x3a: {  	v3 =	vor.u32 v3, v4  }
0x3b: {  	v4 =	vperm.xlane v3, v0;
	_ =	sdelay $0x1  }
0x3c: {  	v4 =	vadd.s32 v1, v4;
	_ =	sdelay $0x3  }
0x3d: {  	s17 =	simm.s32 $0x4100  }
0x3e: {  	[tilespmem:s17], [sflag:$0x1] =	stream.indirect_vreg.gather [hbm4b:s3+s2], $0x80, v4, vm0, $0xb8;
	[tilespmem:$0x10100] =	vst v63  }
0x3f: {  	s18 =	simm.s32 $0x4900;
	v3 =	vperm.xlane v3, v2  }
0x40: {  	[tilespmem:s18], [sflag:$0x1] =	stream.indirect_vreg.gather [hbm4b:s4+s2], $0x80, v4, vm0, $0xb8;
	[tilespmem:$0x10100] =	vst v63  }
0x41: {  	s20 =	simm.s32 $0x5100;
	v3 =	vadd.s32 v1, v3  }
0x42: {  	[tilespmem:s20], [sflag:$0x1] =	stream.indirect_vreg.gather [hbm4b:s5+s2], $0x80, v4, vm0, $0xb8;
	[tilespmem:$0x10100] =	vst v63  }
0x43: {  	s21 =	simm.s32 $0x5900  }
0x44: {  	[tilespmem:s21], [sflag:$0x1] =	stream.indirect_vreg.gather [hbm4b:s6+s2], $0x80, v4, vm0, $0xb8;
	[tilespmem:$0x10100] =	vst v63  }
0x45: {  	s23 =	simm.s32 $0x6100  }
0x46: {  	[tilespmem:s23], [sflag:$0x1] =	stream.indirect_vreg.gather [hbm4b:s3+s2], $0x80, v3, vm0, $0xb8;
	[tilespmem:$0x10100] =	vst v63  }
0x47: {  	s24 =	simm.s32 $0x6900  }
0x48: {  	[tilespmem:s24], [sflag:$0x1] =	stream.indirect_vreg.gather [hbm4b:s4+s2], $0x80, v3, vm0, $0xb8;
	[tilespmem:$0x10100] =	vst v63  }
0x49: {  	s25 =	simm.s32 $0x7100  }
0x4a: {  	[tilespmem:s25], [sflag:$0x1] =	stream.indirect_vreg.gather [hbm4b:s5+s2], $0x80, v3, vm0, $0xb8;
	[tilespmem:$0x10100] =	vst v63  }
0x4b: {  	s28 =	simm.s32 $0x7900  }
0x4c: {  	[tilespmem:s28], [sflag:$0x1] =	stream.indirect_vreg.gather [hbm4b:s6+s2], $0x80, v3, vm0, $0xb8;
	[tilespmem:$0x10100] =	vst v63  }
0x4d: {  	v3 =	vld [tilespmem:$0x80];
	_ =	sdelay $0x4  }
0x4e: {  	v50 =	vshll.u32 v3, $0x3  }
0x4f: {  	v3 =	vand.u32 $0x7, v3;
	v4 =	vand.u32 $0xFFFFFFC0, v50  }
0x50: {  	v3 =	vor.u32 v3, v4  }
0x51: {  	v4 =	vperm.xlane v3, v0;
	_ =	sdelay $0x1  }
0x52: {  	v4 =	vadd.s32 v1, v4;
	_ =	sdelay $0x4  }
0x53: {  	[tilespmem:s26], [sflag:$0x1] =	stream.indirect_vreg.gather [hbm4b:s3+s2], $0x80, v4, vm0, $0xb8;
	[tilespmem:$0x10100] =	vst v63  }
0x54: {  	s29 =	simm.s32 $0x8900;
	v3 =	vperm.xlane v3, v2  }
0x55: {  	[tilespmem:s29], [sflag:$0x1] =	stream.indirect_vreg.gather [hbm4b:s4+s2], $0x80, v4, vm0, $0xb8;
	[tilespmem:$0x10100] =	vst v63  }
0x56: {  	s30 =	simm.s32 $0x9100;
	v3 =	vadd.s32 v1, v3  }
0x57: {  	[tilespmem:s30], [sflag:$0x1] =	stream.indirect_vreg.gather [hbm4b:s5+s2], $0x80, v4, vm0, $0xb8;
	[tilespmem:$0x10100] =	vst v63  }
0x58: {  	s31 =	simm.s32 $0x9900  }
0x59: {  	[tilespmem:s31], [sflag:$0x1] =	stream.indirect_vreg.gather [hbm4b:s6+s2], $0x80, v4, vm0, $0xb8;
	[tilespmem:$0x10100] =	vst v63  }
0x5a: {  	s0 =	simm.s32 $0xA100  }
0x5b: {  	[tilespmem:s0], [sflag:$0x1] =	stream.indirect_vreg.gather [hbm4b:s3+s2], $0x80, v3, vm0, $0xb8;
	[tilespmem:$0x10100] =	vst v63  }
0x5c: {  	s16 =	simm.s32 $0xA900  }
0x5d: {  	[tilespmem:s16], [sflag:$0x1] =	stream.indirect_vreg.gather [hbm4b:s4+s2], $0x80, v3, vm0, $0xb8;
	[tilespmem:$0x10100] =	vst v63  }
0x5e: {  	s17 =	simm.s32 $0xB100  }
0x5f: {  	[tilespmem:s17], [sflag:$0x1] =	stream.indirect_vreg.gather [hbm4b:s5+s2], $0x80, v3, vm0, $0xb8;
	[tilespmem:$0x10100] =	vst v63  }
0x60: {  	s18 =	simm.s32 $0xB900  }
0x61: {  	[tilespmem:s18], [sflag:$0x1] =	stream.indirect_vreg.gather [hbm4b:s6+s2], $0x80, v3, vm0, $0xb8;
	[tilespmem:$0x10100] =	vst v63  }
0x62: {  	v3 =	vld [tilespmem:$0x90];
	_ =	sdelay $0x4  }
0x63: {  	v51 =	vshll.u32 v3, $0x3  }
0x64: {  	v3 =	vand.u32 $0x7, v3;
	v4 =	vand.u32 $0xFFFFFFC0, v51  }
0x65: {  	v3 =	vor.u32 v3, v4  }
0x66: {  	v4 =	vperm.xlane v3, v0;
	_ =	sdelay $0x1  }
0x67: {  	v4 =	vadd.s32 v1, v4;
	_ =	sdelay $0x3  }
0x68: {  	s21 =	simm.s32 $0xC100  }
0x69: {  	[tilespmem:s21], [sflag:$0x1] =	stream.indirect_vreg.gather [hbm4b:s3+s2], $0x80, v4, vm0, $0xb8;
	[tilespmem:$0x10100] =	vst v63  }
0x6a: {  	s23 =	simm.s32 $0xC900;
	v3 =	vperm.xlane v3, v2  }
0x6b: {  	[tilespmem:s23], [sflag:$0x1] =	stream.indirect_vreg.gather [hbm4b:s4+s2], $0x80, v4, vm0, $0xb8;
	[tilespmem:$0x10100] =	vst v63  }
0x6c: {  	s24 =	simm.s32 $0xD100;
	v3 =	vadd.s32 v1, v3  }
0x6d: {  	[tilespmem:s24], [sflag:$0x1] =	stream.indirect_vreg.gather [hbm4b:s5+s2], $0x80, v4, vm0, $0xb8;
	[tilespmem:$0x10100] =	vst v63  }
0x6e: {  	s30 =	simm.s32 $0xD900  }
0x6f: {  	[tilespmem:s30], [sflag:$0x1] =	stream.indirect_vreg.gather [hbm4b:s6+s2], $0x80, v4, vm0, $0xb8;
	[tilespmem:$0x10100] =	vst v63  }
0x70: {  	s0 =	simm.s32 $0xE100  }
0x71: {  	[tilespmem:s0], [sflag:$0x1] =	stream.indirect_vreg.gather [hbm4b:s3+s2], $0x80, v3, vm0, $0xb8;
	[tilespmem:$0x10100] =	vst v63  }
0x72: {  	s16 =	simm.s32 $0xE900  }
0x73: {  	[tilespmem:s16], [sflag:$0x1] =	stream.indirect_vreg.gather [hbm4b:s4+s2], $0x80, v3, vm0, $0xb8;
	[tilespmem:$0x10100] =	vst v63  }
0x74: {  	s21 =	simm.s32 $0xF100  }
0x75: {  	[tilespmem:s21], [sflag:$0x1] =	stream.indirect_vreg.gather [hbm4b:s5+s2], $0x80, v3, vm0, $0xb8;
	[tilespmem:$0x10100] =	vst v63  }
0x76: {  	s24 =	simm.s32 $0xF900  }
0x77: {  	[tilespmem:s24], [sflag:$0x1] =	stream.indirect_vreg.gather [hbm4b:s6+s2], $0x80, v3, vm0, $0xb8;
	[tilespmem:$0x10100] =	vst v63  }
0x78: {  	_ =	swait.ge [sflag:s19], $0x8000  }
0x79: {  	[sflag:s19] =	ssyncset.done $0x0  }
0x7a: {  	[sflag:s19] =	ssyncadd.s32 $0xFFFF8000  }
0x7b: {  	_ =	swait.ge [sflag:s19], $0x8000  }
0x7c: {  	[sflag:s19] =	ssyncset.done $0x0  }
0x7d: {  	s30 =	rddreg [dreg:$0x5];
	[sflag:s19] =	ssyncadd.s32 $0xFFFF8000  }
0x7e: {  	[hbm4b:s30+s2] =	stream.linear.scatter [tilespmem:s22], [sflag:$0x1], $0x8000, $0x38;
	[tilespmem:$0x10100] =	vst v63  }
0x7f: {  	s21 =	rddreg [dreg:$0x6]  }
0x80: {  	[hbm4b:s21+s2] =	stream.linear.scatter [tilespmem:s26], [sflag:$0x1], $0x8000, $0x38;
	[tilespmem:$0x10100] =	vst v63  }
0x81: {  	_ =	swait.ge [sflag:s19], $0x8000  }
0x82: {  	[sflag:s19] =	ssyncset.done $0x0  }
0x83: {  	[sflag:s19] =	ssyncadd.s32 $0xFFFF8000  }
0x84: {  	_ =	swait.ge [sflag:s19], $0x8000  }
0x85: {  	[sflag:s19] =	ssyncset.done $0x0  }
0x86: {  	s0 =	rddreg [dreg:$0x7];
	[sflag:s19] =	ssyncadd.s32 $0xFFFF8000  }
0x87: {  	[tilespmem:s2], [sflag:$0x2] =	stream.linear.gather [hbm4b:s0+s2], $0x20, $0x38;
	[tilespmem:$0x10100] =	vst v63  }
0x88: {  	_ =	swait.ge [sflag:s8], $0x20  }
0x89: {  	[sflag:s8] =	ssyncset.done $0x0  }
0x8a: {  	s13 =	simm.s32 $0x80;
	s16 =	rddreg [dreg:$0x8];
	[sflag:s8] =	ssyncadd.s32 $0xFFFFFFE0  }
0x8b: {  	[tilespmem:s13], [sflag:$0x2] =	stream.linear.gather [hbm4b:s16+s2], $0x20, $0x38;
	[tilespmem:$0x10100] =	vst v63  }
0x8c: {  	_ =	swait.ge [sflag:s8], $0x20  }
0x8d: {  	[sflag:s8] =	ssyncset.done $0x0  }
0x8e: {  	[sflag:s8] =	ssyncadd.s32 $0xFFFFFFE0  }
0x8f: {  	v3 =	vld [tilespmem:$0x0];
	_ =	sdelay $0x4  }
0x90: {  	v52 =	vshll.u32 v3, $0x3  }
0x91: {  	v3 =	vand.u32 $0x7, v3;
	v4 =	vand.u32 $0xFFFFFFC0, v52  }
0x92: {  	v3 =	vor.u32 v3, v4  }
0x93: {  	v4 =	vperm.xlane v3, v0;
	_ =	sdelay $0x1  }
0x94: {  	v4 =	vadd.s32 v1, v4;
	_ =	sdelay $0x4  }
0x95: {  	[tilespmem:s22], [sflag:$0x1] =	stream.indirect_vreg.gather [hbm4b:s3+s2], $0x80, v4, vm0, $0xb8;
	[tilespmem:$0x10100] =	vst v63  }
0x96: {  	s14 =	simm.s32 $0x900;
	v3 =	vperm.xlane v3, v2  }
0x97: {  	[tilespmem:s14], [sflag:$0x1] =	stream.indirect_vreg.gather [hbm4b:s4+s2], $0x80, v4, vm0, $0xb8;
	[tilespmem:$0x10100] =	vst v63  }
0x98: {  	s1 =	simm.s32 $0x1100;
	v3 =	vadd.s32 v1, v3  }
0x99: {  	[tilespmem:s1], [sflag:$0x1] =	stream.indirect_vreg.gather [hbm4b:s5+s2], $0x80, v4, vm0, $0xb8;
	[tilespmem:$0x10100] =	vst v63  }
0x9a: {  	s9 =	simm.s32 $0x1900  }
0x9b: {  	[tilespmem:s9], [sflag:$0x1] =	stream.indirect_vreg.gather [hbm4b:s6+s2], $0x80, v4, vm0, $0xb8;
	[tilespmem:$0x10100] =	vst v63  }
0x9c: {  	s10 =	simm.s32 $0x2100  }
0x9d: {  	[tilespmem:s10], [sflag:$0x1] =	stream.indirect_vreg.gather [hbm4b:s3+s2], $0x80, v3, vm0, $0xb8;
	[tilespmem:$0x10100] =	vst v63  }
0x9e: {  	s11 =	simm.s32 $0x2900  }
0x9f: {  	[tilespmem:s11], [sflag:$0x1] =	stream.indirect_vreg.gather [hbm4b:s4+s2], $0x80, v3, vm0, $0xb8;
	[tilespmem:$0x10100] =	vst v63  }
0xa0: {  	s12 =	simm.s32 $0x3100  }
0xa1: {  	[tilespmem:s12], [sflag:$0x1] =	stream.indirect_vreg.gather [hbm4b:s5+s2], $0x80, v3, vm0, $0xb8;
	[tilespmem:$0x10100] =	vst v63  }
0xa2: {  	s15 =	simm.s32 $0x3900  }
0xa3: {  	[tilespmem:s15], [sflag:$0x1] =	stream.indirect_vreg.gather [hbm4b:s6+s2], $0x80, v3, vm0, $0xb8;
	[tilespmem:$0x10100] =	vst v63  }
0xa4: {  	v3 =	vld [tilespmem:$0x10];
	_ =	sdelay $0x4  }
0xa5: {  	v53 =	vshll.u32 v3, $0x3  }
0xa6: {  	v3 =	vand.u32 $0x7, v3;
	v4 =	vand.u32 $0xFFFFFFC0, v53  }
0xa7: {  	v3 =	vor.u32 v3, v4  }
0xa8: {  	v4 =	vperm.xlane v3, v0;
	_ =	sdelay $0x1  }
0xa9: {  	v4 =	vadd.s32 v1, v4;
	_ =	sdelay $0x3  }
0xaa: {  	s13 =	simm.s32 $0x4100  }
0xab: {  	[tilespmem:s13], [sflag:$0x1] =	stream.indirect_vreg.gather [hbm4b:s3+s2], $0x80, v4, vm0, $0xb8;
	[tilespmem:$0x10100] =	vst v63  }
0xac: {  	s14 =	simm.s32 $0x4900;
	v3 =	vperm.xlane v3, v2  }
0xad: {  	[tilespmem:s14], [sflag:$0x1] =	stream.indirect_vreg.gather [hbm4b:s4+s2], $0x80, v4, vm0, $0xb8;
	[tilespmem:$0x10100] =	vst v63  }
0xae: {  	s0 =	simm.s32 $0x5100;
	v3 =	vadd.s32 v1, v3  }
0xaf: {  	[tilespmem:s0], [sflag:$0x1] =	stream.indirect_vreg.gather [hbm4b:s5+s2], $0x80, v4, vm0, $0xb8;
	[tilespmem:$0x10100] =	vst v63  }
0xb0: {  	s1 =	simm.s32 $0x5900  }
0xb1: {  	[tilespmem:s1], [sflag:$0x1] =	stream.indirect_vreg.gather [hbm4b:s6+s2], $0x80, v4, vm0, $0xb8;
	[tilespmem:$0x10100] =	vst v63  }
0xb2: {  	s9 =	simm.s32 $0x6100  }
0xb3: {  	[tilespmem:s9], [sflag:$0x1] =	stream.indirect_vreg.gather [hbm4b:s3+s2], $0x80, v3, vm0, $0xb8;
	[tilespmem:$0x10100] =	vst v63  }
0xb4: {  	s10 =	simm.s32 $0x6900  }
0xb5: {  	[tilespmem:s10], [sflag:$0x1] =	stream.indirect_vreg.gather [hbm4b:s4+s2], $0x80, v3, vm0, $0xb8;
	[tilespmem:$0x10100] =	vst v63  }
0xb6: {  	s11 =	simm.s32 $0x7100  }
0xb7: {  	[tilespmem:s11], [sflag:$0x1] =	stream.indirect_vreg.gather [hbm4b:s5+s2], $0x80, v3, vm0, $0xb8;
	[tilespmem:$0x10100] =	vst v63  }
0xb8: {  	s15 =	simm.s32 $0x7900  }
0xb9: {  	[tilespmem:s15], [sflag:$0x1] =	stream.indirect_vreg.gather [hbm4b:s6+s2], $0x80, v3, vm0, $0xb8;
	[tilespmem:$0x10100] =	vst v63  }
0xba: {  	v3 =	vld [tilespmem:$0x80];
	_ =	sdelay $0x4  }
0xbb: {  	v54 =	vshll.u32 v3, $0x3  }
0xbc: {  	v3 =	vand.u32 $0x7, v3;
	v4 =	vand.u32 $0xFFFFFFC0, v54  }
0xbd: {  	v3 =	vor.u32 v3, v4  }
0xbe: {  	v4 =	vperm.xlane v3, v0;
	_ =	sdelay $0x1  }
0xbf: {  	v4 =	vadd.s32 v1, v4;
	_ =	sdelay $0x4  }
0xc0: {  	[tilespmem:s26], [sflag:$0x1] =	stream.indirect_vreg.gather [hbm4b:s3+s2], $0x80, v4, vm0, $0xb8;
	[tilespmem:$0x10100] =	vst v63  }
0xc1: {  	s16 =	simm.s32 $0x8900;
	v3 =	vperm.xlane v3, v2  }
0xc2: {  	[tilespmem:s16], [sflag:$0x1] =	stream.indirect_vreg.gather [hbm4b:s4+s2], $0x80, v4, vm0, $0xb8;
	[tilespmem:$0x10100] =	vst v63  }
0xc3: {  	s12 =	simm.s32 $0x9100;
	v3 =	vadd.s32 v1, v3  }
0xc4: {  	[tilespmem:s12], [sflag:$0x1] =	stream.indirect_vreg.gather [hbm4b:s5+s2], $0x80, v4, vm0, $0xb8;
	[tilespmem:$0x10100] =	vst v63  }
0xc5: {  	s25 =	simm.s32 $0x9900  }
0xc6: {  	[tilespmem:s25], [sflag:$0x1] =	stream.indirect_vreg.gather [hbm4b:s6+s2], $0x80, v4, vm0, $0xb8;
	[tilespmem:$0x10100] =	vst v63  }
0xc7: {  	s31 =	simm.s32 $0xA100  }
0xc8: {  	[tilespmem:s31], [sflag:$0x1] =	stream.indirect_vreg.gather [hbm4b:s3+s2], $0x80, v3, vm0, $0xb8;
	[tilespmem:$0x10100] =	vst v63  }
0xc9: {  	s28 =	simm.s32 $0xA900  }
0xca: {  	[tilespmem:s28], [sflag:$0x1] =	stream.indirect_vreg.gather [hbm4b:s4+s2], $0x80, v3, vm0, $0xb8;
	[tilespmem:$0x10100] =	vst v63  }
0xcb: {  	s29 =	simm.s32 $0xB100  }
0xcc: {  	[tilespmem:s29], [sflag:$0x1] =	stream.indirect_vreg.gather [hbm4b:s5+s2], $0x80, v3, vm0, $0xb8;
	[tilespmem:$0x10100] =	vst v63  }
0xcd: {  	s17 =	simm.s32 $0xB900  }
0xce: {  	[tilespmem:s17], [sflag:$0x1] =	stream.indirect_vreg.gather [hbm4b:s6+s2], $0x80, v3, vm0, $0xb8;
	[tilespmem:$0x10100] =	vst v63  }
0xcf: {  	v3 =	vld [tilespmem:$0x90];
	_ =	sdelay $0x4  }
0xd0: {  	v55 =	vshll.u32 v3, $0x3  }
0xd1: {  	v3 =	vand.u32 $0x7, v3;
	v4 =	vand.u32 $0xFFFFFFC0, v55  }
0xd2: {  	v3 =	vor.u32 v3, v4  }
0xd3: {  	v4 =	vperm.xlane v3, v0;
	_ =	sdelay $0x1  }
0xd4: {  	v4 =	vadd.s32 v1, v4;
	_ =	sdelay $0x3  }
0xd5: {  	s18 =	simm.s32 $0xC100  }
0xd6: {  	[tilespmem:s18], [sflag:$0x1] =	stream.indirect_vreg.gather [hbm4b:s3+s2], $0x80, v4, vm0, $0xb8;
	[tilespmem:$0x10100] =	vst v63  }
0xd7: {  	s23 =	simm.s32 $0xC900;
	v3 =	vperm.xlane v3, v2  }
0xd8: {  	[tilespmem:s23], [sflag:$0x1] =	stream.indirect_vreg.gather [hbm4b:s4+s2], $0x80, v4, vm0, $0xb8;
	[tilespmem:$0x10100] =	vst v63  }
0xd9: {  	s21 =	simm.s32 $0xD100;
	v3 =	vadd.s32 v1, v3  }
0xda: {  	[tilespmem:s21], [sflag:$0x1] =	stream.indirect_vreg.gather [hbm4b:s5+s2], $0x80, v4, vm0, $0xb8;
	[tilespmem:$0x10100] =	vst v63  }
0xdb: {  	s23 =	simm.s32 $0xD900  }
0xdc: {  	[tilespmem:s23], [sflag:$0x1] =	stream.indirect_vreg.gather [hbm4b:s6+s2], $0x80, v4, vm0, $0xb8;
	[tilespmem:$0x10100] =	vst v63  }
0xdd: {  	s31 =	simm.s32 $0xE100  }
0xde: {  	[tilespmem:s31], [sflag:$0x1] =	stream.indirect_vreg.gather [hbm4b:s3+s2], $0x80, v3, vm0, $0xb8;
	[tilespmem:$0x10100] =	vst v63  }
0xdf: {  	s20 =	simm.s32 $0xE900  }
0xe0: {  	[tilespmem:s20], [sflag:$0x1] =	stream.indirect_vreg.gather [hbm4b:s4+s2], $0x80, v3, vm0, $0xb8;
	[tilespmem:$0x10100] =	vst v63  }
0xe1: {  	s21 =	simm.s32 $0xF100  }
0xe2: {  	[tilespmem:s21], [sflag:$0x1] =	stream.indirect_vreg.gather [hbm4b:s5+s2], $0x80, v3, vm0, $0xb8;
	[tilespmem:$0x10100] =	vst v63  }
0xe3: {  	s24 =	simm.s32 $0xF900  }
0xe4: {  	[tilespmem:s24], [sflag:$0x1] =	stream.indirect_vreg.gather [hbm4b:s6+s2], $0x80, v3, vm0, $0xb8;
	[tilespmem:$0x10100] =	vst v63  }
0xe5: {  	_ =	swait.ge [sflag:s19], $0x8000  }
0xe6: {  	[sflag:s19] =	ssyncset.done $0x0  }
0xe7: {  	[sflag:s19] =	ssyncadd.s32 $0xFFFF8000  }
0xe8: {  	_ =	swait.ge [sflag:s19], $0x8000  }
0xe9: {  	[sflag:s19] =	ssyncset.done $0x0  }
0xea: {  	s24 =	rddreg [dreg:$0x9];
	[sflag:s19] =	ssyncadd.s32 $0xFFFF8000  }
0xeb: {  	[hbm4b:s24+s2] =	stream.linear.scatter [tilespmem:s22], [sflag:$0x1], $0x8000, $0x38;
	[tilespmem:$0x10100] =	vst v63  }
0xec: {  	s17 =	rddreg [dreg:$0xa]  }
0xed: {  	[hbm4b:s17+s2] =	stream.linear.scatter [tilespmem:s26], [sflag:$0x1], $0x8000, $0x38;
	[tilespmem:$0x10100] =	vst v63  }
0xee: {  	_ =	swait.ge [sflag:s19], $0x8000  }
0xef: {  	[sflag:s19] =	ssyncset.done $0x0  }
0xf0: {  	[sflag:s19] =	ssyncadd.s32 $0xFFFF8000  }
0xf1: {  	_ =	swait.ge [sflag:s19], $0x8000  }
0xf2: {  	[sflag:s19] =	ssyncset.done $0x0  }
0xf3: {  	s24 =	rddreg [dreg:$0xb];
	[sflag:s19] =	ssyncadd.s32 $0xFFFF8000  }
0xf4: {  	[tilespmem:s2], [sflag:$0x2] =	stream.linear.gather [hbm4b:s24+s2], $0x20, $0x38;
	[tilespmem:$0x10100] =	vst v63  }
0xf5: {  	_ =	swait.ge [sflag:s8], $0x20  }
0xf6: {  	[sflag:s8] =	ssyncset.done $0x0  }
0xf7: {  	s21 =	simm.s32 $0x80;
	s17 =	rddreg [dreg:$0xc];
	[sflag:s8] =	ssyncadd.s32 $0xFFFFFFE0  }
0xf8: {  	[tilespmem:s21], [sflag:$0x2] =	stream.linear.gather [hbm4b:s17+s2], $0x20, $0x38;
	[tilespmem:$0x10100] =	vst v63  }
0xf9: {  	_ =	swait.ge [sflag:s8], $0x20  }
0xfa: {  	[sflag:s8] =	ssyncset.done $0x0  }
0xfb: {  	[sflag:s8] =	ssyncadd.s32 $0xFFFFFFE0  }
0xfc: {  	v3 =	vld [tilespmem:$0x0];
	_ =	sdelay $0x4  }
0xfd: {  	v56 =	vshll.u32 v3, $0x3  }
0xfe: {  	v3 =	vand.u32 $0x7, v3;
	v4 =	vand.u32 $0xFFFFFFC0, v56  }
0xff: {  	v3 =	vor.u32 v3, v4  }
0x100: {  	v4 =	vperm.xlane v3, v0;
	_ =	sdelay $0x1  }
0x101: {  	v4 =	vadd.s32 v1, v4;
	_ =	sdelay $0x4  }
0x102: {  	[tilespmem:s22], [sflag:$0x1] =	stream.indirect_vreg.gather [hbm4b:s3+s2], $0x80, v4, vm0, $0xb8;
	[tilespmem:$0x10100] =	vst v63  }
0x103: {  	s24 =	simm.s32 $0x900;
	v3 =	vperm.xlane v3, v2  }
0x104: {  	[tilespmem:s24], [sflag:$0x1] =	stream.indirect_vreg.gather [hbm4b:s4+s2], $0x80, v4, vm0, $0xb8;
	[tilespmem:$0x10100] =	vst v63  }
0x105: {  	s20 =	simm.s32 $0x1100;
	v3 =	vadd.s32 v1, v3  }
0x106: {  	[tilespmem:s20], [sflag:$0x1] =	stream.indirect_vreg.gather [hbm4b:s5+s2], $0x80, v4, vm0, $0xb8;
	[tilespmem:$0x10100] =	vst v63  }
0x107: {  	s21 =	simm.s32 $0x1900  }
0x108: {  	[tilespmem:s21], [sflag:$0x1] =	stream.indirect_vreg.gather [hbm4b:s6+s2], $0x80, v4, vm0, $0xb8;
	[tilespmem:$0x10100] =	vst v63  }
0x109: {  	s24 =	simm.s32 $0x2100  }
0x10a: {  	[tilespmem:s24], [sflag:$0x1] =	stream.indirect_vreg.gather [hbm4b:s3+s2], $0x80, v3, vm0, $0xb8;
	[tilespmem:$0x10100] =	vst v63  }
0x10b: {  	s20 =	simm.s32 $0x2900  }
0x10c: {  	[tilespmem:s20], [sflag:$0x1] =	stream.indirect_vreg.gather [hbm4b:s4+s2], $0x80, v3, vm0, $0xb8;
	[tilespmem:$0x10100] =	vst v63  }
0x10d: {  	s21 =	simm.s32 $0x3100  }
0x10e: {  	[tilespmem:s21], [sflag:$0x1] =	stream.indirect_vreg.gather [hbm4b:s5+s2], $0x80, v3, vm0, $0xb8;
	[tilespmem:$0x10100] =	vst v63  }
0x10f: {  	s24 =	simm.s32 $0x3900  }
0x110: {  	[tilespmem:s24], [sflag:$0x1] =	stream.indirect_vreg.gather [hbm4b:s6+s2], $0x80, v3, vm0, $0xb8;
	[tilespmem:$0x10100] =	vst v63  }
0x111: {  	v3 =	vld [tilespmem:$0x10];
	_ =	sdelay $0x4  }
0x112: {  	v57 =	vshll.u32 v3, $0x3  }
0x113: {  	v3 =	vand.u32 $0x7, v3;
	v4 =	vand.u32 $0xFFFFFFC0, v57  }
0x114: {  	v3 =	vor.u32 v3, v4  }
0x115: {  	v4 =	vperm.xlane v3, v0;
	_ =	sdelay $0x1  }
0x116: {  	v4 =	vadd.s32 v1, v4;
	_ =	sdelay $0x4  }
0x117: {  	[tilespmem:s13], [sflag:$0x1] =	stream.indirect_vreg.gather [hbm4b:s3+s2], $0x80, v4, vm0, $0xb8;
	[tilespmem:$0x10100] =	vst v63  }
0x118: {  	v3 =	vperm.xlane v3, v2  }
0x119: {  	[tilespmem:s14], [sflag:$0x1] =	stream.indirect_vreg.gather [hbm4b:s4+s2], $0x80, v4, vm0, $0xb8;
	[tilespmem:$0x10100] =	vst v63  }
0x11a: {  	v3 =	vadd.s32 v1, v3  }
0x11b: {  	[tilespmem:s0], [sflag:$0x1] =	stream.indirect_vreg.gather [hbm4b:s5+s2], $0x80, v4, vm0, $0xb8;
	[tilespmem:$0x10100] =	vst v63  }
0x11c: {  	_ = 	snop  }
0x11d: {  	[tilespmem:s1], [sflag:$0x1] =	stream.indirect_vreg.gather [hbm4b:s6+s2], $0x80, v4, vm0, $0xb8;
	[tilespmem:$0x10100] =	vst v63  }
0x11e: {  	_ = 	snop  }
0x11f: {  	[tilespmem:s9], [sflag:$0x1] =	stream.indirect_vreg.gather [hbm4b:s3+s2], $0x80, v3, vm0, $0xb8;
	[tilespmem:$0x10100] =	vst v63  }
0x120: {  	_ = 	snop  }
0x121: {  	[tilespmem:s10], [sflag:$0x1] =	stream.indirect_vreg.gather [hbm4b:s4+s2], $0x80, v3, vm0, $0xb8;
	[tilespmem:$0x10100] =	vst v63  }
0x122: {  	_ = 	snop  }
0x123: {  	[tilespmem:s11], [sflag:$0x1] =	stream.indirect_vreg.gather [hbm4b:s5+s2], $0x80, v3, vm0, $0xb8;
	[tilespmem:$0x10100] =	vst v63  }
0x124: {  	_ = 	snop  }
0x125: {  	[tilespmem:s15], [sflag:$0x1] =	stream.indirect_vreg.gather [hbm4b:s6+s2], $0x80, v3, vm0, $0xb8;
	[tilespmem:$0x10100] =	vst v63  }
0x126: {  	v3 =	vld [tilespmem:$0x80];
	_ =	sdelay $0x4  }
0x127: {  	v58 =	vshll.u32 v3, $0x3  }
0x128: {  	v3 =	vand.u32 $0x7, v3;
	v4 =	vand.u32 $0xFFFFFFC0, v58  }
0x129: {  	v3 =	vor.u32 v3, v4  }
0x12a: {  	v4 =	vperm.xlane v3, v0;
	_ =	sdelay $0x1  }
0x12b: {  	v4 =	vadd.s32 v1, v4;
	_ =	sdelay $0x4  }
0x12c: {  	[tilespmem:s26], [sflag:$0x1] =	stream.indirect_vreg.gather [hbm4b:s3+s2], $0x80, v4, vm0, $0xb8;
	[tilespmem:$0x10100] =	vst v63  }
0x12d: {  	v3 =	vperm.xlane v3, v2  }
0x12e: {  	[tilespmem:s16], [sflag:$0x1] =	stream.indirect_vreg.gather [hbm4b:s4+s2], $0x80, v4, vm0, $0xb8;
	[tilespmem:$0x10100] =	vst v63  }
0x12f: {  	v3 =	vadd.s32 v1, v3  }
0x130: {  	[tilespmem:s12], [sflag:$0x1] =	stream.indirect_vreg.gather [hbm4b:s5+s2], $0x80, v4, vm0, $0xb8;
	[tilespmem:$0x10100] =	vst v63  }
0x131: {  	s30 =	simm.s32 $0x9900  }
0x132: {  	[tilespmem:s30], [sflag:$0x1] =	stream.indirect_vreg.gather [hbm4b:s6+s2], $0x80, v4, vm0, $0xb8;
	[tilespmem:$0x10100] =	vst v63  }
0x133: {  	s25 =	simm.s32 $0xA100  }
0x134: {  	[tilespmem:s25], [sflag:$0x1] =	stream.indirect_vreg.gather [hbm4b:s3+s2], $0x80, v3, vm0, $0xb8;
	[tilespmem:$0x10100] =	vst v63  }
0x135: {  	s28 =	simm.s32 $0xA900  }
0x136: {  	[tilespmem:s28], [sflag:$0x1] =	stream.indirect_vreg.gather [hbm4b:s4+s2], $0x80, v3, vm0, $0xb8;
	[tilespmem:$0x10100] =	vst v63  }
0x137: {  	s29 =	simm.s32 $0xB100  }
0x138: {  	[tilespmem:s29], [sflag:$0x1] =	stream.indirect_vreg.gather [hbm4b:s5+s2], $0x80, v3, vm0, $0xb8;
	[tilespmem:$0x10100] =	vst v63  }
0x139: {  	s30 =	simm.s32 $0xB900  }
0x13a: {  	[tilespmem:s30], [sflag:$0x1] =	stream.indirect_vreg.gather [hbm4b:s6+s2], $0x80, v3, vm0, $0xb8;
	[tilespmem:$0x10100] =	vst v63  }
0x13b: {  	v3 =	vld [tilespmem:$0x90];
	_ =	sdelay $0x4  }
0x13c: {  	v59 =	vshll.u32 v3, $0x3  }
0x13d: {  	v3 =	vand.u32 $0x7, v3;
	v4 =	vand.u32 $0xFFFFFFC0, v59  }
0x13e: {  	v3 =	vor.u32 v3, v4  }
0x13f: {  	v4 =	vperm.xlane v3, v0;
	_ =	sdelay $0x1  }
0x140: {  	v4 =	vadd.s32 v1, v4;
	_ =	sdelay $0x3  }
0x141: {  	s21 =	simm.s32 $0xC100  }
0x142: {  	[tilespmem:s21], [sflag:$0x1] =	stream.indirect_vreg.gather [hbm4b:s3+s2], $0x80, v4, vm0, $0xb8;
	[tilespmem:$0x10100] =	vst v63  }
0x143: {  	s29 =	simm.s32 $0xC900;
	v3 =	vperm.xlane v3, v2  }
0x144: {  	[tilespmem:s29], [sflag:$0x1] =	stream.indirect_vreg.gather [hbm4b:s4+s2], $0x80, v4, vm0, $0xb8;
	[tilespmem:$0x10100] =	vst v63  }
0x145: {  	s18 =	simm.s32 $0xD100;
	v3 =	vadd.s32 v1, v3  }
0x146: {  	[tilespmem:s18], [sflag:$0x1] =	stream.indirect_vreg.gather [hbm4b:s5+s2], $0x80, v4, vm0, $0xb8;
	[tilespmem:$0x10100] =	vst v63  }
0x147: {  	s23 =	simm.s32 $0xD900  }
0x148: {  	[tilespmem:s23], [sflag:$0x1] =	stream.indirect_vreg.gather [hbm4b:s6+s2], $0x80, v4, vm0, $0xb8;
	[tilespmem:$0x10100] =	vst v63  }
0x149: {  	s31 =	simm.s32 $0xE100  }
0x14a: {  	[tilespmem:s31], [sflag:$0x1] =	stream.indirect_vreg.gather [hbm4b:s3+s2], $0x80, v3, vm0, $0xb8;
	[tilespmem:$0x10100] =	vst v63  }
0x14b: {  	s30 =	simm.s32 $0xE900  }
0x14c: {  	[tilespmem:s30], [sflag:$0x1] =	stream.indirect_vreg.gather [hbm4b:s4+s2], $0x80, v3, vm0, $0xb8;
	[tilespmem:$0x10100] =	vst v63  }
0x14d: {  	s31 =	simm.s32 $0xF100  }
0x14e: {  	[tilespmem:s31], [sflag:$0x1] =	stream.indirect_vreg.gather [hbm4b:s5+s2], $0x80, v3, vm0, $0xb8;
	[tilespmem:$0x10100] =	vst v63  }
0x14f: {  	s21 =	simm.s32 $0xF900  }
0x150: {  	[tilespmem:s21], [sflag:$0x1] =	stream.indirect_vreg.gather [hbm4b:s6+s2], $0x80, v3, vm0, $0xb8;
	[tilespmem:$0x10100] =	vst v63  }
0x151: {  	_ =	swait.ge [sflag:s19], $0x8000  }
0x152: {  	[sflag:s19] =	ssyncset.done $0x0  }
0x153: {  	[sflag:s19] =	ssyncadd.s32 $0xFFFF8000  }
0x154: {  	_ =	swait.ge [sflag:s19], $0x8000  }
0x155: {  	[sflag:s19] =	ssyncset.done $0x0  }
0x156: {  	s20 =	rddreg [dreg:$0xd];
	[sflag:s19] =	ssyncadd.s32 $0xFFFF8000  }
0x157: {  	[hbm4b:s20+s2] =	stream.linear.scatter [tilespmem:s22], [sflag:$0x1], $0x8000, $0x38;
	[tilespmem:$0x10100] =	vst v63  }
0x158: {  	s21 =	rddreg [dreg:$0xe]  }
0x159: {  	[hbm4b:s21+s2] =	stream.linear.scatter [tilespmem:s26], [sflag:$0x1], $0x8000, $0x38;
	[tilespmem:$0x10100] =	vst v63  }
0x15a: {  	_ =	swait.ge [sflag:s19], $0x8000  }
0x15b: {  	[sflag:s19] =	ssyncset.done $0x0  }
0x15c: {  	[sflag:s19] =	ssyncadd.s32 $0xFFFF8000  }
0x15d: {  	_ =	swait.ge [sflag:s19], $0x8000  }
0x15e: {  	[sflag:s19] =	ssyncset.done $0x0  }
0x15f: {  	s21 =	rddreg [dreg:$0xf];
	[sflag:s19] =	ssyncadd.s32 $0xFFFF8000  }
0x160: {  	[tilespmem:s2], [sflag:$0x2] =	stream.linear.gather [hbm4b:s21+s2], $0x20, $0x38;
	[tilespmem:$0x10100] =	vst v63  }
0x161: {  	_ =	swait.ge [sflag:s8], $0x20  }
0x162: {  	[sflag:s8] =	ssyncset.done $0x0  }
0x163: {  	s21 =	simm.s32 $0x80;
	s20 =	rddreg [dreg:$0x10];
	[sflag:s8] =	ssyncadd.s32 $0xFFFFFFE0  }
0x164: {  	[tilespmem:s21], [sflag:$0x2] =	stream.linear.gather [hbm4b:s20+s2], $0x20, $0x38;
	[tilespmem:$0x10100] =	vst v63  }
0x165: {  	_ =	swait.ge [sflag:s8], $0x20  }
0x166: {  	[sflag:s8] =	ssyncset.done $0x0  }
0x167: {  	[sflag:s8] =	ssyncadd.s32 $0xFFFFFFE0  }
0x168: {  	v3 =	vld [tilespmem:$0x0];
	_ =	sdelay $0x4  }
0x169: {  	v60 =	vshll.u32 v3, $0x3  }
0x16a: {  	v3 =	vand.u32 $0x7, v3;
	v4 =	vand.u32 $0xFFFFFFC0, v60  }
0x16b: {  	v3 =	vor.u32 v3, v4  }
0x16c: {  	v4 =	vperm.xlane v3, v0;
	_ =	sdelay $0x1  }
0x16d: {  	v4 =	vadd.s32 v1, v4;
	_ =	sdelay $0x4  }
0x16e: {  	[tilespmem:s22], [sflag:$0x1] =	stream.indirect_vreg.gather [hbm4b:s3+s2], $0x80, v4, vm0, $0xb8;
	[tilespmem:$0x10100] =	vst v63  }
0x16f: {  	s21 =	simm.s32 $0x900;
	v3 =	vperm.xlane v3, v2  }
0x170: {  	[tilespmem:s21], [sflag:$0x1] =	stream.indirect_vreg.gather [hbm4b:s4+s2], $0x80, v4, vm0, $0xb8;
	[tilespmem:$0x10100] =	vst v63  }
0x171: {  	v3 =	vadd.s32 v1, v3;
	s21 =	simm.s32 $0x1100  }
0x172: {  	[tilespmem:s21], [sflag:$0x1] =	stream.indirect_vreg.gather [hbm4b:s5+s2], $0x80, v4, vm0, $0xb8;
	[tilespmem:$0x10100] =	vst v63  }
0x173: {  	s21 =	simm.s32 $0x1900  }
0x174: {  	[tilespmem:s21], [sflag:$0x1] =	stream.indirect_vreg.gather [hbm4b:s6+s2], $0x80, v4, vm0, $0xb8;
	[tilespmem:$0x10100] =	vst v63  }
0x175: {  	s21 =	simm.s32 $0x2100  }
0x176: {  	[tilespmem:s21], [sflag:$0x1] =	stream.indirect_vreg.gather [hbm4b:s3+s2], $0x80, v3, vm0, $0xb8;
	[tilespmem:$0x10100] =	vst v63  }
0x177: {  	s21 =	simm.s32 $0x2900  }
0x178: {  	[tilespmem:s21], [sflag:$0x1] =	stream.indirect_vreg.gather [hbm4b:s4+s2], $0x80, v3, vm0, $0xb8;
	[tilespmem:$0x10100] =	vst v63  }
0x179: {  	s21 =	simm.s32 $0x3100  }
0x17a: {  	[tilespmem:s21], [sflag:$0x1] =	stream.indirect_vreg.gather [hbm4b:s5+s2], $0x80, v3, vm0, $0xb8;
	[tilespmem:$0x10100] =	vst v63  }
0x17b: {  	s21 =	simm.s32 $0x3900  }
0x17c: {  	[tilespmem:s21], [sflag:$0x1] =	stream.indirect_vreg.gather [hbm4b:s6+s2], $0x80, v3, vm0, $0xb8;
	[tilespmem:$0x10100] =	vst v63  }
0x17d: {  	v3 =	vld [tilespmem:$0x10];
	_ =	sdelay $0x4  }
0x17e: {  	v61 =	vshll.u32 v3, $0x3  }
0x17f: {  	v3 =	vand.u32 $0x7, v3;
	v4 =	vand.u32 $0xFFFFFFC0, v61  }
0x180: {  	v3 =	vor.u32 v3, v4  }
0x181: {  	v4 =	vperm.xlane v3, v0;
	_ =	sdelay $0x1  }
0x182: {  	v4 =	vadd.s32 v1, v4;
	_ =	sdelay $0x3  }
0x183: {  	s13 =	simm.s32 $0x4100  }
0x184: {  	[tilespmem:s13], [sflag:$0x1] =	stream.indirect_vreg.gather [hbm4b:s3+s2], $0x80, v4, vm0, $0xb8;
	[tilespmem:$0x10100] =	vst v63  }
0x185: {  	s14 =	simm.s32 $0x4900;
	v3 =	vperm.xlane v3, v2  }
0x186: {  	[tilespmem:s14], [sflag:$0x1] =	stream.indirect_vreg.gather [hbm4b:s4+s2], $0x80, v4, vm0, $0xb8;
	[tilespmem:$0x10100] =	vst v63  }
0x187: {  	s0 =	simm.s32 $0x5100;
	v3 =	vadd.s32 v1, v3  }
0x188: {  	[tilespmem:s0], [sflag:$0x1] =	stream.indirect_vreg.gather [hbm4b:s5+s2], $0x80, v4, vm0, $0xb8;
	[tilespmem:$0x10100] =	vst v63  }
0x189: {  	s1 =	simm.s32 $0x5900  }
0x18a: {  	[tilespmem:s1], [sflag:$0x1] =	stream.indirect_vreg.gather [hbm4b:s6+s2], $0x80, v4, vm0, $0xb8;
	[tilespmem:$0x10100] =	vst v63  }
0x18b: {  	s9 =	simm.s32 $0x6100  }
0x18c: {  	[tilespmem:s9], [sflag:$0x1] =	stream.indirect_vreg.gather [hbm4b:s3+s2], $0x80, v3, vm0, $0xb8;
	[tilespmem:$0x10100] =	vst v63  }
0x18d: {  	s10 =	simm.s32 $0x6900  }
0x18e: {  	[tilespmem:s10], [sflag:$0x1] =	stream.indirect_vreg.gather [hbm4b:s4+s2], $0x80, v3, vm0, $0xb8;
	[tilespmem:$0x10100] =	vst v63  }
0x18f: {  	s11 =	simm.s32 $0x7100  }
0x190: {  	[tilespmem:s11], [sflag:$0x1] =	stream.indirect_vreg.gather [hbm4b:s5+s2], $0x80, v3, vm0, $0xb8;
	[tilespmem:$0x10100] =	vst v63  }
0x191: {  	s15 =	simm.s32 $0x7900  }
0x192: {  	[tilespmem:s15], [sflag:$0x1] =	stream.indirect_vreg.gather [hbm4b:s6+s2], $0x80, v3, vm0, $0xb8;
	[tilespmem:$0x10100] =	vst v63  }
0x193: {  	v3 =	vld [tilespmem:$0x80];
	_ =	sdelay $0x4  }
0x194: {  	v62 =	vshll.u32 v3, $0x3  }
0x195: {  	v3 =	vand.u32 $0x7, v3;
	v4 =	vand.u32 $0xFFFFFFC0, v62  }
0x196: {  	v3 =	vor.u32 v3, v4  }
0x197: {  	v4 =	vperm.xlane v3, v0;
	_ =	sdelay $0x1  }
0x198: {  	v4 =	vadd.s32 v1, v4;
	_ =	sdelay $0x4  }
0x199: {  	[tilespmem:s26], [sflag:$0x1] =	stream.indirect_vreg.gather [hbm4b:s3+s2], $0x80, v4, vm0, $0xb8;
	[tilespmem:$0x10100] =	vst v63  }
0x19a: {  	s16 =	simm.s32 $0x8900;
	v3 =	vperm.xlane v3, v2  }
0x19b: {  	[tilespmem:s16], [sflag:$0x1] =	stream.indirect_vreg.gather [hbm4b:s4+s2], $0x80, v4, vm0, $0xb8;
	[tilespmem:$0x10100] =	vst v63  }
0x19c: {  	s12 =	simm.s32 $0x9100;
	v3 =	vadd.s32 v1, v3  }
0x19d: {  	[tilespmem:s12], [sflag:$0x1] =	stream.indirect_vreg.gather [hbm4b:s5+s2], $0x80, v4, vm0, $0xb8;
	[tilespmem:$0x10100] =	vst v63  }
0x19e: {  	s17 =	simm.s32 $0x9900  }
0x19f: {  	[tilespmem:s17], [sflag:$0x1] =	stream.indirect_vreg.gather [hbm4b:s6+s2], $0x80, v4, vm0, $0xb8;
	[tilespmem:$0x10100] =	vst v63  }
0x1a0: {  	s24 =	simm.s32 $0xA100  }
0x1a1: {  	[tilespmem:s24], [sflag:$0x1] =	stream.indirect_vreg.gather [hbm4b:s3+s2], $0x80, v3, vm0, $0xb8;
	[tilespmem:$0x10100] =	vst v63  }
0x1a2: {  	s25 =	simm.s32 $0xA900  }
0x1a3: {  	[tilespmem:s25], [sflag:$0x1] =	stream.indirect_vreg.gather [hbm4b:s4+s2], $0x80, v3, vm0, $0xb8;
	[tilespmem:$0x10100] =	vst v63  }
0x1a4: {  	s28 =	simm.s32 $0xB100  }
0x1a5: {  	[tilespmem:s28], [sflag:$0x1] =	stream.indirect_vreg.gather [hbm4b:s5+s2], $0x80, v3, vm0, $0xb8;
	[tilespmem:$0x10100] =	vst v63  }
0x1a6: {  	s24 =	simm.s32 $0xB900  }
0x1a7: {  	[tilespmem:s24], [sflag:$0x1] =	stream.indirect_vreg.gather [hbm4b:s6+s2], $0x80, v3, vm0, $0xb8;
	[tilespmem:$0x10100] =	vst v63  }
0x1a8: {  	v3 =	vld [tilespmem:$0x90];
	_ =	sdelay $0x4  }
0x1a9: {  	v63 =	vshll.u32 v3, $0x3  }
0x1aa: {  	v3 =	vand.u32 $0x7, v3;
	v4 =	vand.u32 $0xFFFFFFC0, v63  }
0x1ab: {  	v3 =	vor.u32 v3, v4  }
0x1ac: {  	v4 =	vperm.xlane v3, v0;
	_ =	sdelay $0x1  }
0x1ad: {  	v4 =	vadd.s32 v1, v4;
	_ =	sdelay $0x3  }
0x1ae: {  	s25 =	simm.s32 $0xC100  }
0x1af: {  	[tilespmem:s25], [sflag:$0x1] =	stream.indirect_vreg.gather [hbm4b:s3+s2], $0x80, v4, vm0, $0xb8;
	[tilespmem:$0x10100] =	vst v63  }
0x1b0: {  	s28 =	simm.s32 $0xC900;
	v3 =	vperm.xlane v3, v2  }
0x1b1: {  	[tilespmem:s28], [sflag:$0x1] =	stream.indirect_vreg.gather [hbm4b:s4+s2], $0x80, v4, vm0, $0xb8;
	[tilespmem:$0x10100] =	vst v63  }
0x1b2: {  	s29 =	simm.s32 $0xD100;
	v3 =	vadd.s32 v1, v3  }
0x1b3: {  	[tilespmem:s29], [sflag:$0x1] =	stream.indirect_vreg.gather [hbm4b:s5+s2], $0x80, v4, vm0, $0xb8;
	[tilespmem:$0x10100] =	vst v63  }
0x1b4: {  	s18 =	simm.s32 $0xD900  }
0x1b5: {  	[tilespmem:s18], [sflag:$0x1] =	stream.indirect_vreg.gather [hbm4b:s6+s2], $0x80, v4, vm0, $0xb8;
	[tilespmem:$0x10100] =	vst v63  }
0x1b6: {  	s23 =	simm.s32 $0xE100  }
0x1b7: {  	[tilespmem:s23], [sflag:$0x1] =	stream.indirect_vreg.gather [hbm4b:s3+s2], $0x80, v3, vm0, $0xb8;
	[tilespmem:$0x10100] =	vst v63  }
0x1b8: {  	s30 =	simm.s32 $0xE900  }
0x1b9: {  	[tilespmem:s30], [sflag:$0x1] =	stream.indirect_vreg.gather [hbm4b:s4+s2], $0x80, v3, vm0, $0xb8;
	[tilespmem:$0x10100] =	vst v63  }
0x1ba: {  	s31 =	simm.s32 $0xF100  }
0x1bb: {  	[tilespmem:s31], [sflag:$0x1] =	stream.indirect_vreg.gather [hbm4b:s5+s2], $0x80, v3, vm0, $0xb8;
	[tilespmem:$0x10100] =	vst v63  }
0x1bc: {  	s29 =	simm.s32 $0xF900  }
0x1bd: {  	[tilespmem:s29], [sflag:$0x1] =	stream.indirect_vreg.gather [hbm4b:s6+s2], $0x80, v3, vm0, $0xb8;
	[tilespmem:$0x10100] =	vst v63  }
0x1be: {  	_ =	swait.ge [sflag:s19], $0x8000  }
0x1bf: {  	[sflag:s19] =	ssyncset.done $0x0  }
0x1c0: {  	[sflag:s19] =	ssyncadd.s32 $0xFFFF8000  }
0x1c1: {  	_ =	swait.ge [sflag:s19], $0x8000  }
0x1c2: {  	[sflag:s19] =	ssyncset.done $0x0  }
0x1c3: {  	s30 =	rddreg [dreg:$0x11];
	[sflag:s19] =	ssyncadd.s32 $0xFFFF8000  }
0x1c4: {  	[hbm4b:s30+s2] =	stream.linear.scatter [tilespmem:s22], [sflag:$0x1], $0x8000, $0x38;
	[tilespmem:$0x10100] =	vst v63  }
0x1c5: {  	s31 =	rddreg [dreg:$0x12]  }
0x1c6: {  	[hbm4b:s31+s2] =	stream.linear.scatter [tilespmem:s26], [sflag:$0x1], $0x8000, $0x38;
	[tilespmem:$0x10100] =	vst v63  }
0x1c7: {  	p0 =	sne.s32 s7, $0x1;
	_ =	swait.ge [sflag:s19], $0x8000  }
.Ltmp0:
0x1c8: {  	[sflag:s19] =	ssyncset.done $0x0;
	(pc) =	sbr.rel @p0 .LBB2_1-.Ltmp0, $4  }
0x1c9: {  	[sflag:s19] =	ssyncadd.s32 $0xFFFF8000  }
0x1ca: {  	_ =	swait.ge [sflag:s19], $0x8000  }
0x1cb: {  	[sflag:s19] =	ssyncset.done $0x0  }
0x1cc: {  	s7 =	sadd.s32 $0xFFFFFFFF, s7;
	[sflag:s19] =	ssyncadd.s32 $0xFFFF8000  }
0x1cd: {  	_ =	sfence.sel $0x180000  }
0x1ce: {  	[bflag:$0x0] =	sbarrier.arrive $0xFFFF  }
0x1cf: {  	_ =	strace $0x9000004D  }
0x1d0: {  	s0 =	stileid.u32;
	[bflag:$0x2] =	sbarrier.arrive $0xFFFF  }
0x1d1: {  	p0 =	sne.s32 s0, $0x0;
	s0 =	rddreg [dreg:$0x2]  }
0x1d2: {  	s0 =	sadd.s32 @!p0 $0x100000, s0  }
0x1d3: {  	[sflag:s0] =	ssyncadd.tile.s32 @!p0 $0x1;
	_ =	shalt  }
.Lfunc_end2:
_tile_overlayer_lowered:
.L_overlay_start_2:
0x1d4: {  	(tag) =	ssettag $0x2  }
0x1d5: {  	s0 =	rddreg [dreg:$0x0];
	s2 =	stileid.u32  }
0x1d6: {  	s1 =	rddreg [dreg:$0x1];
	p0 =	sne.s32 s2, $0x0  }
0x1d7: {  	s3 =	rddreg [dreg:$0x2];
	[bflag:$0x3] =	sbarrier.arrive $0xFFFF;
	s2 =	simm.s32 @!p0 $0x1C02  }
0x1d8: {  	[timem:s3], [sflag:s2] =	dma.local @!p0 [hbm:s0], s1  }
0x1d9: {  	s0 =	simm.s32 @!p0 $0x2  }
0x1da: {  	_ =	swait.ge @!p0 [sflag:s0], s1  }
0x1db: {  	s1 =	ssub.s32 @!p0 $0x0, s1;
	[sflag:s0] =	ssyncset.done @!p0 $0x0  }
0x1dc: {  	[sflag:s0] =	ssyncadd.s32 @!p0 s1  }
0x1dd: {  	[bflag:$0x3] =	sbarrier.arrive $0xFFFF  }
0x1de: {  	_ =	shalt  }

// kernel: kernel.7.cloned.1.call-start
scs
__scs_entry_jumppad:
0x0: {  	(pc) =	sbr.rel $0x88, $3  }
0x1: {  	(tag) =	ssettag $0x0;
	lr =	simm.s32 $0x1  }
0x2: {  	[smem:$0x3F9C] =	sst lr;
	_ =	strace $0xD0000000  }
0x3: {  	_ = 	snop  }
0x4: {  	_ = 	snop  }
0x5: {  	_ = 	snop  }
0x6: {  	_ = 	snop  }
0x7: {  	_ = 	snop  }
__scs_overlays_trampoline_lowered:
0x8: {  	[smem:$0x3FAB] =	sst s0  }
0x9: {  	[smem:$0x3FAC] =	sst s1  }
0xa: {  	[smem:$0x3FAD] =	sst s2  }
0xb: {  	[smem:$0x3FAE] =	sst s3  }
0xc: {  	[smem:$0x3FAF] =	sst s4  }
0xd: {  	[smem:$0x3FB0] =	sst s5  }
0xe: {  	[smem:$0x3FB1] =	sst s6  }
0xf: {  	[smem:$0x3FB2] =	sst s7  }
0x10: {  	[smem:$0x3FB3] =	sst s8  }
0x11: {  	[smem:$0x3FB4] =	sst s9;
	s0 =	simm.s32 @!p0 $0x0  }
0x12: {  	s1 =	sld [smem:$0x3F9A];
	s0 =	simm.s32 @p0 $0x1  }
0x13: {  	[smem:$0x3FB5] =	sst s0;
	s0 =	simm.s32 @!p1 $0x0  }
0x14: {  	s2 =	sld [smem:$0x3F99];
	s0 =	simm.s32 @p1 $0x1  }
0x15: {  	[smem:$0x3FB6] =	sst s0;
	s0 =	simm.s32 @!p2 $0x0  }
0x16: {  	s3 =	sld [smem:$0x3FDB];
	s0 =	simm.s32 @p2 $0x1  }
0x17: {  	s4 =	simm.s32 $0x1BF5;
	[smem:$0x3FB8] =	sst s0  }
0x18: {  	s0 =	sld [smem:$0x3F9B];
	_ =	swait.ge [sflag:s4], $0x0  }
0x19: {  	s7 =	sld [smem:$0x3F9C]  }
0x1a: {  	s8 =	sadd.s32 $0xFFFFE003, lr  }
0x1b: {  	s9 =	sadd.s32 $0xFFFFFEF7, lr;
	s5 =	simm.s32 $0xFFFFFFFF;
	p2 =	slt.u32 s8, $0xFFFFF086  }
0x1c: {  	p1 =	slt.u32 s9, $0xF7A;
	s5 =	simm.s32 @!p2 $0x0  }
0x1d: {  	s5 =	simm.s32 @p1 $0x1;
	p0 =	seq.s32 s7, s2  }
0x1e: {  	s7 =	smul.u32 @!p0 $0xF7A, s2;
	p2 =	seq.s32 @!p0 s5, $0x0  }
0x1f: {  	s9 =	smul.u32 $0xF7A, s1;
	s8 =	simm.s32 @!p0 $0x1BF5;
	p2 =	por !p2, p0  }
0x20: {  	[sflag:s8] =	ssyncset.s32 @!p0 $0xFFFFF086;
	s6 =	sadd.s32 @!p0 s3, s7;
	s7 =	simm.s32 @!p0 $0x108  }
0x21: {  	s3 =	sadd.s32 s3, s9;
	s6 =	sadd.s32 @!p0 $0x88, s6;
	s7 =	simm.s32 @p2 $0x1082  }
0x22: {  	[simem:s7], [sflag:s8] =	dma.local @!p0 [hbm:s6], $0xF7A  }
0x23: {  	s9 =	sor.u32 $0xD0000000, s2;
	s6 =	simm.s32 $0x108;
	_ =	swait.ge @!p0 [sflag:s8], $0x0  }
0x24: {  	s3 =	sadd.s32 $0x88, s3;
	s6 =	simm.s32 @!p1 $0x1082;
	[sflag:s4] =	ssyncset.s32 $0xFFFFF086  }
0x25: {  	[simem:s6], [sflag:s4] =	dma.local [hbm:s3], $0xF7A  }
0x26: {  	[smem:$0x3F9C] =	sst s1;
	(tag) =	ssettag s2;
	_ =	strace s9  }
0x27: {  	s1 =	sld [smem:$0x3FAC]  }
0x28: {  	s2 =	sld [smem:$0x3FAD]  }
0x29: {  	s4 =	sld [smem:$0x3FAF]  }
0x2a: {  	p0 =	seq.s32 s5, $0x0;
	s5 =	sld [smem:$0x3FB0]  }
0x2b: {  	s6 =	sld [smem:$0x3FB1]  }
0x2c: {  	s7 =	sld [smem:$0x3FB2]  }
0x2d: {  	s3 =	simm.s32 $0x108;
	s8 =	sld [smem:$0x3FB3]  }
0x2e: {  	s3 =	simm.s32 @!p0 $0x1082;
	s9 =	sld [smem:$0x3FB4]  }
0x2f: {  	lr =	sadd.s32 s0, s3;
	s0 =	sld [smem:$0x3FAB]  }
0x30: {  	s3 =	sld [smem:$0x3FAE]  }
0x31: {  	[smem:$0x3FB7] =	sst s10  }
0x32: {  	s10 =	sld [smem:$0x3FB5];
	_ =	sdelay $0x3  }
0x33: {  	p0 =	seq.s32 s10, $0x1;
	s10 =	sld [smem:$0x3FB7];
	_ =	sdelay $0x3  }
0x34: {  	[smem:$0x3FB7] =	sst s10  }
0x35: {  	s10 =	sld [smem:$0x3FB6];
	_ =	sdelay $0x3  }
0x36: {  	p1 =	seq.s32 s10, $0x1;
	s10 =	sld [smem:$0x3FB7];
	_ =	sdelay $0x3  }
0x37: {  	[smem:$0x3FB7] =	sst s10  }
0x38: {  	s10 =	sld [smem:$0x3FB8]  }
0x39: {  	_ = 	snop;
	(pc) =	sbr.ind lr, $3  }
0x3a: {  	_ = 	snop  }
0x3b: {  	_ = 	snop  }
0x3c: {  	p2 =	seq.s32 s10, $0x1;
	s10 =	sld [smem:$0x3FB7]  }
0x3d: {  	_ =	shalt  }
0x3e: {  	_ =	shalt  }
0x3f: {  	_ =	shalt  }
0x40: {  	_ =	shalt  }
0x41: {  	_ =	shalt  }
0x42: {  	_ =	shalt  }
0x43: {  	_ =	shalt  }
0x44: {  	_ =	shalt  }
0x45: {  	_ =	shalt  }
0x46: {  	_ =	shalt  }
0x47: {  	_ =	shalt  }
0x48: {  	_ =	shalt  }
0x49: {  	_ =	shalt  }
0x4a: {  	_ =	shalt  }
0x4b: {  	_ =	shalt  }
0x4c: {  	_ =	shalt  }
0x4d: {  	_ =	shalt  }
0x4e: {  	_ =	shalt  }
0x4f: {  	_ =	shalt  }
0x50: {  	_ =	shalt  }
0x51: {  	_ =	shalt  }
0x52: {  	_ =	shalt  }
0x53: {  	_ =	shalt  }
0x54: {  	_ =	shalt  }
0x55: {  	_ =	shalt  }
0x56: {  	_ =	shalt  }
0x57: {  	_ =	shalt  }
0x58: {  	_ =	shalt  }
0x59: {  	_ =	shalt  }
0x5a: {  	_ =	shalt  }
0x5b: {  	_ =	shalt  }
0x5c: {  	_ =	shalt  }
0x5d: {  	_ =	shalt  }
0x5e: {  	_ =	shalt  }
0x5f: {  	_ =	shalt  }
0x60: {  	_ =	shalt  }
0x61: {  	_ =	shalt  }
0x62: {  	_ =	shalt  }
0x63: {  	_ =	shalt  }
0x64: {  	_ =	shalt  }
0x65: {  	_ =	shalt  }
0x66: {  	_ =	shalt  }
0x67: {  	_ =	shalt  }
0x68: {  	_ =	shalt  }
0x69: {  	_ =	shalt  }
0x6a: {  	_ =	shalt  }
0x6b: {  	_ =	shalt  }
0x6c: {  	_ =	shalt  }
0x6d: {  	_ =	shalt  }
0x6e: {  	_ =	shalt  }
0x6f: {  	_ =	shalt  }
0x70: {  	_ =	shalt  }
0x71: {  	_ =	shalt  }
0x72: {  	_ =	shalt  }
0x73: {  	_ =	shalt  }
0x74: {  	_ =	shalt  }
0x75: {  	_ =	shalt  }
0x76: {  	_ =	shalt  }
0x77: {  	_ =	shalt  }
0x78: {  	_ =	shalt  }
0x79: {  	_ =	shalt  }
0x7a: {  	_ =	shalt  }
0x7b: {  	_ =	shalt  }
0x7c: {  	_ =	shalt  }
0x7d: {  	_ =	shalt  }
0x7e: {  	_ =	shalt  }
0x7f: {  	_ =	shalt  }
0x80: {  	_ =	shalt  }
0x81: {  	_ =	shalt  }
0x82: {  	_ =	shalt  }
0x83: {  	_ =	shalt  }
0x84: {  	_ =	shalt  }
0x85: {  	_ =	shalt  }
0x86: {  	_ =	shalt  }
0x87: {  	_ =	shalt  }
.Lfunc_end0:
.L_simem_size_0:
called_computation.1_lowered:
.L_overlay_start_0:
0x88: {  	s2 =	sld [smem:$0x3FD9]  }
0x89: {  	s3 =	sld [smem:$0x3FFE];
	_ =	sdelay $0x1  }
0x8a: {  	s1 =	srdreg.scid  }
0x8b: {  	s0 =	sand.u32 $0x1, s1  }
0x8c: {  	s17 =	sshll.u32 s0, $0xA;
	s2 =	sadd.s32 s3, s2  }
0x8d: {  	s2 =	sadd.s32 s2, s17  }
0x8e: {  	[smem:$0x3FC3] =	sst s2  }
0x8f: {  	_ = 	snop  }
0x90: {  	s2 =	sld [smem:$0x3FD0];
	(tm) =	ssettm $0x1  }
0x91: {  	s18 =	sld [smem:$0x3FFB];
	_ =	sdelay $0x3  }
0x92: {  	_ =	strace s18  }
0x93: {  	s3 =	sld [smem:$0x3FFC];
	_ =	sdelay $0x3  }
0x94: {  	_ =	strace s3  }
0x95: {  	s3 =	sld [smem:$0x3FFD];
	_ =	sdelay $0x3  }
0x96: {  	_ =	strace s3  }
0x97: {  	_ =	strace $0x8FFFFFFF  }
0x98: {  	s19 =	sld [smem:$0x3FDB];
	_ =	sdelay $0x1  }
0x99: {  	s4 =	simm.s32 $_scs_section_size  }
0x9a: {  	s5 =	simm.s32 $_size__tile_overlayer_lowered;
	s6 =	simm.s32 $_tile_overlayer_lowered  }
0x9b: {  	s22 =	simm.s32 $0x1BFF;
	s21 =	sshll.u32 s6, $0x1;
	s3 =	sadd.s32 s4, s19  }
0x9c: {  	s7 =	simm.s32 $0x0;
	s20 =	sshll.u32 s5, $0x1;
	s5 =	sadd.s32 s21, s3  }
0x9d: {  	[timem:s7], [sflag:s22] =	dma.local [hbm:s5], s20  }
0x9e: {  	_ =	swait.ge [sflag:s22], s20  }
0x9f: {  	s4 =	ssub.s32 $0x0, s20;
	[sflag:s22] =	ssyncset.done $0x0  }
0xa0: {  	[sflag:s22] =	ssyncadd.s32 s4;
	_ =	sdelay $0x1  }
0xa1: {  	s23 =	simm.s32 $0x1B8B  }
0xa2: {  	_ =	swait.ge [sflag:s23], $0x1  }
0xa3: {  	[sflag:s23] =	ssyncset.done $0x0  }
0xa4: {  	s25 =	simm.s32 $0x1B8E;
	s24 =	sld [smem:$0x3FFE];
	[sflag:s23] =	ssyncadd.s32 $0xFFFFFFFF  }
0xa5: {  	s26 =	simm.s32 $execute0_lowered;
	[smem:$0x3FD2] =	sst s25  }
0xa6: {  	s5 =	sshll.u32 s26, $0x1;
	_ =	strace $0x80000046;
	[dreg:$0x1] =	wrdreg $0xFFFFFFFF  }
0xa7: {  	s28 =	simm.s32 $_size_execute0_lowered;
	s3 =	sadd.s32 s3, s5;
	[dreg:$0x0] =	wrdreg $0x0  }
0xa8: {  	s5 =	sshll.u32 s28, $0x1;
	[dreg:$0x2] =	wrdreg s3  }
0xa9: {  	[dreg:$0x3] =	wrdreg s5  }
0xaa: {  	[dreg:$0x4] =	wrdreg $0xC0  }
0xab: {  	_ =	task [dreg:s7], $0x5FFFF  }
0xac: {  	[dreg:$0x1] =	wrdreg $0xFFFFFFFF  }
0xad: {  	[dreg:$0x0] =	wrdreg $0x60  }
0xae: {  	[dreg:$0x2] =	wrdreg s2  }
0xaf: {  	[dreg:$0x3] =	wrdreg s24  }
0xb0: {  	[dreg:$0x4] =	wrdreg $0x9  }
0xb1: {  	_ =	task.clear_ibuf [dreg:s7], $0x5FFFF;
	_ =	strace $0x90000046  }
0xb2: {  	s29 =	simm.s32 $0x9;
	_ =	strace $0x80000048  }
0xb3: {  	_ =	swait.ge [sflag:s29], $0x1  }
0xb4: {  	[sflag:s29] =	ssyncadd.s32 $0xFFFFFFFF  }
0xb5: {  	_ =	strace $0x90000048  }
0xb6: {  	_ =	sfence  }
0xb7: {  	s30 =	sld [smem:$0x0];
	_ =	sdelay $0x2  }
0xb8: {  	s31 =	sshll.u32 s1, $0xD;
	s1 =	sshrl.u32 s1, $0x2  }
0xb9: {  	s3 =	sand.u32 $0x4000, s31;
	s1 =	sadd.s32 s1, s30  }
0xba: {  	s0 =	sor.u32 s3, s0;
	s1 =	sshll.u32 s1, $0x11  }
0xbb: {  	s0 =	sor.u32 s1, s0  }
0xbc: {  	s0 =	sadd.s32 $0x8F2B, s0  }
0xbd: {  	[sflag:s0] =	ssyncadd.remote.s32 $0x1  }
0xbe: {  	_ =	sfence.sel $0xFFFF  }
0xbf: {  	[dreg:$0x0] =	wrdreg $0xFFFFFFFF;
	(pc) =	sbr.abs _section_cstart, $3  }
0xc0: {  	[dreg:$0x1] =	wrdreg $0xFFFFFFFF  }
0xc1: {  	_ =	task.clear_ibuf [dreg:s7], $0x2FFFF;
	_ =	strace $0x9FFFFFFF  }
0xc2: {  	(tm) =	ssettm $0x7FFFFFFF  }
0xc3: {  	_ =	shalt  }
tec
execute0_lowered:
.L_overlay_start_1:
0x0: {  	(tag) =	ssettag $0x1  }
0x1: {  	s0 =	rddreg [dreg:$0x0]  }
0x2: {  	s5 =	rddreg [dreg:$0x1]  }
0x3: {  	s2 =	simm.s32 $0x0;
	s3 =	srdreg.scid;
	s1 =	stileid.u32  }
0x4: {  	s15 =	simm.s32 $0x900;
	s28 =	simm.s32 $0x6900;
	s29 =	simm.s32 $0x7100  }
0x5: {  	s30 =	simm.s32 $0x7900;
	s31 =	simm.s32 $0x40;
	[smem:$0x7FF] =	sst s2  }
0x6: {  	s6 =	sand.u32 $0x1, s3;
	s7 =	sadd.s32 $0x23C00, s5;
	s16 =	sshll.u32 s1, $0x8  }
0x7: {  	s8 =	sadd.s32 $0x23E00, s5;
	s9 =	sadd.s32 $0x3C00, s5;
	s11 =	sadd.s32 $0x13C00, s5  }
0x8: {  	s3 =	sadd.s32 $0x24200, s5;
	_ =	strace $0x80000047;
	s4 =	sshll.u32 s6, $0x7  }
0x9: {  	s6 =	ssub.s32 $0x2, s6;
	s10 =	sor.u32 s4, s16;
	s4 =	sadd.s32 $0xE4200, s5  }
0xa: {  	s14 =	sshrl.u32 s6, $0x1;
	s5 =	sadd.s32 $0x24300, s5;
	s16 =	simm.s32 $0x1100  }
0xb: {  	s12 =	sshrl.u32 s10, $0x3;
	s17 =	sshll.u32 s10, $0x6;
	s19 =	sshll.u32 s10, $0x4  }
0xc: {  	s10 =	sor.u32 $0x40, s10;
	s23 =	ssub.s32 s6, s14;
	s14 =	simm.s32 $0xA100  }
0xd: {  	s13 =	sadd.s32 s7, s12;
	s12 =	sadd.s32 s8, s12;
	s18 =	sadd.s32 s0, s17  }
0xe: {  	s20 =	sadd.s32 s9, s19;
	s21 =	sadd.s32 s11, s19;
	[dreg:$0x3] =	wrdreg s13  }
0xf: {  	s22 =	sshrl.u32 s10, $0x3;
	s25 =	sshll.u32 s10, $0x6;
	[dreg:$0x4] =	wrdreg s12  }
0x10: {  	s26 =	sshll.u32 s10, $0x4;
	s10 =	simm.s32 $0x2;
	[dreg:$0x5] =	wrdreg s18  }
0x11: {  	s17 =	simm.s32 $0x1900;
	s19 =	simm.s32 $0x2900;
	[dreg:$0x6] =	wrdreg s20  }
0x12: {  	[dreg:$0x7] =	wrdreg s21;
	s7 =	sadd.s32 s7, s22;
	s24 =	sadd.s32 s8, s22  }
0x13: {  	s6 =	sadd.s32 s0, s25;
	s8 =	sadd.s32 s11, s26;
	s11 =	simm.s32 $0x80  }
0x14: {  	s12 =	simm.s32 $0x100;
	s13 =	simm.s32 $0x8100;
	s18 =	simm.s32 $0x2100  }
0x15: {  	s20 =	simm.s32 $0x3100;
	s21 =	simm.s32 $0x3900;
	s22 =	simm.s32 $0x4100  }
0x16: {  	v2 =	vlaneseq.u32;
	s25 =	simm.s32 $0x5900;
	s0 =	simm.s32 $0x1;
	[dreg:$0x8] =	wrdreg s7  }
0x17: {  	vm0 =	vmmov $0xffff;
	v1 =	vshrl.u32 v2, $0x3;
	[dreg:$0x9] =	wrdreg s24;
	s7 =	sadd.s32 s9, s26;
	s9 =	smax.u32 s23, $0x1  }
0x18: {  	v0 =	vand.u32 $0x7, v2;
	v2 =	vor.u32 $0x8, v2;
	v1 =	vmul.u32 $0x8, v1;
	s23 =	simm.s32 $0x4900;
	s24 =	simm.s32 $0x5100;
	s26 =	simm.s32 $0x6100  }
.LBB2_1:
0x19: {  	s1 =	rddreg [dreg:$0x3]  }
0x1a: {  	[tilespmem:s2], [sflag:$0x2] =	stream.linear.gather [hbm4b:s1+s2], $0x40, $0x38;
	[tilespmem:$0xC100] =	vst v63  }
0x1b: {  	_ =	swait.ge [sflag:s10], $0x40  }
0x1c: {  	[sflag:s10] =	ssyncset.done $0x0  }
0x1d: {  	s1 =	rddreg [dreg:$0x4];
	[sflag:s10] =	ssyncadd.s32 $0xFFFFFFC0  }
0x1e: {  	[tilespmem:s11], [sflag:$0x2] =	stream.linear.gather [hbm4b:s1+s2], $0x40, $0x38;
	[tilespmem:$0xC100] =	vst v63  }
0x1f: {  	_ =	swait.ge [sflag:s10], $0x40  }
0x20: {  	[sflag:s10] =	ssyncset.done $0x0  }
0x21: {  	s1 =	rddreg [dreg:$0x5];
	[sflag:s10] =	ssyncadd.s32 $0xFFFFFFC0  }
0x22: {  	[tilespmem:s12], [sflag:$0x2] =	stream.linear.gather [hbm4b:s1+s2], $0x8000, $0x38;
	[tilespmem:$0xC100] =	vst v63  }
0x23: {  	_ =	swait.ge [sflag:s10], $0x8000  }
0x24: {  	[sflag:s10] =	ssyncset.done $0x0  }
0x25: {  	s1 =	rddreg [dreg:$0x6];
	[sflag:s10] =	ssyncadd.s32 $0xFFFF8000  }
0x26: {  	[tilespmem:s13], [sflag:$0x2] =	stream.linear.gather [hbm4b:s1+s2], $0x2000, $0x38;
	[tilespmem:$0xC100] =	vst v63  }
0x27: {  	_ =	swait.ge [sflag:s10], $0x2000  }
0x28: {  	[sflag:s10] =	ssyncset.done $0x0  }
0x29: {  	s1 =	rddreg [dreg:$0x7];
	[sflag:s10] =	ssyncadd.s32 $0xFFFFE000  }
0x2a: {  	[tilespmem:s14], [sflag:$0x2] =	stream.linear.gather [hbm4b:s1+s2], $0x2000, $0x38;
	[tilespmem:$0xC100] =	vst v63  }
0x2b: {  	_ =	swait.ge [sflag:s10], $0x2000  }
0x2c: {  	[sflag:s10] =	ssyncset.done $0x0  }
0x2d: {  	[sflag:s10] =	ssyncadd.s32 $0xFFFFE000  }
0x2e: {  	v3 =	vld [tilespmem:$0x0];
	_ =	sdelay $0x4  }
0x2f: {  	v4 =	vshll.u32 v3, $0x2  }
0x30: {  	v3 =	vand.u32 $0x7, v3;
	v4 =	vand.u32 $0xFFFFFFE0, v4  }
0x31: {  	v3 =	vor.u32 v3, v4  }
0x32: {  	v4 =	vperm.xlane v3, v0;
	_ =	sdelay $0x1  }
0x33: {  	v4 =	vadd.s32 v1, v4;
	_ =	sdelay $0x1  }
0x34: {  	v3 =	vperm.xlane v3, v2;
	_ =	sdelay $0x1  }
0x35: {  	v3 =	vadd.s32 v1, v3  }
0x36: {  	[hbm4b:s3+s2] =	stream.indirect_vreg.scatter [tilespmem:s12], [sflag:$0x1], $0x80, v4, vm0, $0xb8;
	[tilespmem:$0xC100] =	vst v63  }
0x37: {  	_ = 	snop  }
0x38: {  	[hbm4b:s5+s2] =	stream.indirect_vreg.scatter [tilespmem:s15], [sflag:$0x1], $0x80, v4, vm0, $0xb8;
	[tilespmem:$0xC100] =	vst v63  }
0x39: {  	_ = 	snop  }
0x3a: {  	[hbm4b:s3+s2] =	stream.indirect_vreg.scatter [tilespmem:s16], [sflag:$0x1], $0x80, v3, vm0, $0xb8;
	[tilespmem:$0xC100] =	vst v63  }
0x3b: {  	_ = 	snop  }
0x3c: {  	[hbm4b:s5+s2] =	stream.indirect_vreg.scatter [tilespmem:s17], [sflag:$0x1], $0x80, v3, vm0, $0xb8;
	[tilespmem:$0xC100] =	vst v63  }
0x3d: {  	v3 =	vld [tilespmem:$0x10];
	_ =	sdelay $0x4  }
0x3e: {  	v49 =	vshll.u32 v3, $0x2  }
0x3f: {  	v3 =	vand.u32 $0x7, v3;
	v4 =	vand.u32 $0xFFFFFFE0, v49  }
0x40: {  	v3 =	vor.u32 v3, v4  }
0x41: {  	v4 =	vperm.xlane v3, v0;
	_ =	sdelay $0x1  }
0x42: {  	v4 =	vadd.s32 v1, v4;
	_ =	sdelay $0x1  }
0x43: {  	v3 =	vperm.xlane v3, v2;
	_ =	sdelay $0x1  }
0x44: {  	v3 =	vadd.s32 v1, v3  }
0x45: {  	[hbm4b:s3+s2] =	stream.indirect_vreg.scatter [tilespmem:s18], [sflag:$0x1], $0x80, v4, vm0, $0xb8;
	[tilespmem:$0xC100] =	vst v63  }
0x46: {  	_ = 	snop  }
0x47: {  	[hbm4b:s5+s2] =	stream.indirect_vreg.scatter [tilespmem:s19], [sflag:$0x1], $0x80, v4, vm0, $0xb8;
	[tilespmem:$0xC100] =	vst v63  }
0x48: {  	_ = 	snop  }
0x49: {  	[hbm4b:s3+s2] =	stream.indirect_vreg.scatter [tilespmem:s20], [sflag:$0x1], $0x80, v3, vm0, $0xb8;
	[tilespmem:$0xC100] =	vst v63  }
0x4a: {  	_ = 	snop  }
0x4b: {  	[hbm4b:s5+s2] =	stream.indirect_vreg.scatter [tilespmem:s21], [sflag:$0x1], $0x80, v3, vm0, $0xb8;
	[tilespmem:$0xC100] =	vst v63  }
0x4c: {  	v3 =	vld [tilespmem:$0x20];
	_ =	sdelay $0x4  }
0x4d: {  	v50 =	vshll.u32 v3, $0x2  }
0x4e: {  	v3 =	vand.u32 $0x7, v3;
	v4 =	vand.u32 $0xFFFFFFE0, v50  }
0x4f: {  	v3 =	vor.u32 v3, v4  }
0x50: {  	v4 =	vperm.xlane v3, v0;
	_ =	sdelay $0x1  }
0x51: {  	v4 =	vadd.s32 v1, v4;
	_ =	sdelay $0x1  }
0x52: {  	v3 =	vperm.xlane v3, v2;
	_ =	sdelay $0x1  }
0x53: {  	v3 =	vadd.s32 v1, v3  }
0x54: {  	[hbm4b:s3+s2] =	stream.indirect_vreg.scatter [tilespmem:s22], [sflag:$0x1], $0x80, v4, vm0, $0xb8;
	[tilespmem:$0xC100] =	vst v63  }
0x55: {  	_ = 	snop  }
0x56: {  	[hbm4b:s5+s2] =	stream.indirect_vreg.scatter [tilespmem:s23], [sflag:$0x1], $0x80, v4, vm0, $0xb8;
	[tilespmem:$0xC100] =	vst v63  }
0x57: {  	_ = 	snop  }
0x58: {  	[hbm4b:s3+s2] =	stream.indirect_vreg.scatter [tilespmem:s24], [sflag:$0x1], $0x80, v3, vm0, $0xb8;
	[tilespmem:$0xC100] =	vst v63  }
0x59: {  	_ = 	snop  }
0x5a: {  	[hbm4b:s5+s2] =	stream.indirect_vreg.scatter [tilespmem:s25], [sflag:$0x1], $0x80, v3, vm0, $0xb8;
	[tilespmem:$0xC100] =	vst v63  }
0x5b: {  	v3 =	vld [tilespmem:$0x30];
	_ =	sdelay $0x4  }
0x5c: {  	v51 =	vshll.u32 v3, $0x2  }
0x5d: {  	v3 =	vand.u32 $0x7, v3;
	v4 =	vand.u32 $0xFFFFFFE0, v51  }
0x5e: {  	v3 =	vor.u32 v3, v4  }
0x5f: {  	v4 =	vperm.xlane v3, v0;
	_ =	sdelay $0x1  }
0x60: {  	v4 =	vadd.s32 v1, v4;
	_ =	sdelay $0x1  }
0x61: {  	v3 =	vperm.xlane v3, v2;
	_ =	sdelay $0x1  }
0x62: {  	v3 =	vadd.s32 v1, v3  }
0x63: {  	[hbm4b:s3+s2] =	stream.indirect_vreg.scatter [tilespmem:s26], [sflag:$0x1], $0x80, v4, vm0, $0xb8;
	[tilespmem:$0xC100] =	vst v63  }
0x64: {  	_ = 	snop  }
0x65: {  	[hbm4b:s5+s2] =	stream.indirect_vreg.scatter [tilespmem:s28], [sflag:$0x1], $0x80, v4, vm0, $0xb8;
	[tilespmem:$0xC100] =	vst v63  }
0x66: {  	_ = 	snop  }
0x67: {  	[hbm4b:s3+s2] =	stream.indirect_vreg.scatter [tilespmem:s29], [sflag:$0x1], $0x80, v3, vm0, $0xb8;
	[tilespmem:$0xC100] =	vst v63  }
0x68: {  	_ = 	snop  }
0x69: {  	[hbm4b:s5+s2] =	stream.indirect_vreg.scatter [tilespmem:s30], [sflag:$0x1], $0x80, v3, vm0, $0xb8;
	[tilespmem:$0xC100] =	vst v63  }
0x6a: {  	v3 =	vld [tilespmem:$0x80];
	_ =	sdelay $0x4  }
0x6b: {  	v52 =	vshll.u32 v3, $0x2  }
0x6c: {  	v3 =	vand.u32 $0x7, v3;
	v4 =	vand.u32 $0xFFFFFFE0, v52  }
0x6d: {  	v3 =	vor.u32 v3, v4  }
0x6e: {  	v4 =	vperm.xlane v3, v0;
	_ =	sdelay $0x1  }
0x6f: {  	v4 =	vadd.s32 v1, v4;
	_ =	sdelay $0x1  }
0x70: {  	v3 =	vperm.xlane v3, v2;
	_ =	sdelay $0x1  }
0x71: {  	v3 =	vadd.s32 v1, v3  }
0x72: {  	[hbm4b:s3+s2] =	stream.indirect_vreg.scatter [tilespmem:s12], [sflag:$0x1], $0x80, v4, vm0, $0xb8;
	[tilespmem:$0xC100] =	vst v63  }
0x73: {  	_ = 	snop  }
0x74: {  	[hbm4b:s5+s2] =	stream.indirect_vreg.scatter [tilespmem:s15], [sflag:$0x1], $0x80, v4, vm0, $0xb8;
	[tilespmem:$0xC100] =	vst v63  }
0x75: {  	_ = 	snop  }
0x76: {  	[hbm4b:s3+s2] =	stream.indirect_vreg.scatter [tilespmem:s16], [sflag:$0x1], $0x80, v3, vm0, $0xb8;
	[tilespmem:$0xC100] =	vst v63  }
0x77: {  	_ = 	snop  }
0x78: {  	[hbm4b:s5+s2] =	stream.indirect_vreg.scatter [tilespmem:s17], [sflag:$0x1], $0x80, v3, vm0, $0xb8;
	[tilespmem:$0xC100] =	vst v63  }
0x79: {  	v3 =	vld [tilespmem:$0x90];
	_ =	sdelay $0x4  }
0x7a: {  	v53 =	vshll.u32 v3, $0x2  }
0x7b: {  	v3 =	vand.u32 $0x7, v3;
	v4 =	vand.u32 $0xFFFFFFE0, v53  }
0x7c: {  	v3 =	vor.u32 v3, v4  }
0x7d: {  	v4 =	vperm.xlane v3, v0;
	_ =	sdelay $0x1  }
0x7e: {  	v4 =	vadd.s32 v1, v4;
	_ =	sdelay $0x1  }
0x7f: {  	v3 =	vperm.xlane v3, v2;
	_ =	sdelay $0x1  }
0x80: {  	v3 =	vadd.s32 v1, v3  }
0x81: {  	[hbm4b:s3+s2] =	stream.indirect_vreg.scatter [tilespmem:s18], [sflag:$0x1], $0x80, v4, vm0, $0xb8;
	[tilespmem:$0xC100] =	vst v63  }
0x82: {  	_ = 	snop  }
0x83: {  	[hbm4b:s5+s2] =	stream.indirect_vreg.scatter [tilespmem:s19], [sflag:$0x1], $0x80, v4, vm0, $0xb8;
	[tilespmem:$0xC100] =	vst v63  }
0x84: {  	_ = 	snop  }
0x85: {  	[hbm4b:s3+s2] =	stream.indirect_vreg.scatter [tilespmem:s20], [sflag:$0x1], $0x80, v3, vm0, $0xb8;
	[tilespmem:$0xC100] =	vst v63  }
0x86: {  	_ = 	snop  }
0x87: {  	[hbm4b:s5+s2] =	stream.indirect_vreg.scatter [tilespmem:s21], [sflag:$0x1], $0x80, v3, vm0, $0xb8;
	[tilespmem:$0xC100] =	vst v63  }
0x88: {  	v3 =	vld [tilespmem:$0xA0];
	_ =	sdelay $0x4  }
0x89: {  	v54 =	vshll.u32 v3, $0x2  }
0x8a: {  	v3 =	vand.u32 $0x7, v3;
	v4 =	vand.u32 $0xFFFFFFE0, v54  }
0x8b: {  	v3 =	vor.u32 v3, v4  }
0x8c: {  	v4 =	vperm.xlane v3, v0;
	_ =	sdelay $0x1  }
0x8d: {  	v4 =	vadd.s32 v1, v4;
	_ =	sdelay $0x1  }
0x8e: {  	v3 =	vperm.xlane v3, v2;
	_ =	sdelay $0x1  }
0x8f: {  	v3 =	vadd.s32 v1, v3  }
0x90: {  	[hbm4b:s3+s2] =	stream.indirect_vreg.scatter [tilespmem:s22], [sflag:$0x1], $0x80, v4, vm0, $0xb8;
	[tilespmem:$0xC100] =	vst v63  }
0x91: {  	_ = 	snop  }
0x92: {  	[hbm4b:s5+s2] =	stream.indirect_vreg.scatter [tilespmem:s23], [sflag:$0x1], $0x80, v4, vm0, $0xb8;
	[tilespmem:$0xC100] =	vst v63  }
0x93: {  	_ = 	snop  }
0x94: {  	[hbm4b:s3+s2] =	stream.indirect_vreg.scatter [tilespmem:s24], [sflag:$0x1], $0x80, v3, vm0, $0xb8;
	[tilespmem:$0xC100] =	vst v63  }
0x95: {  	_ = 	snop  }
0x96: {  	[hbm4b:s5+s2] =	stream.indirect_vreg.scatter [tilespmem:s25], [sflag:$0x1], $0x80, v3, vm0, $0xb8;
	[tilespmem:$0xC100] =	vst v63  }
0x97: {  	v3 =	vld [tilespmem:$0xB0];
	_ =	sdelay $0x4  }
0x98: {  	v55 =	vshll.u32 v3, $0x2  }
0x99: {  	v3 =	vand.u32 $0x7, v3;
	v4 =	vand.u32 $0xFFFFFFE0, v55  }
0x9a: {  	v3 =	vor.u32 v3, v4  }
0x9b: {  	v4 =	vperm.xlane v3, v0;
	_ =	sdelay $0x1  }
0x9c: {  	v4 =	vadd.s32 v1, v4;
	_ =	sdelay $0x1  }
0x9d: {  	v3 =	vperm.xlane v3, v2;
	_ =	sdelay $0x1  }
0x9e: {  	v3 =	vadd.s32 v1, v3  }
0x9f: {  	[hbm4b:s3+s2] =	stream.indirect_vreg.scatter [tilespmem:s26], [sflag:$0x1], $0x80, v4, vm0, $0xb8;
	[tilespmem:$0xC100] =	vst v63  }
0xa0: {  	_ = 	snop  }
0xa1: {  	[hbm4b:s5+s2] =	stream.indirect_vreg.scatter [tilespmem:s28], [sflag:$0x1], $0x80, v4, vm0, $0xb8;
	[tilespmem:$0xC100] =	vst v63  }
0xa2: {  	_ = 	snop  }
0xa3: {  	[hbm4b:s3+s2] =	stream.indirect_vreg.scatter [tilespmem:s29], [sflag:$0x1], $0x80, v3, vm0, $0xb8;
	[tilespmem:$0xC100] =	vst v63  }
0xa4: {  	_ = 	snop  }
0xa5: {  	[hbm4b:s5+s2] =	stream.indirect_vreg.scatter [tilespmem:s30], [sflag:$0x1], $0x80, v3, vm0, $0xb8;
	[tilespmem:$0xC100] =	vst v63  }
0xa6: {  	_ = 	snop  }
0xa7: {  	[hbm4b:s4+s31] =	stream.indirect.scatter [tilespmem:s13], [sflag:$0x1], $0x80, s2, s31, $0xb8;
	[tilespmem:$0xC100] =	vst v63  }
0xa8: {  	_ = 	snop  }
0xa9: {  	[hbm4b:s4+s31] =	stream.indirect.scatter [tilespmem:s14], [sflag:$0x1], $0x80, s11, s31, $0xb8;
	[tilespmem:$0xC100] =	vst v63  }
0xaa: {  	_ =	swait.ge [sflag:s0], $0x8000  }
0xab: {  	[sflag:s0] =	ssyncset.done $0x0  }
0xac: {  	[sflag:s0] =	ssyncadd.s32 $0xFFFF8000  }
0xad: {  	_ =	swait.ge [sflag:s0], $0x8000  }
0xae: {  	[sflag:s0] =	ssyncset.done $0x0  }
0xaf: {  	[sflag:s0] =	ssyncadd.s32 $0xFFFF8000  }
0xb0: {  	_ =	swait.ge [sflag:s0], $0x2000  }
0xb1: {  	[sflag:s0] =	ssyncset.done $0x0  }
0xb2: {  	[sflag:s0] =	ssyncadd.s32 $0xFFFFE000  }
0xb3: {  	_ =	swait.ge [sflag:s0], $0x2000  }
0xb4: {  	[sflag:s0] =	ssyncset.done $0x0  }
0xb5: {  	s1 =	rddreg [dreg:$0x8];
	[sflag:s0] =	ssyncadd.s32 $0xFFFFE000  }
0xb6: {  	[tilespmem:s2], [sflag:$0x2] =	stream.linear.gather [hbm4b:s1+s2], $0x40, $0x38;
	[tilespmem:$0xC100] =	vst v63  }
0xb7: {  	_ =	swait.ge [sflag:s10], $0x40  }
0xb8: {  	[sflag:s10] =	ssyncset.done $0x0  }
0xb9: {  	s1 =	rddreg [dreg:$0x9];
	[sflag:s10] =	ssyncadd.s32 $0xFFFFFFC0  }
0xba: {  	[tilespmem:s11], [sflag:$0x2] =	stream.linear.gather [hbm4b:s1+s2], $0x40, $0x38;
	[tilespmem:$0xC100] =	vst v63  }
0xbb: {  	_ =	swait.ge [sflag:s10], $0x40  }
0xbc: {  	[sflag:s10] =	ssyncset.done $0x0  }
0xbd: {  	[sflag:s10] =	ssyncadd.s32 $0xFFFFFFC0  }
0xbe: {  	[tilespmem:s12], [sflag:$0x2] =	stream.linear.gather [hbm4b:s6+s2], $0x8000, $0x38;
	[tilespmem:$0xC100] =	vst v63  }
0xbf: {  	_ =	swait.ge [sflag:s10], $0x8000  }
0xc0: {  	[sflag:s10] =	ssyncset.done $0x0  }
0xc1: {  	[sflag:s10] =	ssyncadd.s32 $0xFFFF8000  }
0xc2: {  	[tilespmem:s13], [sflag:$0x2] =	stream.linear.gather [hbm4b:s7+s2], $0x2000, $0x38;
	[tilespmem:$0xC100] =	vst v63  }
0xc3: {  	_ =	swait.ge [sflag:s10], $0x2000  }
0xc4: {  	[sflag:s10] =	ssyncset.done $0x0  }
0xc5: {  	[sflag:s10] =	ssyncadd.s32 $0xFFFFE000  }
0xc6: {  	[tilespmem:s14], [sflag:$0x2] =	stream.linear.gather [hbm4b:s8+s2], $0x2000, $0x38;
	[tilespmem:$0xC100] =	vst v63  }
0xc7: {  	_ =	swait.ge [sflag:s10], $0x2000  }
0xc8: {  	[sflag:s10] =	ssyncset.done $0x0  }
0xc9: {  	[sflag:s10] =	ssyncadd.s32 $0xFFFFE000  }
0xca: {  	v3 =	vld [tilespmem:$0x0];
	_ =	sdelay $0x4  }
0xcb: {  	v56 =	vshll.u32 v3, $0x2  }
0xcc: {  	v3 =	vand.u32 $0x7, v3;
	v4 =	vand.u32 $0xFFFFFFE0, v56  }
0xcd: {  	v3 =	vor.u32 v3, v4  }
0xce: {  	v4 =	vperm.xlane v3, v0;
	_ =	sdelay $0x1  }
0xcf: {  	v4 =	vadd.s32 v1, v4;
	_ =	sdelay $0x1  }
0xd0: {  	v3 =	vperm.xlane v3, v2;
	_ =	sdelay $0x1  }
0xd1: {  	v3 =	vadd.s32 v1, v3  }
0xd2: {  	[hbm4b:s3+s2] =	stream.indirect_vreg.scatter [tilespmem:s12], [sflag:$0x1], $0x80, v4, vm0, $0xb8;
	[tilespmem:$0xC100] =	vst v63  }
0xd3: {  	_ = 	snop  }
0xd4: {  	[hbm4b:s5+s2] =	stream.indirect_vreg.scatter [tilespmem:s15], [sflag:$0x1], $0x80, v4, vm0, $0xb8;
	[tilespmem:$0xC100] =	vst v63  }
0xd5: {  	_ = 	snop  }
0xd6: {  	[hbm4b:s3+s2] =	stream.indirect_vreg.scatter [tilespmem:s16], [sflag:$0x1], $0x80, v3, vm0, $0xb8;
	[tilespmem:$0xC100] =	vst v63  }
0xd7: {  	_ = 	snop  }
0xd8: {  	[hbm4b:s5+s2] =	stream.indirect_vreg.scatter [tilespmem:s17], [sflag:$0x1], $0x80, v3, vm0, $0xb8;
	[tilespmem:$0xC100] =	vst v63  }
0xd9: {  	v3 =	vld [tilespmem:$0x10];
	_ =	sdelay $0x4  }
0xda: {  	v57 =	vshll.u32 v3, $0x2  }
0xdb: {  	v3 =	vand.u32 $0x7, v3;
	v4 =	vand.u32 $0xFFFFFFE0, v57  }
0xdc: {  	v3 =	vor.u32 v3, v4  }
0xdd: {  	v4 =	vperm.xlane v3, v0;
	_ =	sdelay $0x1  }
0xde: {  	v4 =	vadd.s32 v1, v4;
	_ =	sdelay $0x1  }
0xdf: {  	v3 =	vperm.xlane v3, v2;
	_ =	sdelay $0x1  }
0xe0: {  	v3 =	vadd.s32 v1, v3  }
0xe1: {  	[hbm4b:s3+s2] =	stream.indirect_vreg.scatter [tilespmem:s18], [sflag:$0x1], $0x80, v4, vm0, $0xb8;
	[tilespmem:$0xC100] =	vst v63  }
0xe2: {  	_ = 	snop  }
0xe3: {  	[hbm4b:s5+s2] =	stream.indirect_vreg.scatter [tilespmem:s19], [sflag:$0x1], $0x80, v4, vm0, $0xb8;
	[tilespmem:$0xC100] =	vst v63  }
0xe4: {  	_ = 	snop  }
0xe5: {  	[hbm4b:s3+s2] =	stream.indirect_vreg.scatter [tilespmem:s20], [sflag:$0x1], $0x80, v3, vm0, $0xb8;
	[tilespmem:$0xC100] =	vst v63  }
0xe6: {  	_ = 	snop  }
0xe7: {  	[hbm4b:s5+s2] =	stream.indirect_vreg.scatter [tilespmem:s21], [sflag:$0x1], $0x80, v3, vm0, $0xb8;
	[tilespmem:$0xC100] =	vst v63  }
0xe8: {  	v3 =	vld [tilespmem:$0x20];
	_ =	sdelay $0x4  }
0xe9: {  	v58 =	vshll.u32 v3, $0x2  }
0xea: {  	v3 =	vand.u32 $0x7, v3;
	v4 =	vand.u32 $0xFFFFFFE0, v58  }
0xeb: {  	v3 =	vor.u32 v3, v4  }
0xec: {  	v4 =	vperm.xlane v3, v0;
	_ =	sdelay $0x1  }
0xed: {  	v4 =	vadd.s32 v1, v4;
	_ =	sdelay $0x1  }
0xee: {  	v3 =	vperm.xlane v3, v2;
	_ =	sdelay $0x1  }
0xef: {  	v3 =	vadd.s32 v1, v3  }
0xf0: {  	[hbm4b:s3+s2] =	stream.indirect_vreg.scatter [tilespmem:s22], [sflag:$0x1], $0x80, v4, vm0, $0xb8;
	[tilespmem:$0xC100] =	vst v63  }
0xf1: {  	_ = 	snop  }
0xf2: {  	[hbm4b:s5+s2] =	stream.indirect_vreg.scatter [tilespmem:s23], [sflag:$0x1], $0x80, v4, vm0, $0xb8;
	[tilespmem:$0xC100] =	vst v63  }
0xf3: {  	_ = 	snop  }
0xf4: {  	[hbm4b:s3+s2] =	stream.indirect_vreg.scatter [tilespmem:s24], [sflag:$0x1], $0x80, v3, vm0, $0xb8;
	[tilespmem:$0xC100] =	vst v63  }
0xf5: {  	_ = 	snop  }
0xf6: {  	[hbm4b:s5+s2] =	stream.indirect_vreg.scatter [tilespmem:s25], [sflag:$0x1], $0x80, v3, vm0, $0xb8;
	[tilespmem:$0xC100] =	vst v63  }
0xf7: {  	v3 =	vld [tilespmem:$0x30];
	_ =	sdelay $0x4  }
0xf8: {  	v59 =	vshll.u32 v3, $0x2  }
0xf9: {  	v3 =	vand.u32 $0x7, v3;
	v4 =	vand.u32 $0xFFFFFFE0, v59  }
0xfa: {  	v3 =	vor.u32 v3, v4  }
0xfb: {  	v4 =	vperm.xlane v3, v0;
	_ =	sdelay $0x1  }
0xfc: {  	v4 =	vadd.s32 v1, v4;
	_ =	sdelay $0x1  }
0xfd: {  	v3 =	vperm.xlane v3, v2;
	_ =	sdelay $0x1  }
0xfe: {  	v3 =	vadd.s32 v1, v3  }
0xff: {  	[hbm4b:s3+s2] =	stream.indirect_vreg.scatter [tilespmem:s26], [sflag:$0x1], $0x80, v4, vm0, $0xb8;
	[tilespmem:$0xC100] =	vst v63  }
0x100: {  	_ = 	snop  }
0x101: {  	[hbm4b:s5+s2] =	stream.indirect_vreg.scatter [tilespmem:s28], [sflag:$0x1], $0x80, v4, vm0, $0xb8;
	[tilespmem:$0xC100] =	vst v63  }
0x102: {  	_ = 	snop  }
0x103: {  	[hbm4b:s3+s2] =	stream.indirect_vreg.scatter [tilespmem:s29], [sflag:$0x1], $0x80, v3, vm0, $0xb8;
	[tilespmem:$0xC100] =	vst v63  }
0x104: {  	_ = 	snop  }
0x105: {  	[hbm4b:s5+s2] =	stream.indirect_vreg.scatter [tilespmem:s30], [sflag:$0x1], $0x80, v3, vm0, $0xb8;
	[tilespmem:$0xC100] =	vst v63  }
0x106: {  	v3 =	vld [tilespmem:$0x80];
	_ =	sdelay $0x4  }
0x107: {  	v60 =	vshll.u32 v3, $0x2  }
0x108: {  	v3 =	vand.u32 $0x7, v3;
	v4 =	vand.u32 $0xFFFFFFE0, v60  }
0x109: {  	v3 =	vor.u32 v3, v4  }
0x10a: {  	v4 =	vperm.xlane v3, v0;
	_ =	sdelay $0x1  }
0x10b: {  	v4 =	vadd.s32 v1, v4;
	_ =	sdelay $0x1  }
0x10c: {  	v3 =	vperm.xlane v3, v2;
	_ =	sdelay $0x1  }
0x10d: {  	v3 =	vadd.s32 v1, v3  }
0x10e: {  	[hbm4b:s3+s2] =	stream.indirect_vreg.scatter [tilespmem:s12], [sflag:$0x1], $0x80, v4, vm0, $0xb8;
	[tilespmem:$0xC100] =	vst v63  }
0x10f: {  	_ = 	snop  }
0x110: {  	[hbm4b:s5+s2] =	stream.indirect_vreg.scatter [tilespmem:s15], [sflag:$0x1], $0x80, v4, vm0, $0xb8;
	[tilespmem:$0xC100] =	vst v63  }
0x111: {  	_ = 	snop  }
0x112: {  	[hbm4b:s3+s2] =	stream.indirect_vreg.scatter [tilespmem:s16], [sflag:$0x1], $0x80, v3, vm0, $0xb8;
	[tilespmem:$0xC100] =	vst v63  }
0x113: {  	_ = 	snop  }
0x114: {  	[hbm4b:s5+s2] =	stream.indirect_vreg.scatter [tilespmem:s17], [sflag:$0x1], $0x80, v3, vm0, $0xb8;
	[tilespmem:$0xC100] =	vst v63  }
0x115: {  	v3 =	vld [tilespmem:$0x90];
	_ =	sdelay $0x4  }
0x116: {  	v61 =	vshll.u32 v3, $0x2  }
0x117: {  	v3 =	vand.u32 $0x7, v3;
	v4 =	vand.u32 $0xFFFFFFE0, v61  }
0x118: {  	v3 =	vor.u32 v3, v4  }
0x119: {  	v4 =	vperm.xlane v3, v0;
	_ =	sdelay $0x1  }
0x11a: {  	v4 =	vadd.s32 v1, v4;
	_ =	sdelay $0x1  }
0x11b: {  	v3 =	vperm.xlane v3, v2;
	_ =	sdelay $0x1  }
0x11c: {  	v3 =	vadd.s32 v1, v3  }
0x11d: {  	[hbm4b:s3+s2] =	stream.indirect_vreg.scatter [tilespmem:s18], [sflag:$0x1], $0x80, v4, vm0, $0xb8;
	[tilespmem:$0xC100] =	vst v63  }
0x11e: {  	_ = 	snop  }
0x11f: {  	[hbm4b:s5+s2] =	stream.indirect_vreg.scatter [tilespmem:s19], [sflag:$0x1], $0x80, v4, vm0, $0xb8;
	[tilespmem:$0xC100] =	vst v63  }
0x120: {  	_ = 	snop  }
0x121: {  	[hbm4b:s3+s2] =	stream.indirect_vreg.scatter [tilespmem:s20], [sflag:$0x1], $0x80, v3, vm0, $0xb8;
	[tilespmem:$0xC100] =	vst v63  }
0x122: {  	_ = 	snop  }
0x123: {  	[hbm4b:s5+s2] =	stream.indirect_vreg.scatter [tilespmem:s21], [sflag:$0x1], $0x80, v3, vm0, $0xb8;
	[tilespmem:$0xC100] =	vst v63  }
0x124: {  	v3 =	vld [tilespmem:$0xA0];
	_ =	sdelay $0x4  }
0x125: {  	v62 =	vshll.u32 v3, $0x2  }
0x126: {  	v3 =	vand.u32 $0x7, v3;
	v4 =	vand.u32 $0xFFFFFFE0, v62  }
0x127: {  	v3 =	vor.u32 v3, v4  }
0x128: {  	v4 =	vperm.xlane v3, v0;
	_ =	sdelay $0x1  }
0x129: {  	v4 =	vadd.s32 v1, v4;
	_ =	sdelay $0x1  }
0x12a: {  	v3 =	vperm.xlane v3, v2;
	_ =	sdelay $0x1  }
0x12b: {  	v3 =	vadd.s32 v1, v3  }
0x12c: {  	[hbm4b:s3+s2] =	stream.indirect_vreg.scatter [tilespmem:s22], [sflag:$0x1], $0x80, v4, vm0, $0xb8;
	[tilespmem:$0xC100] =	vst v63  }
0x12d: {  	_ = 	snop  }
0x12e: {  	[hbm4b:s5+s2] =	stream.indirect_vreg.scatter [tilespmem:s23], [sflag:$0x1], $0x80, v4, vm0, $0xb8;
	[tilespmem:$0xC100] =	vst v63  }
0x12f: {  	_ = 	snop  }
0x130: {  	[hbm4b:s3+s2] =	stream.indirect_vreg.scatter [tilespmem:s24], [sflag:$0x1], $0x80, v3, vm0, $0xb8;
	[tilespmem:$0xC100] =	vst v63  }
0x131: {  	_ = 	snop  }
0x132: {  	[hbm4b:s5+s2] =	stream.indirect_vreg.scatter [tilespmem:s25], [sflag:$0x1], $0x80, v3, vm0, $0xb8;
	[tilespmem:$0xC100] =	vst v63  }
0x133: {  	v3 =	vld [tilespmem:$0xB0];
	_ =	sdelay $0x4  }
0x134: {  	v63 =	vshll.u32 v3, $0x2  }
0x135: {  	v3 =	vand.u32 $0x7, v3;
	v4 =	vand.u32 $0xFFFFFFE0, v63  }
0x136: {  	v3 =	vor.u32 v3, v4  }
0x137: {  	v4 =	vperm.xlane v3, v0;
	_ =	sdelay $0x1  }
0x138: {  	v4 =	vadd.s32 v1, v4;
	_ =	sdelay $0x1  }
0x139: {  	v3 =	vperm.xlane v3, v2;
	_ =	sdelay $0x1  }
0x13a: {  	v3 =	vadd.s32 v1, v3  }
0x13b: {  	[hbm4b:s3+s2] =	stream.indirect_vreg.scatter [tilespmem:s26], [sflag:$0x1], $0x80, v4, vm0, $0xb8;
	[tilespmem:$0xC100] =	vst v63  }
0x13c: {  	_ = 	snop  }
0x13d: {  	[hbm4b:s5+s2] =	stream.indirect_vreg.scatter [tilespmem:s28], [sflag:$0x1], $0x80, v4, vm0, $0xb8;
	[tilespmem:$0xC100] =	vst v63  }
0x13e: {  	_ = 	snop  }
0x13f: {  	[hbm4b:s3+s2] =	stream.indirect_vreg.scatter [tilespmem:s29], [sflag:$0x1], $0x80, v3, vm0, $0xb8;
	[tilespmem:$0xC100] =	vst v63  }
0x140: {  	_ = 	snop  }
0x141: {  	[hbm4b:s5+s2] =	stream.indirect_vreg.scatter [tilespmem:s30], [sflag:$0x1], $0x80, v3, vm0, $0xb8;
	[tilespmem:$0xC100] =	vst v63  }
0x142: {  	_ = 	snop  }
0x143: {  	[hbm4b:s4+s31] =	stream.indirect.scatter [tilespmem:s13], [sflag:$0x1], $0x80, s2, s31, $0xb8;
	[tilespmem:$0xC100] =	vst v63  }
0x144: {  	_ = 	snop  }
0x145: {  	[hbm4b:s4+s31] =	stream.indirect.scatter [tilespmem:s14], [sflag:$0x1], $0x80, s11, s31, $0xb8;
	[tilespmem:$0xC100] =	vst v63  }
0x146: {  	_ =	swait.ge [sflag:s0], $0x8000  }
0x147: {  	[sflag:s0] =	ssyncset.done $0x0  }
0x148: {  	[sflag:s0] =	ssyncadd.s32 $0xFFFF8000  }
0x149: {  	_ =	swait.ge [sflag:s0], $0x8000  }
0x14a: {  	[sflag:s0] =	ssyncset.done $0x0  }
0x14b: {  	[sflag:s0] =	ssyncadd.s32 $0xFFFF8000  }
0x14c: {  	p0 =	sne.s32 s9, $0x1;
	_ =	swait.ge [sflag:s0], $0x2000  }
.Ltmp0:
0x14d: {  	[sflag:s0] =	ssyncset.done $0x0;
	(pc) =	sbr.rel @p0 .LBB2_1-.Ltmp0, $4  }
0x14e: {  	[sflag:s0] =	ssyncadd.s32 $0xFFFFE000  }
0x14f: {  	_ =	swait.ge [sflag:s0], $0x2000  }
0x150: {  	[sflag:s0] =	ssyncset.done $0x0  }
0x151: {  	s9 =	sadd.s32 $0xFFFFFFFF, s9;
	[sflag:s0] =	ssyncadd.s32 $0xFFFFE000  }
0x152: {  	_ =	sfence.sel $0x180000  }
0x153: {  	[bflag:$0x0] =	sbarrier.arrive $0xFFFF  }
0x154: {  	_ =	strace $0x90000047  }
0x155: {  	s0 =	stileid.u32;
	[bflag:$0x2] =	sbarrier.arrive $0xFFFF  }
0x156: {  	p0 =	sne.s32 s0, $0x0;
	s0 =	rddreg [dreg:$0x2]  }
0x157: {  	s0 =	sadd.s32 @!p0 $0x100000, s0  }
0x158: {  	[sflag:s0] =	ssyncadd.tile.s32 @!p0 $0x1;
	_ =	shalt  }
.Lfunc_end2:
_tile_overlayer_lowered:
.L_overlay_start_2:
0x159: {  	(tag) =	ssettag $0x2  }
0x15a: {  	s0 =	rddreg [dreg:$0x0];
	s2 =	stileid.u32  }
0x15b: {  	s1 =	rddreg [dreg:$0x1];
	p0 =	sne.s32 s2, $0x0  }
0x15c: {  	s3 =	rddreg [dreg:$0x2];
	[bflag:$0x3] =	sbarrier.arrive $0xFFFF;
	s2 =	simm.s32 @!p0 $0x1C02  }
0x15d: {  	[timem:s3], [sflag:s2] =	dma.local @!p0 [hbm:s0], s1  }
0x15e: {  	s0 =	simm.s32 @!p0 $0x2  }
0x15f: {  	_ =	swait.ge @!p0 [sflag:s0], s1  }
0x160: {  	s1 =	ssub.s32 @!p0 $0x0, s1;
	[sflag:s0] =	ssyncset.done @!p0 $0x0  }
0x161: {  	[sflag:s0] =	ssyncadd.s32 @!p0 s1  }
0x162: {  	[bflag:$0x3] =	sbarrier.arrive $0xFFFF  }
0x163: {  	_ =	shalt  }

// kernel: sparse-core-data-format-call.cloned.1.call-start
scs
called_computation_lowered:
.L_overlay_start_0:
0x0: {  	s1 =	sld [smem:$0x3FD9]  }
0x1: {  	s2 =	sld [smem:$0x3FFE];
	_ =	sdelay $0x1  }
0x2: {  	s3 =	srdreg.scid  }
0x3: {  	s0 =	sand.u32 $0x1, s3  }
0x4: {  	s17 =	sshll.u32 s0, $0xA;
	s1 =	sadd.s32 s2, s1  }
0x5: {  	s1 =	sadd.s32 s1, s17  }
0x6: {  	[smem:$0x3FC3] =	sst s1  }
0x7: {  	_ = 	snop  }
0x8: {  	(tm) =	ssettm $0x1  }
0x9: {  	s18 =	sld [smem:$0x3FFB];
	_ =	sdelay $0x3  }
0xa: {  	_ =	strace s18  }
0xb: {  	s1 =	sld [smem:$0x3FFC];
	_ =	sdelay $0x3  }
0xc: {  	_ =	strace s1  }
0xd: {  	s1 =	sld [smem:$0x3FFD];
	_ =	sdelay $0x3  }
0xe: {  	_ =	strace s1  }
0xf: {  	_ =	strace $0x8FFFFFFF  }
0x10: {  	s19 =	sld [smem:$0x3FDB];
	_ =	sdelay $0x1  }
0x11: {  	s20 =	simm.s32 $_scs_section_size  }
0x12: {  	s4 =	simm.s32 $_size__tile_overlayer_lowered;
	s5 =	simm.s32 $_tile_overlayer_lowered  }
0x13: {  	s23 =	simm.s32 $0x1BFF;
	s22 =	sshll.u32 s5, $0x1;
	s1 =	sadd.s32 s20, s19  }
0x14: {  	s6 =	simm.s32 $0x0;
	s21 =	sshll.u32 s4, $0x1;
	s4 =	sadd.s32 s22, s1  }
0x15: {  	[timem:s6], [sflag:s23] =	dma.local [hbm:s4], s21  }
0x16: {  	_ =	swait.ge [sflag:s23], s21  }
0x17: {  	s2 =	ssub.s32 $0x0, s21;
	[sflag:s23] =	ssyncset.done $0x0  }
0x18: {  	[sflag:s23] =	ssyncadd.s32 s2;
	_ =	sdelay $0x1  }
0x19: {  	s24 =	simm.s32 $0x1B8B  }
0x1a: {  	_ =	swait.ge [sflag:s24], $0x1  }
0x1b: {  	[sflag:s24] =	ssyncset.done $0x0  }
0x1c: {  	s26 =	simm.s32 $0x1B8E;
	s25 =	sld [smem:$0x3FFE];
	[sflag:s24] =	ssyncadd.s32 $0xFFFFFFFF  }
0x1d: {  	s27 =	simm.s32 $execute0_lowered;
	[smem:$0x3FD2] =	sst s26  }
0x1e: {  	s4 =	sshll.u32 s27, $0x1;
	_ =	strace $0x80000049;
	[dreg:$0x1] =	wrdreg $0xFFFFFFFF  }
0x1f: {  	s28 =	simm.s32 $_size_execute0_lowered;
	s1 =	sadd.s32 s1, s4;
	[dreg:$0x0] =	wrdreg $0x0  }
0x20: {  	s4 =	sshll.u32 s28, $0x1;
	[dreg:$0x2] =	wrdreg s1  }
0x21: {  	[dreg:$0x3] =	wrdreg s4  }
0x22: {  	[dreg:$0x4] =	wrdreg $0xC0  }
0x23: {  	_ =	task [dreg:s6], $0x5FFFF  }
0x24: {  	[dreg:$0x1] =	wrdreg $0xFFFFFFFF  }
0x25: {  	[dreg:$0x0] =	wrdreg $0x60  }
0x26: {  	[dreg:$0x2] =	wrdreg s25  }
0x27: {  	[dreg:$0x3] =	wrdreg $0x9  }
0x28: {  	_ =	task.clear_ibuf [dreg:s6], $0x4FFFF;
	_ =	strace $0x90000049  }
0x29: {  	s29 =	simm.s32 $0x9;
	_ =	strace $0x8000004B  }
0x2a: {  	_ =	swait.ge [sflag:s29], $0x1  }
0x2b: {  	[sflag:s29] =	ssyncadd.s32 $0xFFFFFFFF  }
0x2c: {  	_ =	strace $0x9000004B  }
0x2d: {  	_ =	sfence  }
0x2e: {  	s30 =	sld [smem:$0x0];
	_ =	sdelay $0x2  }
0x2f: {  	s31 =	sshll.u32 s3, $0xD;
	s3 =	sshrl.u32 s3, $0x2  }
0x30: {  	s2 =	sand.u32 $0x4000, s31;
	s1 =	sadd.s32 s3, s30  }
0x31: {  	s0 =	sor.u32 s2, s0;
	s1 =	sshll.u32 s1, $0x11  }
0x32: {  	s0 =	sor.u32 s1, s0  }
0x33: {  	s0 =	sadd.s32 $0x8F2B, s0  }
0x34: {  	[sflag:s0] =	ssyncadd.remote.s32 $0x1  }
0x35: {  	_ =	sfence.sel $0xFFFF  }
0x36: {  	[dreg:$0x0] =	wrdreg $0xFFFFFFFF;
	(pc) =	sbr.abs _section_cstart, $3  }
0x37: {  	[dreg:$0x1] =	wrdreg $0xFFFFFFFF  }
0x38: {  	_ =	task.clear_ibuf [dreg:s6], $0x2FFFF;
	_ =	strace $0x9FFFFFFF  }
0x39: {  	(tm) =	ssettm $0x7FFFFFFF  }
tec
execute0_lowered:
.L_overlay_start_1:
0x0: {  	(tag) =	ssettag $0x1  }
0x1: {  	s0 =	stileid.u32;
	s1 =	srdreg.scid  }
0x2: {  	s7 =	rddreg [dreg:$0x0];
	s31 =	simm.s32 $0x2;
	s14 =	simm.s32 $0x0  }
0x3: {  	s13 =	simm.s32 $0x0;
	s12 =	simm.s32 $0x0;
	s2 =	sshll.u32 s0, $0x7  }
0x4: {  	s3 =	sshll.u32 s0, $0x4;
	s1 =	sshll.u32 s1, $0x8;
	s2 =	sand.u32 $0x380, s2  }
0x5: {  	s3 =	sor.u32 s3, s1;
	s1 =	rddreg [dreg:$0x1];
	_ =	strace $0x8000004A  }
0x6: {  	s3 =	sand.u32 $0x180, s3;
	s4 =	ssub.s32 $0x400, s2;
	s11 =	smov.u32 s2  }
0x7: {  	s5 =	sand.u32 $0x380, s4;
	s6 =	ssub.s32 $0x3000, s3;
	s9 =	sshrl.u32 s4, $0xA  }
0x8: {  	p0 =	sne.s32 s5, $0x0;
	s5 =	simm.s32 $0x1;
	s8 =	sand.u32 $0x180, s6  }
0x9: {  	s5 =	simm.s32 @!p0 $0x0;
	p0 =	sne.s32 s8, $0x0;
	s8 =	simm.s32 $0x1  }
.Ltmp0:
0xa: {  	s6 =	sshrl.u32 s6, $0x9;
	s8 =	simm.s32 @!p0 $0x0;
	(pc) =	sbr.rel .LBB1_1-.Ltmp0, $4  }
0xb: {  	s4 =	simm.s32 $0x1;
	s5 =	sadd.s32 s5, s9;
	s6 =	sadd.s32 s8, s6  }
0xc: {  	s10 =	smov.u32 s3;
	[sflag:s4] =	ssyncpa.u1 $0x0;
	s5 =	smul.u32 s5, s6  }
0xd: {  	[sflag:s31] =	ssyncpa.u1 $0x0;
	p0 =	por $0x0, $0x0;
	s9 =	simm.s32 $0x2000  }
0xe: {  	s6 =	sadd.s32 $0x294200, s7;
	s7 =	sadd.s32 $0x114200, s7;
	s8 =	sadd.s32 $0x1, s5  }
.LBB1_4:
0xf: {  	v5 =	vld [tilespmem:s18+$0xFFFFFFD0];
	[tilespmem:s17+$0x2040 ss:$0x81] =	vst.msk $0xffff, v4;
	s20 =	sshll.u32 s14, $0xA;
	s21 =	sshll.u32 s13, $0x3  }
0x10: {  	v58 =	vld [tilespmem:s18+$0xFFFFFFE0];
	[tilespmem:s17+$0x2850 ss:$0x81] =	vst.msk $0xffff, v3;
	s20 =	sand.u32 $0xFFFFE000, s20;
	s21 =	sand.u32 $0xFFFFFC00, s21  }
0x11: {  	s19 =	sshra.s32 s19, $0x2;
	v59 =	vld [tilespmem:s18+$0xFFFFFFF0];
	[tilespmem:s17+$0x3060 ss:$0x81] =	vst.msk $0xffff, v2;
	s20 =	sadd.s32 s21, s20  }
0x12: {  	v60 =	vld [tilespmem:s18+$0x0];
	[tilespmem:s17+$0x0 ss:$0x81] =	vst.msk $0xffff, v0;
	s16 =	sadd.s32 s19, s16;
	s26 =	sshrl.u32 s20, $0xA  }
0x13: {  	v61 =	vld [tilespmem:s18+$0x10];
	[tilespmem:s16+$0x3870 ss:$0x81] =	vst.msk $0xffff, v1;
	s27 =	smulhi.u32 $0x2AAAAB, s26  }
0x14: {  	v62 =	vld [tilespmem:s18+$0x20];
	[tilespmem:s16+$0x810 ss:$0x81] =	vst.msk $0xffff, v5  }
0x15: {  	v63 =	vld [tilespmem:s18+$0xFFFFFFC0];
	s28 =	sshll.u32 s14, $0x7;
	[tilespmem:s16+$0x1020 ss:$0x81] =	vst.msk $0xffff, v58;
	s29 =	sshrl.u32 s27, $0x3  }
0x16: {  	s30 =	sand.u32 $0x78, s13;
	s14 =	sand.u32 $0x380, s28;
	[tilespmem:s16+$0x1830 ss:$0x81] =	vst.msk $0xffff, v59;
	s18 =	smul.u32 $0x3000, s29  }
0x17: {  	s14 =	sor.u32 s30, s14;
	[tilespmem:s16+$0x2040 ss:$0x81] =	vst.msk $0xffff, v60  }
0x18: {  	s31 =	sand.u32 $0x7, s13;
	s14 =	sshrl.u32 s14, $0x3;
	[tilespmem:s16+$0x2850 ss:$0x81] =	vst.msk $0xffff, v61;
	s17 =	ssub.s32 s26, s18  }
0x19: {  	s13 =	sshll.u32 s31, $0x12;
	s14 =	sadd.s32 s7, s14;
	[tilespmem:s16+$0x3060 ss:$0x81] =	vst.msk $0xffff, v62;
	s17 =	sshll.u32 s17, $0x7  }
0x1a: {  	s13 =	sor.u32 $0x400, s13;
	[tilespmem:s16+$0x0 ss:$0x81] =	vst.msk $0xffff, v63;
	s14 =	sadd.s32 s17, s14  }
0x1b: {  	[hbm4b:s14+s13] =	stream.strided.scatter [tilespmem:s15], [sflag:$0x2], $0x4000, s9, s13, $0x20;
	[tilespmem:$0x10100] =	vst v63  }
.LBB1_5:
0x1c: {  	s15 =	sadd.s32 $0x200, s10  }
0x1d: {  	s13 =	sadd.s32 $0x400, s11;
	s17 =	smov.u32 s11;
	p2 =	sgt.s32 s15, $0x2FFF  }
0x1e: {  	s17 =	smov.u32 @p2 s13  }
0x1f: {  	s15 =	smov.u32 @p2 s3;
	p2 =	sgt.s32 s17, $0x3FF  }
0x20: {  	s17 =	smov.u32 @p2 s2;
	p2 =	sne.s32 s12, s8  }
.Ltmp1:
0x21: {  	p1 =	slt.u32 s12, $0x2;
	(pc) =	sbr.rel @!p2 .LBB1_6-.Ltmp1, $4  }
0x22: {  	s16 =	simm.s32 @!p1 $0x2  }
0x23: {  	s14 =	smov.u32 s10;
	p0 =	por !p0, !p0;
	_ =	swait.ge @!p1 [sflag:s16], $0x4000  }
0x24: {  	s13 =	smov.u32 s11;
	[sflag:s16] =	ssyncset.done @!p1 $0x0;
	s10 =	smov.u32 s15  }
0x25: {  	s12 =	sadd.s32 $0x1, s12;
	[sflag:s16] =	ssyncadd.s32 @!p1 $0xFFFFC000;
	s11 =	smov.u32 s17  }
.LBB1_1:
0x26: {  	p1 =	sge.u32 s12, s5  }
0x27: {  	s15 =	sshrl.u32 @!p1 s11, $0x3  }
0x28: {  	s16 =	sshll.u32 @!p1 s10, $0x3;
	s17 =	sshll.u32 @!p1 s11, $0x7;
	s15 =	smul.u32 @!p1 $0x18000, s15  }
0x29: {  	s18 =	sand.u32 @!p1 $0x7F, s10;
	s16 =	sand.u32 @!p1 $0xFFFFFC00, s16;
	s17 =	sand.u32 @!p1 $0x380, s17  }
0x2a: {  	s15 =	sadd.s32 @!p1 s15, s16;
	s16 =	sor.u32 @!p1 s18, s17  }
0x2b: {  	s16 =	sor.u32 @!p1 s15, s16  }
0x2c: {  	s17 =	smulhi.u32 @!p1 $0xAAAAAAAB, s16;
	_ =	sdelay $0x1  }
0x2d: {  	s15 =	smulhi.u32 @!p1 $0xAAAAAAAB, s15;
	s17 =	sshrl.u32 @!p1 s17, $0xD  }
0x2e: {  	s17 =	smul.u32 @!p1 $0x3000, s17  }
0x2f: {  	s31 =	sadd.s32 $0xFFFFFFFF, s12;
	s18 =	sxor.u32 @!p1 $0xFFFFFFFF, s12;
	s15 =	sshrl.u32 @!p1 s15, $0xD  }
0x30: {  	s18 =	sshll.u32 @!p1 s18, $0xE;
	s15 =	sand.u32 @!p1 $0x3FF, s15;
	s16 =	ssub.s32 @!p1 s16, s17  }
0x31: {  	s15 =	smul.u32 @!p1 $0x600, s15;
	s17 =	sshrl.u32 @!p1 s16, $0x3;
	s16 =	sand.u32 @!p1 $0x7, s16  }
0x32: {  	s18 =	sand.u32 @!p1 $0x4000, s18;
	s17 =	sadd.s32 @!p1 s6, s17;
	s16 =	sshll.u32 @!p1 s16, $0x12  }
0x33: {  	s15 =	sadd.s32 @!p1 s15, s17;
	s16 =	sor.u32 @!p1 $0x400, s16;
	s17 =	simm.s32 @!p1 $0x18000  }
0x34: {  	[tilespmem:s18], [sflag:$0x1] =	stream.strided.gather @!p1 [hbm4b:s15+s16], $0x4000, s17, s16, $0x38;
	[tilespmem:$0x10100] =	vst v63  }
0x35: {  	p1 =	sge.u32 s31, s5  }
.Ltmp2:
0x36: {  	_ = 	snop;
	(pc) =	sbr.rel @p1 .LBB1_5-.Ltmp2, $1  }
0x37: {  	_ =	sdelay $0x3  }
0x38: {  	s15 =	simm.s32 $0x1  }
0x39: {  	_ =	swait.ge [sflag:s4], $0x4000;
	s15 =	simm.s32 @!p0 $0x0  }
0x3a: {  	[sflag:s4] =	ssyncset.done $0x0;
	s16 =	sshll.u32 s15, $0xE  }
0x3b: {  	[sflag:s4] =	ssyncadd.s32 $0xFFFFC000;
	s18 =	sor.u32 $0x40, s16  }
0x3c: {  	s15 =	smul.u32 $0x10200, s15;
	v0 =	vld [tilespmem:s18+$0x30]  }
0x3d: {  	v1 =	vld [tilespmem:s18+$0xFFFFFFD0]  }
0x3e: {  	s15 =	sshrl.u32 s15, $0x2;
	v5 =	vld [tilespmem:s18+$0xFFFFFFE0]  }
0x3f: {  	v6 =	vld [tilespmem:s18+$0xFFFFFFF0];
	s16 =	sor.u32 $0x8000, s15  }
0x40: {  	s31 =	sand.u32 $0x1, s12;
	v4 =	vld [tilespmem:s18+$0x0];
	s17 =	sadd.s32 $0x0, s16  }
0x41: {  	v3 =	vld [tilespmem:s18+$0x10];
	s15 =	smul.u32 $0x10200, s31;
	[tilespmem:s17+$0x3870 ss:$0x81] =	vst.msk $0xffff, v0  }
0x42: {  	v2 =	vld [tilespmem:s18+$0x20];
	[tilespmem:s17+$0x810 ss:$0x81] =	vst.msk $0xffff, v1  }
0x43: {  	s15 =	sshrl.u32 s15, $0x2;
	v0 =	vld [tilespmem:s18+$0xFFFFFFC0];
	[tilespmem:s17+$0x1020 ss:$0x81] =	vst.msk $0xffff, v5;
	s18 =	sadd.s32 $0x80, s18  }
0x44: {  	s19 =	simm.s32 $0x4;
	s20 =	simm.s32 $0x8;
	s15 =	sor.u32 $0x8000, s15;
	[tilespmem:s17+$0x1830 ss:$0x81] =	vst.msk $0xffff, v6;
	v1 =	vld [tilespmem:s18+$0x30]  }
.LBB1_3:
0x45: {  	p1 =	sne.s32 s20, $0x1FC;
	v5 =	vld [tilespmem:s18+$0xFFFFFFD0];
	[tilespmem:s17+$0x2040 ss:$0x81] =	vst.msk $0xffff, v4  }
0x46: {  	v6 =	vld [tilespmem:s18+$0xFFFFFFE0];
	[tilespmem:s17+$0x2850 ss:$0x81] =	vst.msk $0xffff, v3  }
0x47: {  	s21 =	sshra.s32 s19, $0x2;
	s19 =	smov.u32 s20;
	v7 =	vld [tilespmem:s18+$0xFFFFFFF0];
	[tilespmem:s17+$0x3060 ss:$0x81] =	vst.msk $0xffff, v2  }
.Ltmp3:
0x48: {  	v4 =	vld [tilespmem:s18+$0x0];
	[tilespmem:s17+$0x0 ss:$0x81] =	vst.msk $0xffff, v0;
	s17 =	sadd.s32 s21, s16;
	(pc) =	sbr.rel @p1 .LBB1_3-.Ltmp3, $4  }
0x49: {  	v3 =	vld [tilespmem:s18+$0x10];
	[tilespmem:s17+$0x3870 ss:$0x81] =	vst.msk $0xffff, v1  }
0x4a: {  	[tilespmem:s17+$0x810 ss:$0x81] =	vst.msk $0xffff, v5;
	v2 =	vld [tilespmem:s18+$0x20]  }
0x4b: {  	v0 =	vld [tilespmem:s18+$0xFFFFFFC0];
	[tilespmem:s17+$0x1020 ss:$0x81] =	vst.msk $0xffff, v6;
	s18 =	sadd.s32 $0x80, s18  }
0x4c: {  	s20 =	sadd.s32 $0x4, s20;
	v1 =	vld [tilespmem:s18+$0x30];
	[tilespmem:s17+$0x1830 ss:$0x81] =	vst.msk $0xffff, v7  }
.Ltmp4:
0x4d: {  	_ = 	snop;
	(pc) =	sbr.rel .LBB1_4-.Ltmp4, $1  }
0x4e: {  	_ =	sdelay $0x3  }
.LBB1_6:
0x4f: {  	_ =	sfence.sel $0x180000  }
0x50: {  	s2 =	simm.s32 $0x1;
	[bflag:$0x0] =	sbarrier.arrive $0xFFFF  }
0x51: {  	s31 =	simm.s32 $0x2;
	[sflag:s2] =	ssyncpa.u1 $0x1  }
0x52: {  	[sflag:s31] =	ssyncpa.u1 $0x1  }
0x53: {  	p0 =	sne.s32 s0, $0x0;
	_ =	strace $0x9000004A  }
0x54: {  	s0 =	sadd.s32 @!p0 $0x100000, s1;
	[bflag:$0x2] =	sbarrier.arrive $0xFFFF  }
0x55: {  	[sflag:s0] =	ssyncadd.tile.s32 @!p0 $0x1;
	_ =	shalt  }
.Lfunc_end1:
_tile_overlayer_lowered:
.L_overlay_start_2:
0x56: {  	(tag) =	ssettag $0x2  }
0x57: {  	s0 =	rddreg [dreg:$0x0];
	s2 =	stileid.u32  }
0x58: {  	s1 =	rddreg [dreg:$0x1];
	p0 =	sne.s32 s2, $0x0  }
0x59: {  	s3 =	rddreg [dreg:$0x2];
	[bflag:$0x3] =	sbarrier.arrive $0xFFFF;
	s2 =	simm.s32 @!p0 $0x1C01  }
0x5a: {  	[timem:s3], [sflag:s2] =	dma.local @!p0 [hbm:s0], s1  }
0x5b: {  	s0 =	simm.s32 @!p0 $0x1  }
0x5c: {  	_ =	swait.ge @!p0 [sflag:s0], s1  }
0x5d: {  	s1 =	ssub.s32 @!p0 $0x0, s1;
	[sflag:s0] =	ssyncset.done @!p0 $0x0  }
0x5e: {  	[sflag:s0] =	ssyncadd.s32 @!p0 s1  }
0x5f: {  	[bflag:$0x3] =	sbarrier.arrive $0xFFFF  }
0x60: {  	_ =	shalt  }

</sc_bundles>
